<compile_context>
chip_gen: v7x
topology: tpu7x:2x2x1
jax: 0.10.2.dev20260603
libtpu: 0.0.44.dev20260713+nightly
codegen_flags: <defaults>
</compile_context>

<pallas_src>
import functools

import jax
import jax.numpy as jnp
from jax import lax
from jax.experimental import pallas as pl
from jax.experimental.pallas import tpu as pltpu
from jax.experimental.pallas import tpu_sc as plsc

NC, NS, L = 2, 16, 16
B, N, C, K = 16, 8192, 512, 32
CH = C // 2
BUF = 96

BIG = 1 << 30
NEG_INF = float("-inf")
POS_INF = float("inf")

_mesh = plsc.VectorSubcoreMesh(
    core_axis_name="c", subcore_axis_name="s", num_cores=NC, num_subcores=NS
)


def _argmax_resolve(bv, biv):
    mx = jnp.max(bv)
    idxf = jnp.where(bv == mx, biv.astype(jnp.float32), float(BIG))
    return jnp.min(idxf).astype(jnp.int32)


def _my_length(lens_v, b):
    lanes = lax.iota(jnp.int32, L)
    lenf = jnp.where(lanes == b, lens_v[...].astype(jnp.float32), 0.0)
    return jnp.max(lenf).astype(jnp.int32)


def _splat(v):
    return jnp.full((L,), v, jnp.int32)


def _fps_body(pts_hbm, lens_hbm, cen_hbm, px, py, pz, mind, lens_v, idx_v,
              cenx_v, ceny_v, cenz_v):
    cc = lax.axis_index("c")
    ss = lax.axis_index("s")
    wid = ss * NC + cc

    @pl.when(wid < B)
    def _():
        b = wid
        pltpu.sync_copy(pts_hbm.at[pl.ds((b * 3 + 0) * N, N)], px)
        pltpu.sync_copy(pts_hbm.at[pl.ds((b * 3 + 1) * N, N)], py)
        pltpu.sync_copy(pts_hbm.at[pl.ds((b * 3 + 2) * N, N)], pz)
        pltpu.sync_copy(lens_hbm, lens_v)
        lanes = lax.iota(jnp.int32, L)
        lane0 = lanes == 0
        length = _my_length(lens_v, b)
        nv = (length + jnp.int32(L - 1)) // jnp.int32(L)

        bv0 = jnp.full((L,), NEG_INF, jnp.float32)
        biv0 = jnp.zeros((L,), jnp.int32)

        zero = jnp.min(lanes.astype(jnp.float32)).astype(jnp.int32)
        zidx = _splat(zero)
        plsc.store_scatter(idx_v, [zidx], zidx, mask=lane0)

        x0 = plsc.load_gather(px, [zidx])
        y0 = plsc.load_gather(py, [zidx])
        z0 = plsc.load_gather(pz, [zidx])

        def init_i(i, carry):
            bv, biv = carry
            sl = pl.ds(i * L, L)
            dx = px[sl] - x0
            dy = py[sl] - y0
            dz = pz[sl] - z0
            d = dx * dx + dy * dy
            d = d + dz * dz
            mind[sl] = d
            gidx = i * L + lanes
            cand = jnp.where(gidx < length, d, NEG_INF)
            upd = cand > bv
            return jnp.where(upd, cand, bv), jnp.where(upd, gidx, biv)

        bv, biv = lax.fori_loop(0, nv, init_i, (bv0, biv0))
        pick = _argmax_resolve(bv, biv)
        plsc.store_scatter(idx_v, [zidx + 1], _splat(pick), mask=lane0)

        def step(k, pick_prev):
            pv = _splat(pick_prev)
            lx = plsc.load_gather(px, [pv])
            ly = plsc.load_gather(py, [pv])
            lz = plsc.load_gather(pz, [pv])

            def upd_i(i, carry):
                bv, biv = carry
                sl = pl.ds(i * L, L)
                dx = px[sl] - lx
                dy = py[sl] - ly
                dz = pz[sl] - lz
                d = dx * dx + dy * dy
                d = d + dz * dz
                m2 = jnp.minimum(mind[sl], d)
                mind[sl] = m2
                gidx = i * L + lanes
                cand = jnp.where(gidx < length, m2, NEG_INF)
                upd = cand > bv
                return jnp.where(upd, cand, bv), jnp.where(upd, gidx, biv)

            bv, biv = lax.fori_loop(0, nv, upd_i, (bv0, biv0))
            pick_k = _argmax_resolve(bv, biv)
            plsc.store_scatter(idx_v, [_splat(k)], _splat(pick_k), mask=lane0)
            return pick_k

        lax.fori_loop(2, C, step, pick)

        for j in range(C // L):
            sl = pl.ds(j * L, L)
            iv = idx_v[sl]
            cenx_v[sl] = plsc.load_gather(px, [iv])
            ceny_v[sl] = plsc.load_gather(py, [iv])
            cenz_v[sl] = plsc.load_gather(pz, [iv])
        pltpu.sync_copy(cenx_v, cen_hbm.at[pl.ds((b * 3 + 0) * C, C)])
        pltpu.sync_copy(ceny_v, cen_hbm.at[pl.ds((b * 3 + 1) * C, C)])
        pltpu.sync_copy(cenz_v, cen_hbm.at[pl.ds((b * 3 + 2) * C, C)])


def _merge16(ad, ai, bd, bi):
    brd = lax.rev(bd, (0,))
    bri = lax.rev(bi, (0,))
    sel = ad <= brd
    lod = jnp.where(sel, ad, brd)
    loi = jnp.where(sel, ai, bri)
    hid = jnp.where(sel, brd, ad)
    hii = jnp.where(sel, bri, ai)
    lod, loi = plsc.sort_key_val(lod, loi)
    hid, hii = plsc.sort_key_val(hid, hii)
    return (lod, loi), (hid, hii)


def _merge32_low(x, y):
    (x0d, x0i), (x1d, x1i) = x
    (y0d, y0i), (y1d, y1i) = y
    yr0d = lax.rev(y1d, (0,))
    yr0i = lax.rev(y1i, (0,))
    yr1d = lax.rev(y0d, (0,))
    yr1i = lax.rev(y0i, (0,))
    s0 = x0d <= yr0d
    p0d = jnp.where(s0, x0d, yr0d)
    p0i = jnp.where(s0, x0i, yr0i)
    s1 = x1d <= yr1d
    p1d = jnp.where(s1, x1d, yr1d)
    p1i = jnp.where(s1, x1i, yr1i)
    s2 = p0d <= p1d
    b0d = jnp.where(s2, p0d, p1d)
    b0i = jnp.where(s2, p0i, p1i)
    b1d = jnp.where(s2, p1d, p0d)
    b1i = jnp.where(s2, p1i, p0i)
    b0d, b0i = plsc.sort_key_val(b0d, b0i)
    b1d, b1i = plsc.sort_key_val(b1d, b1i)
    return (b0d, b0i), (b1d, b1i)


def _consolidate(bufd, bufi):
    vs = []
    for j in range(BUF // L):
        dj = bufd[pl.ds(j * L, L)]
        ij = bufi[pl.ds(j * L, L)]
        vs.append(plsc.sort_key_val(dj, ij))
    s01 = _merge16(vs[0][0], vs[0][1], vs[1][0], vs[1][1])
    s23 = _merge16(vs[2][0], vs[2][1], vs[3][0], vs[3][1])
    s45 = _merge16(vs[4][0], vs[4][1], vs[5][0], vs[5][1])
    m = _merge32_low(s01, s23)
    m = _merge32_low(m, s45)
    (l0d, l0i), (l1d, l1i) = m
    bufd[pl.ds(0, L)] = l0d
    bufi[pl.ds(0, L)] = l0i
    bufd[pl.ds(L, L)] = l1d
    bufi[pl.ds(L, L)] = l1i
    padd = jnp.full((L,), POS_INF, jnp.float32)
    padi = jnp.full((L,), BIG, jnp.int32)
    for j in range(2, BUF // L):
        bufd[pl.ds(j * L, L)] = padd
        bufi[pl.ds(j * L, L)] = padi
    return jnp.max(l1d)


def _knn_body(pts_hbm, cen_hbm, lens_hbm, grp_hbm,
              px, py, pz, cenx, ceny, cenz, bufd, bufi, lens_v,
              gx_v, gy_v, gz_v):
    cc = lax.axis_index("c")
    ss = lax.axis_index("s")
    wid = ss * NC + cc
    b = wid // 2
    h = wid % 2

    pltpu.sync_copy(pts_hbm.at[pl.ds((b * 3 + 0) * N, N)], px)
    pltpu.sync_copy(pts_hbm.at[pl.ds((b * 3 + 1) * N, N)], py)
    pltpu.sync_copy(pts_hbm.at[pl.ds((b * 3 + 2) * N, N)], pz)
    pltpu.sync_copy(cen_hbm.at[pl.ds((b * 3 + 0) * C + h * CH, CH)], cenx)
    pltpu.sync_copy(cen_hbm.at[pl.ds((b * 3 + 1) * C + h * CH, CH)], ceny)
    pltpu.sync_copy(cen_hbm.at[pl.ds((b * 3 + 2) * C + h * CH, CH)], cenz)
    pltpu.sync_copy(lens_hbm, lens_v)
    lanes = lax.iota(jnp.int32, L)
    length = _my_length(lens_v, b)
    nv = (length + jnp.int32(L - 1)) // jnp.int32(L)

    padd = jnp.full((L,), POS_INF, jnp.float32)
    padi = jnp.full((L,), BIG, jnp.int32)

    def per_center(ci, _):
        civ = _splat(ci)
        cx = plsc.load_gather(cenx, [civ])
        cy = plsc.load_gather(ceny, [civ])
        cz = plsc.load_gather(cenz, [civ])
        for j in range(BUF // L):
            bufd[pl.ds(j * L, L)] = padd
            bufi[pl.ds(j * L, L)] = padi

        def scan_i(i, carry):
            cnt, t = carry
            sl = pl.ds(i * L, L)
            dx = px[sl] - cx
            dy = py[sl] - cy
            dz = pz[sl] - cz
            d = dx * dx + dy * dy
            d = d + dz * dz
            gidx = i * L + lanes
            m = (d < t) & (gidx < length)
            anyhit = jnp.any(m)

            def dohit(cnt, t):
                cum = plsc.cumsum(m.astype(jnp.int32))
                pos = cnt + cum - 1
                plsc.store_scatter(bufd, [pos], d, mask=m)
                plsc.store_scatter(bufi, [pos], gidx, mask=m)
                cnt2 = cnt + jnp.max(cum.astype(jnp.float32)).astype(jnp.int32)

                def consol(_):
                    t2 = _consolidate(bufd, bufi)
                    return jnp.int32(K), t2

                return lax.cond(cnt2 > jnp.int32(BUF - 2 * L), consol,
                                lambda _: (cnt2, t), 0)

            return lax.cond(anyhit, dohit, lambda cnt, t: (cnt, t), cnt, t)

        lax.fori_loop(0, nv, scan_i, (jnp.int32(0), jnp.float32(POS_INF)))
        _consolidate(bufd, bufi)

        for j in range(K // L):
            iv = bufi[pl.ds(j * L, L)]
            vx = plsc.load_gather(px, [iv]) - cx
            vy = plsc.load_gather(py, [iv]) - cy
            vz = plsc.load_gather(pz, [iv]) - cz
            gx_v[pl.ds(ci * K + j * L, L)] = vx
            gy_v[pl.ds(ci * K + j * L, L)] = vy
            gz_v[pl.ds(ci * K + j * L, L)] = vz
        return 0

    lax.fori_loop(0, CH, per_center, 0)
    pltpu.sync_copy(gx_v, grp_hbm.at[pl.ds((b * 3 + 0) * C * K + h * CH * K, CH * K)])
    pltpu.sync_copy(gy_v, grp_hbm.at[pl.ds((b * 3 + 1) * C * K + h * CH * K, CH * K)])
    pltpu.sync_copy(gz_v, grp_hbm.at[pl.ds((b * 3 + 2) * C * K + h * CH * K, CH * K)])


@jax.jit
def kernel(points, lengths):
    pts_t = points.transpose(0, 2, 1).reshape(B * 3 * N)
    lengths = lengths.astype(jnp.int32)

    fps = pl.kernel(
        _fps_body,
        out_type=jax.ShapeDtypeStruct((B * 3 * C,), jnp.float32),
        mesh=_mesh,
        compiler_params=pltpu.CompilerParams(needs_layout_passes=False),
        scratch_types=[
            pltpu.VMEM((N,), jnp.float32),
            pltpu.VMEM((N,), jnp.float32),
            pltpu.VMEM((N,), jnp.float32),
            pltpu.VMEM((N,), jnp.float32),
            pltpu.VMEM((L,), jnp.int32),
            pltpu.VMEM((C,), jnp.int32),
            pltpu.VMEM((C,), jnp.float32),
            pltpu.VMEM((C,), jnp.float32),
            pltpu.VMEM((C,), jnp.float32),
        ],
    )
    cen_t = fps(pts_t, lengths)

    knn = pl.kernel(
        _knn_body,
        out_type=jax.ShapeDtypeStruct((B * 3 * C * K,), jnp.float32),
        mesh=_mesh,
        compiler_params=pltpu.CompilerParams(needs_layout_passes=False),
        scratch_types=[
            pltpu.VMEM((N,), jnp.float32),
            pltpu.VMEM((N,), jnp.float32),
            pltpu.VMEM((N,), jnp.float32),
            pltpu.VMEM((CH,), jnp.float32),
            pltpu.VMEM((CH,), jnp.float32),
            pltpu.VMEM((CH,), jnp.float32),
            pltpu.VMEM((BUF,), jnp.float32),
            pltpu.VMEM((BUF,), jnp.int32),
            pltpu.VMEM((L,), jnp.int32),
            pltpu.VMEM((CH * K,), jnp.float32),
            pltpu.VMEM((CH * K,), jnp.float32),
            pltpu.VMEM((CH * K,), jnp.float32),
        ],
    )
    grp_t = knn(pts_t, cen_t, lengths)

    centers = cen_t.reshape(B, 3, C).transpose(0, 2, 1)
    groups = grp_t.reshape(B, 3, C, K).transpose(0, 2, 3, 1)
    return groups, centers

# --- scband reference (transcript-rebuilt; emitter-appended) ---
"""Pipeline reference for scband-group-12738873000654 (READ-ONLY COPY).

The authoritative reference and input builder live on the scoring server;
editing this copy changes nothing except your own understanding.
"""

import jax, jax.numpy as jnp
import numpy as np

NUM_CENTERS = 512
NUM_NEIGHBORS = 32


def setup_inputs(seed: int = 0) -> dict:
    key = jax.random.key(seed)
    k1, k2 = jax.random.split(key)
    B, N = 16, 8192
    points = jax.random.normal(k1, (B, N, 3), dtype=jnp.float32)
    # lengths in [N//2, N] so every cloud has >= num_centers valid points
    lengths = jax.random.randint(k2, (B,), N // 2, N + 1)
    return {"points": points, "lengths": lengths}


def _fps(points, lengths, K):
    # farthest point sampling, deterministic start at index 0 (pytorch3d default)
    B, N, _ = points.shape

    def per_cloud(pts, length):
        valid = jnp.arange(N) < length

        def body(k, carry):
            idxs, mind = carry
            last = pts[idxs[k - 1]]
            d = jnp.sum((pts - last) ** 2, axis=-1)
            mind = jnp.minimum(mind, d)
            cand = jnp.where(valid, mind, -jnp.inf)
            idxs = idxs.at[k].set(jnp.argmax(cand).astype(jnp.int32))
            return (idxs, mind)

        idxs0 = jnp.zeros((K,), dtype=jnp.int32)
        mind0 = jnp.full((N,), jnp.inf, dtype=pts.dtype)
        idxs, _ = jax.lax.fori_loop(1, K, body, (idxs0, mind0))
        return idxs

    return jax.vmap(per_cloud)(points, lengths)


def _knn_idx(centers, points, lengths, K):
    # squared-distance KNN with length masking (knn_points semantics)
    N = points.shape[1]
    d = jnp.sum((centers[:, :, None, :] - points[:, None, :, :]) ** 2, axis=-1)
    mask = jnp.arange(N)[None, None, :] < lengths[:, None, None]
    d = jnp.where(mask, d, jnp.inf)
    _, idx = jax.lax.top_k(-d, K)
    return idx


def reference(points, lengths):
    idxs = _fps(points, lengths, NUM_CENTERS)  # (B, C)
    centers = jnp.take_along_axis(points, idxs[..., None], axis=1)  # (B, C, 3)
    idx = _knn_idx(centers, points, lengths, NUM_NEIGHBORS)  # (B, C, K)
    groups = jnp.take_along_axis(points[:, None, :, :], idx[..., None], axis=2)  # (B, C, K, 3)
    groups = groups - centers[:, :, None, :]
    # normalize_group_distances=False -> no normalization
    return (groups, centers)

if __name__ == "__main__":
    import jax
    _d = setup_inputs()
    print(jax.jit(kernel)(*tuple(_d.values())))

</pallas_src>

<mosaic_0001>
#map = affine_map<(d0, d1) -> (0)>
module attributes {stable_mosaic.version = 14 : i64} {
  func.func @_fps_body(%arg0: i32, %arg1: i32, %arg2: memref<393216xf32, #tpu.memory_space<hbm>>, %arg3: memref<16xi32, #tpu.memory_space<hbm>>, %arg4: memref<24576xf32, #tpu.memory_space<hbm>>, %arg5: memref<8192xf32, #tpu.memory_space<vmem>>, %arg6: memref<8192xf32, #tpu.memory_space<vmem>>, %arg7: memref<8192xf32, #tpu.memory_space<vmem>>, %arg8: memref<8192xf32, #tpu.memory_space<vmem>>, %arg9: memref<16xi32, #tpu.memory_space<vmem>>, %arg10: memref<512xi32, #tpu.memory_space<vmem>>, %arg11: memref<512xf32, #tpu.memory_space<vmem>>, %arg12: memref<512xf32, #tpu.memory_space<vmem>>, %arg13: memref<512xf32, #tpu.memory_space<vmem>>) attributes {dimension_semantics = [#tpu.dimension_semantics<core_parallel>, #tpu.dimension_semantics<subcore_parallel>], iteration_bounds = array<i64: 2, 16>, scalar_prefetch = 0 : i64, scratch_operands = 9 : i64, tpu.core_type = #tpu.core_type<sc_vector_subcore>, window_params = [{transform_indices = #map}, {transform_indices = #map}, {transform_indices = #map}]} {
    %mul3A = arith.constant 2 : i32
    %mul3A_0 = arith.muli %arg1, %mul3A : i32
    %add3A = arith.addi %mul3A_0, %arg0 : i32
    %lt3A = arith.constant 16 : i32
    %lt3A_1 = arith.cmpi slt, %add3A, %lt3A : i32
    %convert_element_type3A = arith.extui %lt3A_1 : i1 to i32
    %cond3A = arith.constant 0 : i32
    %cond3A_2 = arith.cmpi ne, %convert_element_type3A, %cond3A : i32
    scf.if %cond3A_2 {
      %mul3A_3 = arith.constant 3 : i32
      %mul3A_4 = arith.muli %add3A, %mul3A_3 : i32
      %add3A_5 = arith.constant 0 : i32
      %add3A_6 = arith.addi %mul3A_4, %add3A_5 : i32
      %mul3A_7 = arith.constant 8192 : i32
      %mul3A_8 = arith.muli %add3A_6, %mul3A_7 : i32
      "tpu.region"() ({
        %run_scoped3A = tpu.sem_alloc : memref<!tpu.dma_semaphore, #tpu.memory_space<semaphore_mem>>
        %dma_start3A = tpu.memref_slice %arg2[%mul3A_8] : memref<393216xf32, #tpu.memory_space<hbm>> -> memref<8192xf32, #tpu.memory_space<hbm>>
        %dma_start3A_467 = tpu.memref_slice %arg2[%mul3A_8] : memref<393216xf32, #tpu.memory_space<hbm>> -> memref<8192xf32, #tpu.memory_space<hbm>>
        tpu.enqueue_dma source(%dma_start3A_467 : memref<8192xf32, #tpu.memory_space<hbm>>) target(%arg5 : memref<8192xf32, #tpu.memory_space<vmem>>) target_semaphore(%run_scoped3A : memref<!tpu.dma_semaphore, #tpu.memory_space<semaphore_mem>>)
        %dma_wait3A = tpu.memref_slice %arg2[%mul3A_8] : memref<393216xf32, #tpu.memory_space<hbm>> -> memref<8192xf32, #tpu.memory_space<hbm>>
        %dma_wait3A_468 = tpu.memref_slice %arg2[%mul3A_8] : memref<393216xf32, #tpu.memory_space<hbm>> -> memref<8192xf32, #tpu.memory_space<hbm>>
        tpu.wait_dma2 semaphore(%run_scoped3A : memref<!tpu.dma_semaphore, #tpu.memory_space<semaphore_mem>>) src(%dma_wait3A_468 : memref<8192xf32, #tpu.memory_space<hbm>>) dst(%arg5 : memref<8192xf32, #tpu.memory_space<vmem>>)
        tpu.yield
      }) : () -> ()
      %mul3A_9 = arith.constant 3 : i32
      %mul3A_10 = arith.muli %add3A, %mul3A_9 : i32
      %add3A_11 = arith.constant 1 : i32
      %add3A_12 = arith.addi %mul3A_10, %add3A_11 : i32
      %mul3A_13 = arith.constant 8192 : i32
      %mul3A_14 = arith.muli %add3A_12, %mul3A_13 : i32
      "tpu.region"() ({
        %run_scoped3A = tpu.sem_alloc : memref<!tpu.dma_semaphore, #tpu.memory_space<semaphore_mem>>
        %dma_start3A = tpu.memref_slice %arg2[%mul3A_14] : memref<393216xf32, #tpu.memory_space<hbm>> -> memref<8192xf32, #tpu.memory_space<hbm>>
        %dma_start3A_467 = tpu.memref_slice %arg2[%mul3A_14] : memref<393216xf32, #tpu.memory_space<hbm>> -> memref<8192xf32, #tpu.memory_space<hbm>>
        tpu.enqueue_dma source(%dma_start3A_467 : memref<8192xf32, #tpu.memory_space<hbm>>) target(%arg6 : memref<8192xf32, #tpu.memory_space<vmem>>) target_semaphore(%run_scoped3A : memref<!tpu.dma_semaphore, #tpu.memory_space<semaphore_mem>>)
        %dma_wait3A = tpu.memref_slice %arg2[%mul3A_14] : memref<393216xf32, #tpu.memory_space<hbm>> -> memref<8192xf32, #tpu.memory_space<hbm>>
        %dma_wait3A_468 = tpu.memref_slice %arg2[%mul3A_14] : memref<393216xf32, #tpu.memory_space<hbm>> -> memref<8192xf32, #tpu.memory_space<hbm>>
        tpu.wait_dma2 semaphore(%run_scoped3A : memref<!tpu.dma_semaphore, #tpu.memory_space<semaphore_mem>>) src(%dma_wait3A_468 : memref<8192xf32, #tpu.memory_space<hbm>>) dst(%arg6 : memref<8192xf32, #tpu.memory_space<vmem>>)
        tpu.yield
      }) : () -> ()
      %mul3A_15 = arith.constant 3 : i32
      %mul3A_16 = arith.muli %add3A, %mul3A_15 : i32
      %add3A_17 = arith.constant 2 : i32
      %add3A_18 = arith.addi %mul3A_16, %add3A_17 : i32
      %mul3A_19 = arith.constant 8192 : i32
      %mul3A_20 = arith.muli %add3A_18, %mul3A_19 : i32
      "tpu.region"() ({
        %run_scoped3A = tpu.sem_alloc : memref<!tpu.dma_semaphore, #tpu.memory_space<semaphore_mem>>
        %dma_start3A = tpu.memref_slice %arg2[%mul3A_20] : memref<393216xf32, #tpu.memory_space<hbm>> -> memref<8192xf32, #tpu.memory_space<hbm>>
        %dma_start3A_467 = tpu.memref_slice %arg2[%mul3A_20] : memref<393216xf32, #tpu.memory_space<hbm>> -> memref<8192xf32, #tpu.memory_space<hbm>>
        tpu.enqueue_dma source(%dma_start3A_467 : memref<8192xf32, #tpu.memory_space<hbm>>) target(%arg7 : memref<8192xf32, #tpu.memory_space<vmem>>) target_semaphore(%run_scoped3A : memref<!tpu.dma_semaphore, #tpu.memory_space<semaphore_mem>>)
        %dma_wait3A = tpu.memref_slice %arg2[%mul3A_20] : memref<393216xf32, #tpu.memory_space<hbm>> -> memref<8192xf32, #tpu.memory_space<hbm>>
        %dma_wait3A_468 = tpu.memref_slice %arg2[%mul3A_20] : memref<393216xf32, #tpu.memory_space<hbm>> -> memref<8192xf32, #tpu.memory_space<hbm>>
        tpu.wait_dma2 semaphore(%run_scoped3A : memref<!tpu.dma_semaphore, #tpu.memory_space<semaphore_mem>>) src(%dma_wait3A_468 : memref<8192xf32, #tpu.memory_space<hbm>>) dst(%arg7 : memref<8192xf32, #tpu.memory_space<vmem>>)
        tpu.yield
      }) : () -> ()
      "tpu.region"() ({
        %run_scoped3A = tpu.sem_alloc : memref<!tpu.dma_semaphore, #tpu.memory_space<semaphore_mem>>
        tpu.enqueue_dma source(%arg3 : memref<16xi32, #tpu.memory_space<hbm>>) target(%arg9 : memref<16xi32, #tpu.memory_space<vmem>>) target_semaphore(%run_scoped3A : memref<!tpu.dma_semaphore, #tpu.memory_space<semaphore_mem>>)
        tpu.wait_dma2 semaphore(%run_scoped3A : memref<!tpu.dma_semaphore, #tpu.memory_space<semaphore_mem>>) src(%arg3 : memref<16xi32, #tpu.memory_space<hbm>>) dst(%arg9 : memref<16xi32, #tpu.memory_space<vmem>>)
        tpu.yield
      }) : () -> ()
      %iota3A = tpu.iota {dimensions = array<i32: 0>} : vector<16xi32>
      %eq3A = arith.constant 0 : i32
      %eq3A_21 = vector.broadcast %eq3A : i32 to vector<16xi32>
      %eq3A_22 = arith.cmpi eq, %iota3A, %eq3A_21 : vector<16xi32>
      %iota3A_23 = tpu.iota {dimensions = array<i32: 0>} : vector<16xi32>
      %eq3A_24 = vector.broadcast %add3A : i32 to vector<16xi32>
      %eq3A_25 = arith.cmpi eq, %iota3A_23, %eq3A_24 : vector<16xi32>
      %get3A = arith.constant 0 : index
      %get3A_26 = tpu.vector_load %arg9[%get3A] {strides = array<i32>} : memref<16xi32, #tpu.memory_space<vmem>>, vector<16xi32>,
      %convert_element_type3A_27 = arith.sitofp %get3A_26 : vector<16xi32> to vector<16xf32>
      %jit3A = arith.constant 0.000000e+00 : f32
      %broadcast_in_dim3A = vector.broadcast %jit3A : f32 to vector<16xf32>
      %select_n3A = arith.select %eq3A_25, %convert_element_type3A_27, %broadcast_in_dim3A : vector<16xi1>, vector<16xf32>
      %reduce_max3A = arith.constant true
      %reduce_max3A_28 = vector.broadcast %reduce_max3A : i1 to vector<16xi1>
      %reduce_max3A_29 = tpu.scan <max>, %select_n3A masked %reduce_max3A_28 : vector<16xf32>, vector<16xi1> -> vector<16xf32>
      %reduce_max3A_30 = vector.extract %reduce_max3A_29[15] : f32 from vector<16xf32>
      %convert_element_type3A_31 = arith.fptosi %reduce_max3A_30 : f32 to i32
      %add3A_32 = arith.constant 15 : i32
      %add3A_33 = arith.addi %convert_element_type3A_31, %add3A_32 : i32
      %jit3A_34 = arith.constant 16 : i32
      %div3A = arith.divsi %add3A_33, %jit3A_34 : i32
      %sign3A = arith.constant 0 : i32
      %sign3A_35 = arith.cmpi sgt, %add3A_33, %sign3A : i32
      %sign3A_36 = arith.extui %sign3A_35 : i1 to i32
      %sign3A_37 = arith.constant 0 : i32
      %sign3A_38 = arith.cmpi slt, %add3A_33, %sign3A_37 : i32
      %sign3A_39 = arith.extui %sign3A_38 : i1 to i32
      %sign3A_40 = arith.subi %sign3A_36, %sign3A_39 : i32
      %sign3A_41 = arith.constant 0 : i32
      %sign3A_42 = arith.cmpi sgt, %jit3A_34, %sign3A_41 : i32
      %sign3A_43 = arith.extui %sign3A_42 : i1 to i32
      %sign3A_44 = arith.constant 0 : i32
      %sign3A_45 = arith.cmpi slt, %jit3A_34, %sign3A_44 : i32
      %sign3A_46 = arith.extui %sign3A_45 : i1 to i32
      %sign3A_47 = arith.subi %sign3A_43, %sign3A_46 : i32
      %ne3A = arith.cmpi ne, %sign3A_40, %sign3A_47 : i32
      %rem3A = arith.remsi %add3A_33, %jit3A_34 : i32
      %ne3A_48 = arith.constant 0 : i32
      %ne3A_49 = arith.cmpi ne, %rem3A, %ne3A_48 : i32
      %and3A = arith.andi %ne3A, %ne3A_49 : i1
      %sub3A = arith.constant 1 : i32
      %sub3A_50 = arith.subi %div3A, %sub3A : i32
      %select_n3A_51 = arith.select %and3A, %sub3A_50, %div3A : i32
      %broadcast_in_dim3A_52 = arith.constant 0xFF800000 : f32
      %broadcast_in_dim3A_53 = vector.broadcast %broadcast_in_dim3A_52 : f32 to vector<16xf32>
      %broadcast_in_dim3A_54 = arith.constant 0 : i32
      %broadcast_in_dim3A_55 = vector.broadcast %broadcast_in_dim3A_54 : i32 to vector<16xi32>
      %convert_element_type3A_56 = arith.sitofp %iota3A : vector<16xi32> to vector<16xf32>
      %reduce_min3A = arith.constant true
      %reduce_min3A_57 = vector.broadcast %reduce_min3A : i1 to vector<16xi1>
      %reduce_min3A_58 = tpu.scan <min>, %convert_element_type3A_56 masked %reduce_min3A_57 : vector<16xf32>, vector<16xi1> -> vector<16xf32>
      %reduce_min3A_59 = vector.extract %reduce_min3A_58[15] : f32 from vector<16xf32>
      %convert_element_type3A_60 = arith.fptosi %reduce_min3A_59 : f32 to i32
      %broadcast_in_dim3A_61 = vector.broadcast %convert_element_type3A_60 : i32 to vector<16xi32>
      tpu.vector_store_idx %arg10[%broadcast_in_dim3A_61], %broadcast_in_dim3A_61 masked %eq3A_22 : memref<512xi32, #tpu.memory_space<vmem>>[vector<16xi32>], vector<16xi32>, vector<16xi1>
      %gather3A = tpu.vector_load_idx %arg5[%broadcast_in_dim3A_61] : memref<8192xf32, #tpu.memory_space<vmem>>[vector<16xi32>], vector<16xf32>,
      %gather3A_62 = tpu.vector_load_idx %arg6[%broadcast_in_dim3A_61] : memref<8192xf32, #tpu.memory_space<vmem>>[vector<16xi32>], vector<16xf32>,
      %gather3A_63 = tpu.vector_load_idx %arg7[%broadcast_in_dim3A_61] : memref<8192xf32, #tpu.memory_space<vmem>>[vector<16xi32>], vector<16xf32>,
      %while3A = arith.constant 0 : i32
      %while3A_64 = arith.subi %select_n3A_51, %while3A : i32
      %while3A_65 = arith.addi %while3A, %while3A_64 : i32
      %while3A_66 = arith.constant 1 : i32
      %while3A_67 = arith.divsi %while3A_64, %while3A_66 : i32
      %while3A_68 = arith.muli %while3A_67, %while3A_66 : i32
      %while3A_69 = arith.addi %while3A, %while3A_68 : i32
      %while3A_70 = arith.constant 1 : i32
      %while3A_71:2 = scf.for %while3A_467 = %while3A to %while3A_69 step %while3A_70 iter_args(%while3A_468 = %broadcast_in_dim3A_53, %while3A_469 = %broadcast_in_dim3A_55) -> (vector<16xf32>, vector<16xi32>)  : i32 {
        %mul3A_470 = arith.constant 16 : i32
        %mul3A_471 = arith.muli %while3A_467, %mul3A_470 : i32
        %get3A_472 = arith.index_cast %mul3A_471 : i32 to index
        %get3A_473 = tpu.vector_load %arg5[%get3A_472] {strides = array<i32>} : memref<8192xf32, #tpu.memory_space<vmem>>, vector<16xf32>,
        %sub3A_474 = arith.subf %get3A_473, %gather3A : vector<16xf32>
        %get3A_475 = arith.index_cast %mul3A_471 : i32 to index
        %get3A_476 = tpu.vector_load %arg6[%get3A_475] {strides = array<i32>} : memref<8192xf32, #tpu.memory_space<vmem>>, vector<16xf32>,
        %sub3A_477 = arith.subf %get3A_476, %gather3A_62 : vector<16xf32>
        %get3A_478 = arith.index_cast %mul3A_471 : i32 to index
        %get3A_479 = tpu.vector_load %arg7[%get3A_478] {strides = array<i32>} : memref<8192xf32, #tpu.memory_space<vmem>>, vector<16xf32>,
        %sub3A_480 = arith.subf %get3A_479, %gather3A_63 : vector<16xf32>
        %mul3A_481 = arith.mulf %sub3A_474, %sub3A_474 : vector<16xf32>
        %mul3A_482 = arith.mulf %sub3A_477, %sub3A_477 : vector<16xf32>
        %add3A_483 = arith.addf %mul3A_481, %mul3A_482 : vector<16xf32>
        %mul3A_484 = arith.mulf %sub3A_480, %sub3A_480 : vector<16xf32>
        %add3A_485 = arith.addf %add3A_483, %mul3A_484 : vector<16xf32>
        %swap3A_486 = arith.index_cast %mul3A_471 : i32 to index
        %swap3A_487 = tpu.vector_load %arg8[%swap3A_486] {strides = array<i32>} : memref<8192xf32, #tpu.memory_space<vmem>>, vector<16xf32>,
        tpu.vector_store %arg8[%swap3A_486], %add3A_485 {strides = array<i32>} : memref<8192xf32, #tpu.memory_space<vmem>>, vector<16xf32>,
        %mul3A_488 = arith.constant 16 : i32
        %mul3A_489 = arith.muli %while3A_467, %mul3A_488 : i32
        %add3A_490 = vector.broadcast %mul3A_489 : i32 to vector<16xi32>
        %add3A_491 = arith.addi %add3A_490, %iota3A : vector<16xi32>
        %lt3A_492 = vector.broadcast %convert_element_type3A_31 : i32 to vector<16xi32>
        %lt3A_493 = arith.cmpi slt, %add3A_491, %lt3A_492 : vector<16xi32>
        %jit3A_494 = arith.constant 0xFF800000 : f32
        %broadcast_in_dim3A_495 = vector.broadcast %jit3A_494 : f32 to vector<16xf32>
        %select_n3A_496 = arith.select %lt3A_493, %add3A_485, %broadcast_in_dim3A_495 : vector<16xi1>, vector<16xf32>
        %gt3A = arith.cmpf ogt, %select_n3A_496, %while3A_468 : vector<16xf32>
        %select_n3A_497 = arith.select %gt3A, %select_n3A_496, %while3A_468 : vector<16xi1>, vector<16xf32>
        %select_n3A_498 = arith.select %gt3A, %add3A_491, %while3A_469 : vector<16xi1>, vector<16xi32>
        scf.yield %select_n3A_497, %select_n3A_498 : vector<16xf32>, vector<16xi32>
      }
      %while3A_72 = arith.constant 1 : i32
      %while3A_73:2 = scf.for %while3A_467 = %while3A_69 to %while3A_65 step %while3A_72 iter_args(%while3A_468 = %while3A_71#0, %while3A_469 = %while3A_71#1) -> (vector<16xf32>, vector<16xi32>)  : i32 {
        %mul3A_470 = arith.constant 16 : i32
        %mul3A_471 = arith.muli %while3A_467, %mul3A_470 : i32
        %get3A_472 = arith.index_cast %mul3A_471 : i32 to index
        %get3A_473 = tpu.vector_load %arg5[%get3A_472] {strides = array<i32>} : memref<8192xf32, #tpu.memory_space<vmem>>, vector<16xf32>,
        %sub3A_474 = arith.subf %get3A_473, %gather3A : vector<16xf32>
        %get3A_475 = arith.index_cast %mul3A_471 : i32 to index
        %get3A_476 = tpu.vector_load %arg6[%get3A_475] {strides = array<i32>} : memref<8192xf32, #tpu.memory_space<vmem>>, vector<16xf32>,
        %sub3A_477 = arith.subf %get3A_476, %gather3A_62 : vector<16xf32>
        %get3A_478 = arith.index_cast %mul3A_471 : i32 to index
        %get3A_479 = tpu.vector_load %arg7[%get3A_478] {strides = array<i32>} : memref<8192xf32, #tpu.memory_space<vmem>>, vector<16xf32>,
        %sub3A_480 = arith.subf %get3A_479, %gather3A_63 : vector<16xf32>
        %mul3A_481 = arith.mulf %sub3A_474, %sub3A_474 : vector<16xf32>
        %mul3A_482 = arith.mulf %sub3A_477, %sub3A_477 : vector<16xf32>
        %add3A_483 = arith.addf %mul3A_481, %mul3A_482 : vector<16xf32>
        %mul3A_484 = arith.mulf %sub3A_480, %sub3A_480 : vector<16xf32>
        %add3A_485 = arith.addf %add3A_483, %mul3A_484 : vector<16xf32>
        %swap3A_486 = arith.index_cast %mul3A_471 : i32 to index
        %swap3A_487 = tpu.vector_load %arg8[%swap3A_486] {strides = array<i32>} : memref<8192xf32, #tpu.memory_space<vmem>>, vector<16xf32>,
        tpu.vector_store %arg8[%swap3A_486], %add3A_485 {strides = array<i32>} : memref<8192xf32, #tpu.memory_space<vmem>>, vector<16xf32>,
        %mul3A_488 = arith.constant 16 : i32
        %mul3A_489 = arith.muli %while3A_467, %mul3A_488 : i32
        %add3A_490 = vector.broadcast %mul3A_489 : i32 to vector<16xi32>
        %add3A_491 = arith.addi %add3A_490, %iota3A : vector<16xi32>
        %lt3A_492 = vector.broadcast %convert_element_type3A_31 : i32 to vector<16xi32>
        %lt3A_493 = arith.cmpi slt, %add3A_491, %lt3A_492 : vector<16xi32>
        %jit3A_494 = arith.constant 0xFF800000 : f32
        %broadcast_in_dim3A_495 = vector.broadcast %jit3A_494 : f32 to vector<16xf32>
        %select_n3A_496 = arith.select %lt3A_493, %add3A_485, %broadcast_in_dim3A_495 : vector<16xi1>, vector<16xf32>
        %gt3A = arith.cmpf ogt, %select_n3A_496, %while3A_468 : vector<16xf32>
        %select_n3A_497 = arith.select %gt3A, %select_n3A_496, %while3A_468 : vector<16xi1>, vector<16xf32>
        %select_n3A_498 = arith.select %gt3A, %add3A_491, %while3A_469 : vector<16xi1>, vector<16xi32>
        scf.yield %select_n3A_497, %select_n3A_498 : vector<16xf32>, vector<16xi32>
      }
      %reduce_max3A_74 = arith.constant true
      %reduce_max3A_75 = vector.broadcast %reduce_max3A_74 : i1 to vector<16xi1>
      %reduce_max3A_76 = tpu.scan <max>, %while3A_73#0 masked %reduce_max3A_75 : vector<16xf32>, vector<16xi1> -> vector<16xf32>
      %reduce_max3A_77 = vector.extract %reduce_max3A_76[15] : f32 from vector<16xf32>
      %eq3A_78 = vector.broadcast %reduce_max3A_77 : f32 to vector<16xf32>
      %eq3A_79 = arith.cmpf oeq, %while3A_73#0, %eq3A_78 : vector<16xf32>
      %convert_element_type3A_80 = arith.sitofp %while3A_73#1 : vector<16xi32> to vector<16xf32>
      %jit3A_81 = arith.constant 1.07374182E+9 : f32
      %broadcast_in_dim3A_82 = vector.broadcast %jit3A_81 : f32 to vector<16xf32>
      %select_n3A_83 = arith.select %eq3A_79, %convert_element_type3A_80, %broadcast_in_dim3A_82 : vector<16xi1>, vector<16xf32>
      %reduce_min3A_84 = arith.constant true
      %reduce_min3A_85 = vector.broadcast %reduce_min3A_84 : i1 to vector<16xi1>
      %reduce_min3A_86 = tpu.scan <min>, %select_n3A_83 masked %reduce_min3A_85 : vector<16xf32>, vector<16xi1> -> vector<16xf32>
      %reduce_min3A_87 = vector.extract %reduce_min3A_86[15] : f32 from vector<16xf32>
      %convert_element_type3A_88 = arith.fptosi %reduce_min3A_87 : f32 to i32
      %add3A_89 = arith.constant 1 : i32
      %add3A_90 = vector.broadcast %add3A_89 : i32 to vector<16xi32>
      %add3A_91 = arith.addi %broadcast_in_dim3A_61, %add3A_90 : vector<16xi32>
      %broadcast_in_dim3A_92 = vector.broadcast %convert_element_type3A_88 : i32 to vector<16xi32>
      tpu.vector_store_idx %arg10[%add3A_91], %broadcast_in_dim3A_92 masked %eq3A_22 : memref<512xi32, #tpu.memory_space<vmem>>[vector<16xi32>], vector<16xi32>, vector<16xi1>
      %scan3A = arith.constant 2 : i32
      %scan3A_93 = arith.constant 510 : i32
      %scan3A_94 = arith.addi %scan3A, %scan3A_93 : i32
      %scan3A_95 = arith.constant 1 : i32
      %scan3A_96 = scf.for %scan3A_467 = %scan3A to %scan3A_94 step %scan3A_95 iter_args(%scan3A_468 = %convert_element_type3A_88) -> (i32)  : i32 {
        %broadcast_in_dim3A_469 = vector.broadcast %scan3A_468 : i32 to vector<16xi32>
        %gather3A_470 = tpu.vector_load_idx %arg5[%broadcast_in_dim3A_469] : memref<8192xf32, #tpu.memory_space<vmem>>[vector<16xi32>], vector<16xf32>,
        %gather3A_471 = tpu.vector_load_idx %arg6[%broadcast_in_dim3A_469] : memref<8192xf32, #tpu.memory_space<vmem>>[vector<16xi32>], vector<16xf32>,
        %gather3A_472 = tpu.vector_load_idx %arg7[%broadcast_in_dim3A_469] : memref<8192xf32, #tpu.memory_space<vmem>>[vector<16xi32>], vector<16xf32>,
        %while3A_473 = arith.constant 0 : i32
        %while3A_474 = arith.subi %select_n3A_51, %while3A_473 : i32
        %while3A_475 = arith.addi %while3A_473, %while3A_474 : i32
        %while3A_476 = arith.constant 1 : i32
        %while3A_477 = arith.divsi %while3A_474, %while3A_476 : i32
        %while3A_478 = arith.muli %while3A_477, %while3A_476 : i32
        %while3A_479 = arith.addi %while3A_473, %while3A_478 : i32
        %while3A_480 = arith.constant 1 : i32
        %while3A_481:2 = scf.for %while3A_501 = %while3A_473 to %while3A_479 step %while3A_480 iter_args(%while3A_502 = %broadcast_in_dim3A_53, %while3A_503 = %broadcast_in_dim3A_55) -> (vector<16xf32>, vector<16xi32>)  : i32 {
          %mul3A_504 = arith.constant 16 : i32
          %mul3A_505 = arith.muli %while3A_501, %mul3A_504 : i32
          %get3A_506 = arith.index_cast %mul3A_505 : i32 to index
          %get3A_507 = tpu.vector_load %arg5[%get3A_506] {strides = array<i32>} : memref<8192xf32, #tpu.memory_space<vmem>>, vector<16xf32>,
          %sub3A_508 = arith.subf %get3A_507, %gather3A_470 : vector<16xf32>
          %get3A_509 = arith.index_cast %mul3A_505 : i32 to index
          %get3A_510 = tpu.vector_load %arg6[%get3A_509] {strides = array<i32>} : memref<8192xf32, #tpu.memory_space<vmem>>, vector<16xf32>,
          %sub3A_511 = arith.subf %get3A_510, %gather3A_471 : vector<16xf32>
          %get3A_512 = arith.index_cast %mul3A_505 : i32 to index
          %get3A_513 = tpu.vector_load %arg7[%get3A_512] {strides = array<i32>} : memref<8192xf32, #tpu.memory_space<vmem>>, vector<16xf32>,
          %sub3A_514 = arith.subf %get3A_513, %gather3A_472 : vector<16xf32>
          %mul3A_515 = arith.mulf %sub3A_508, %sub3A_508 : vector<16xf32>
          %mul3A_516 = arith.mulf %sub3A_511, %sub3A_511 : vector<16xf32>
          %add3A_517 = arith.addf %mul3A_515, %mul3A_516 : vector<16xf32>
          %mul3A_518 = arith.mulf %sub3A_514, %sub3A_514 : vector<16xf32>
          %add3A_519 = arith.addf %add3A_517, %mul3A_518 : vector<16xf32>
          %get3A_520 = arith.index_cast %mul3A_505 : i32 to index
          %get3A_521 = tpu.vector_load %arg8[%get3A_520] {strides = array<i32>} : memref<8192xf32, #tpu.memory_space<vmem>>, vector<16xf32>,
          %min3A = arith.minimumf %get3A_521, %add3A_519 : vector<16xf32>
          %swap3A_522 = arith.index_cast %mul3A_505 : i32 to index
          %swap3A_523 = tpu.vector_load %arg8[%swap3A_522] {strides = array<i32>} : memref<8192xf32, #tpu.memory_space<vmem>>, vector<16xf32>,
          tpu.vector_store %arg8[%swap3A_522], %min3A {strides = array<i32>} : memref<8192xf32, #tpu.memory_space<vmem>>, vector<16xf32>,
          %mul3A_524 = arith.constant 16 : i32
          %mul3A_525 = arith.muli %while3A_501, %mul3A_524 : i32
          %add3A_526 = vector.broadcast %mul3A_525 : i32 to vector<16xi32>
          %add3A_527 = arith.addi %add3A_526, %iota3A : vector<16xi32>
          %lt3A_528 = vector.broadcast %convert_element_type3A_31 : i32 to vector<16xi32>
          %lt3A_529 = arith.cmpi slt, %add3A_527, %lt3A_528 : vector<16xi32>
          %jit3A_530 = arith.constant 0xFF800000 : f32
          %broadcast_in_dim3A_531 = vector.broadcast %jit3A_530 : f32 to vector<16xf32>
          %select_n3A_532 = arith.select %lt3A_529, %min3A, %broadcast_in_dim3A_531 : vector<16xi1>, vector<16xf32>
          %gt3A = arith.cmpf ogt, %select_n3A_532, %while3A_502 : vector<16xf32>
          %select_n3A_533 = arith.select %gt3A, %select_n3A_532, %while3A_502 : vector<16xi1>, vector<16xf32>
          %select_n3A_534 = arith.select %gt3A, %add3A_527, %while3A_503 : vector<16xi1>, vector<16xi32>
          scf.yield %select_n3A_533, %select_n3A_534 : vector<16xf32>, vector<16xi32>
        }
        %while3A_482 = arith.constant 1 : i32
        %while3A_483:2 = scf.for %while3A_501 = %while3A_479 to %while3A_475 step %while3A_482 iter_args(%while3A_502 = %while3A_481#0, %while3A_503 = %while3A_481#1) -> (vector<16xf32>, vector<16xi32>)  : i32 {
          %mul3A_504 = arith.constant 16 : i32
          %mul3A_505 = arith.muli %while3A_501, %mul3A_504 : i32
          %get3A_506 = arith.index_cast %mul3A_505 : i32 to index
          %get3A_507 = tpu.vector_load %arg5[%get3A_506] {strides = array<i32>} : memref<8192xf32, #tpu.memory_space<vmem>>, vector<16xf32>,
          %sub3A_508 = arith.subf %get3A_507, %gather3A_470 : vector<16xf32>
          %get3A_509 = arith.index_cast %mul3A_505 : i32 to index
          %get3A_510 = tpu.vector_load %arg6[%get3A_509] {strides = array<i32>} : memref<8192xf32, #tpu.memory_space<vmem>>, vector<16xf32>,
          %sub3A_511 = arith.subf %get3A_510, %gather3A_471 : vector<16xf32>
          %get3A_512 = arith.index_cast %mul3A_505 : i32 to index
          %get3A_513 = tpu.vector_load %arg7[%get3A_512] {strides = array<i32>} : memref<8192xf32, #tpu.memory_space<vmem>>, vector<16xf32>,
          %sub3A_514 = arith.subf %get3A_513, %gather3A_472 : vector<16xf32>
          %mul3A_515 = arith.mulf %sub3A_508, %sub3A_508 : vector<16xf32>
          %mul3A_516 = arith.mulf %sub3A_511, %sub3A_511 : vector<16xf32>
          %add3A_517 = arith.addf %mul3A_515, %mul3A_516 : vector<16xf32>
          %mul3A_518 = arith.mulf %sub3A_514, %sub3A_514 : vector<16xf32>
          %add3A_519 = arith.addf %add3A_517, %mul3A_518 : vector<16xf32>
          %get3A_520 = arith.index_cast %mul3A_505 : i32 to index
          %get3A_521 = tpu.vector_load %arg8[%get3A_520] {strides = array<i32>} : memref<8192xf32, #tpu.memory_space<vmem>>, vector<16xf32>,
          %min3A = arith.minimumf %get3A_521, %add3A_519 : vector<16xf32>
          %swap3A_522 = arith.index_cast %mul3A_505 : i32 to index
          %swap3A_523 = tpu.vector_load %arg8[%swap3A_522] {strides = array<i32>} : memref<8192xf32, #tpu.memory_space<vmem>>, vector<16xf32>,
          tpu.vector_store %arg8[%swap3A_522], %min3A {strides = array<i32>} : memref<8192xf32, #tpu.memory_space<vmem>>, vector<16xf32>,
          %mul3A_524 = arith.constant 16 : i32
          %mul3A_525 = arith.muli %while3A_501, %mul3A_524 : i32
          %add3A_526 = vector.broadcast %mul3A_525 : i32 to vector<16xi32>
          %add3A_527 = arith.addi %add3A_526, %iota3A : vector<16xi32>
          %lt3A_528 = vector.broadcast %convert_element_type3A_31 : i32 to vector<16xi32>
          %lt3A_529 = arith.cmpi slt, %add3A_527, %lt3A_528 : vector<16xi32>
          %jit3A_530 = arith.constant 0xFF800000 : f32
          %broadcast_in_dim3A_531 = vector.broadcast %jit3A_530 : f32 to vector<16xf32>
          %select_n3A_532 = arith.select %lt3A_529, %min3A, %broadcast_in_dim3A_531 : vector<16xi1>, vector<16xf32>
          %gt3A = arith.cmpf ogt, %select_n3A_532, %while3A_502 : vector<16xf32>
          %select_n3A_533 = arith.select %gt3A, %select_n3A_532, %while3A_502 : vector<16xi1>, vector<16xf32>
          %select_n3A_534 = arith.select %gt3A, %add3A_527, %while3A_503 : vector<16xi1>, vector<16xi32>
          scf.yield %select_n3A_533, %select_n3A_534 : vector<16xf32>, vector<16xi32>
        }
        %reduce_max3A_484 = arith.constant true
        %reduce_max3A_485 = vector.broadcast %reduce_max3A_484 : i1 to vector<16xi1>
        %reduce_max3A_486 = tpu.scan <max>, %while3A_483#0 masked %reduce_max3A_485 : vector<16xf32>, vector<16xi1> -> vector<16xf32>
        %reduce_max3A_487 = vector.extract %reduce_max3A_486[15] : f32 from vector<16xf32>
        %eq3A_488 = vector.broadcast %reduce_max3A_487 : f32 to vector<16xf32>
        %eq3A_489 = arith.cmpf oeq, %while3A_483#0, %eq3A_488 : vector<16xf32>
        %convert_element_type3A_490 = arith.sitofp %while3A_483#1 : vector<16xi32> to vector<16xf32>
        %jit3A_491 = arith.constant 1.07374182E+9 : f32
        %broadcast_in_dim3A_492 = vector.broadcast %jit3A_491 : f32 to vector<16xf32>
        %select_n3A_493 = arith.select %eq3A_489, %convert_element_type3A_490, %broadcast_in_dim3A_492 : vector<16xi1>, vector<16xf32>
        %reduce_min3A_494 = arith.constant true
        %reduce_min3A_495 = vector.broadcast %reduce_min3A_494 : i1 to vector<16xi1>
        %reduce_min3A_496 = tpu.scan <min>, %select_n3A_493 masked %reduce_min3A_495 : vector<16xf32>, vector<16xi1> -> vector<16xf32>
        %reduce_min3A_497 = vector.extract %reduce_min3A_496[15] : f32 from vector<16xf32>
        %convert_element_type3A_498 = arith.fptosi %reduce_min3A_497 : f32 to i32
        %broadcast_in_dim3A_499 = vector.broadcast %scan3A_467 : i32 to vector<16xi32>
        %broadcast_in_dim3A_500 = vector.broadcast %convert_element_type3A_498 : i32 to vector<16xi32>
        tpu.vector_store_idx %arg10[%broadcast_in_dim3A_499], %broadcast_in_dim3A_500 masked %eq3A_22 : memref<512xi32, #tpu.memory_space<vmem>>[vector<16xi32>], vector<16xi32>, vector<16xi1>
        scf.yield %convert_element_type3A_498 : i32
      }
      %scan3A_97 = arith.constant 510 : i32
      %get3A_98 = arith.constant 0 : index
      %get3A_99 = tpu.vector_load %arg10[%get3A_98] {strides = array<i32>} : memref<512xi32, #tpu.memory_space<vmem>>, vector<16xi32>,
      %gather3A_100 = tpu.vector_load_idx %arg5[%get3A_99] : memref<8192xf32, #tpu.memory_space<vmem>>[vector<16xi32>], vector<16xf32>,
      %swap3A = arith.constant 0 : index
      %swap3A_101 = tpu.vector_load %arg11[%swap3A] {strides = array<i32>} : memref<512xf32, #tpu.memory_space<vmem>>, vector<16xf32>,
      tpu.vector_store %arg11[%swap3A], %gather3A_100 {strides = array<i32>} : memref<512xf32, #tpu.memory_space<vmem>>, vector<16xf32>,
      %gather3A_102 = tpu.vector_load_idx %arg6[%get3A_99] : memref<8192xf32, #tpu.memory_space<vmem>>[vector<16xi32>], vector<16xf32>,
      %swap3A_103 = arith.constant 0 : index
      %swap3A_104 = tpu.vector_load %arg12[%swap3A_103] {strides = array<i32>} : memref<512xf32, #tpu.memory_space<vmem>>, vector<16xf32>,
      tpu.vector_store %arg12[%swap3A_103], %gather3A_102 {strides = array<i32>} : memref<512xf32, #tpu.memory_space<vmem>>, vector<16xf32>,
      %gather3A_105 = tpu.vector_load_idx %arg7[%get3A_99] : memref<8192xf32, #tpu.memory_space<vmem>>[vector<16xi32>], vector<16xf32>,
      %swap3A_106 = arith.constant 0 : index
      %swap3A_107 = tpu.vector_load %arg13[%swap3A_106] {strides = array<i32>} : memref<512xf32, #tpu.memory_space<vmem>>, vector<16xf32>,
      tpu.vector_store %arg13[%swap3A_106], %gather3A_105 {strides = array<i32>} : memref<512xf32, #tpu.memory_space<vmem>>, vector<16xf32>,
      %get3A_108 = arith.constant 16 : index
      %get3A_109 = tpu.vector_load %arg10[%get3A_108] {strides = array<i32>} : memref<512xi32, #tpu.memory_space<vmem>>, vector<16xi32>,
      %gather3A_110 = tpu.vector_load_idx %arg5[%get3A_109] : memref<8192xf32, #tpu.memory_space<vmem>>[vector<16xi32>], vector<16xf32>,
      %swap3A_111 = arith.constant 16 : index
      %swap3A_112 = tpu.vector_load %arg11[%swap3A_111] {strides = array<i32>} : memref<512xf32, #tpu.memory_space<vmem>>, vector<16xf32>,
      tpu.vector_store %arg11[%swap3A_111], %gather3A_110 {strides = array<i32>} : memref<512xf32, #tpu.memory_space<vmem>>, vector<16xf32>,
      %gather3A_113 = tpu.vector_load_idx %arg6[%get3A_109] : memref<8192xf32, #tpu.memory_space<vmem>>[vector<16xi32>], vector<16xf32>,
      %swap3A_114 = arith.constant 16 : index
      %swap3A_115 = tpu.vector_load %arg12[%swap3A_114] {strides = array<i32>} : memref<512xf32, #tpu.memory_space<vmem>>, vector<16xf32>,
      tpu.vector_store %arg12[%swap3A_114], %gather3A_113 {strides = array<i32>} : memref<512xf32, #tpu.memory_space<vmem>>, vector<16xf32>,
      %gather3A_116 = tpu.vector_load_idx %arg7[%get3A_109] : memref<8192xf32, #tpu.memory_space<vmem>>[vector<16xi32>], vector<16xf32>,
      %swap3A_117 = arith.constant 16 : index
      %swap3A_118 = tpu.vector_load %arg13[%swap3A_117] {strides = array<i32>} : memref<512xf32, #tpu.memory_space<vmem>>, vector<16xf32>,
      tpu.vector_store %arg13[%swap3A_117], %gather3A_116 {strides = array<i32>} : memref<512xf32, #tpu.memory_space<vmem>>, vector<16xf32>,
      %get3A_119 = arith.constant 32 : index
      %get3A_120 = tpu.vector_load %arg10[%get3A_119] {strides = array<i32>} : memref<512xi32, #tpu.memory_space<vmem>>, vector<16xi32>,
      %gather3A_121 = tpu.vector_load_idx %arg5[%get3A_120] : memref<8192xf32, #tpu.memory_space<vmem>>[vector<16xi32>], vector<16xf32>,
      %swap3A_122 = arith.constant 32 : index
      %swap3A_123 = tpu.vector_load %arg11[%swap3A_122] {strides = array<i32>} : memref<512xf32, #tpu.memory_space<vmem>>, vector<16xf32>,
      tpu.vector_store %arg11[%swap3A_122], %gather3A_121 {strides = array<i32>} : memref<512xf32, #tpu.memory_space<vmem>>, vector<16xf32>,
      %gather3A_124 = tpu.vector_load_idx %arg6[%get3A_120] : memref<8192xf32, #tpu.memory_space<vmem>>[vector<16xi32>], vector<16xf32>,
      %swap3A_125 = arith.constant 32 : index
      %swap3A_126 = tpu.vector_load %arg12[%swap3A_125] {strides = array<i32>} : memref<512xf32, #tpu.memory_space<vmem>>, vector<16xf32>,
      tpu.vector_store %arg12[%swap3A_125], %gather3A_124 {strides = array<i32>} : memref<512xf32, #tpu.memory_space<vmem>>, vector<16xf32>,
      %gather3A_127 = tpu.vector_load_idx %arg7[%get3A_120] : memref<8192xf32, #tpu.memory_space<vmem>>[vector<16xi32>], vector<16xf32>,
      %swap3A_128 = arith.constant 32 : index
      %swap3A_129 = tpu.vector_load %arg13[%swap3A_128] {strides = array<i32>} : memref<512xf32, #tpu.memory_space<vmem>>, vector<16xf32>,
      tpu.vector_store %arg13[%swap3A_128], %gather3A_127 {strides = array<i32>} : memref<512xf32, #tpu.memory_space<vmem>>, vector<16xf32>,
      %get3A_130 = arith.constant 48 : index
      %get3A_131 = tpu.vector_load %arg10[%get3A_130] {strides = array<i32>} : memref<512xi32, #tpu.memory_space<vmem>>, vector<16xi32>,
      %gather3A_132 = tpu.vector_load_idx %arg5[%get3A_131] : memref<8192xf32, #tpu.memory_space<vmem>>[vector<16xi32>], vector<16xf32>,
      %swap3A_133 = arith.constant 48 : index
      %swap3A_134 = tpu.vector_load %arg11[%swap3A_133] {strides = array<i32>} : memref<512xf32, #tpu.memory_space<vmem>>, vector<16xf32>,
      tpu.vector_store %arg11[%swap3A_133], %gather3A_132 {strides = array<i32>} : memref<512xf32, #tpu.memory_space<vmem>>, vector<16xf32>,
      %gather3A_135 = tpu.vector_load_idx %arg6[%get3A_131] : memref<8192xf32, #tpu.memory_space<vmem>>[vector<16xi32>], vector<16xf32>,
      %swap3A_136 = arith.constant 48 : index
      %swap3A_137 = tpu.vector_load %arg12[%swap3A_136] {strides = array<i32>} : memref<512xf32, #tpu.memory_space<vmem>>, vector<16xf32>,
      tpu.vector_store %arg12[%swap3A_136], %gather3A_135 {strides = array<i32>} : memref<512xf32, #tpu.memory_space<vmem>>, vector<16xf32>,
      %gather3A_138 = tpu.vector_load_idx %arg7[%get3A_131] : memref<8192xf32, #tpu.memory_space<vmem>>[vector<16xi32>], vector<16xf32>,
      %swap3A_139 = arith.constant 48 : index
      %swap3A_140 = tpu.vector_load %arg13[%swap3A_139] {strides = array<i32>} : memref<512xf32, #tpu.memory_space<vmem>>, vector<16xf32>,
      tpu.vector_store %arg13[%swap3A_139], %gather3A_138 {strides = array<i32>} : memref<512xf32, #tpu.memory_space<vmem>>, vector<16xf32>,
      %get3A_141 = arith.constant 64 : index
      %get3A_142 = tpu.vector_load %arg10[%get3A_141] {strides = array<i32>} : memref<512xi32, #tpu.memory_space<vmem>>, vector<16xi32>,
      %gather3A_143 = tpu.vector_load_idx %arg5[%get3A_142] : memref<8192xf32, #tpu.memory_space<vmem>>[vector<16xi32>], vector<16xf32>,
      %swap3A_144 = arith.constant 64 : index
      %swap3A_145 = tpu.vector_load %arg11[%swap3A_144] {strides = array<i32>} : memref<512xf32, #tpu.memory_space<vmem>>, vector<16xf32>,
      tpu.vector_store %arg11[%swap3A_144], %gather3A_143 {strides = array<i32>} : memref<512xf32, #tpu.memory_space<vmem>>, vector<16xf32>,
      %gather3A_146 = tpu.vector_load_idx %arg6[%get3A_142] : memref<8192xf32, #tpu.memory_space<vmem>>[vector<16xi32>], vector<16xf32>,
      %swap3A_147 = arith.constant 64 : index
      %swap3A_148 = tpu.vector_load %arg12[%swap3A_147] {strides = array<i32>} : memref<512xf32, #tpu.memory_space<vmem>>, vector<16xf32>,
      tpu.vector_store %arg12[%swap3A_147], %gather3A_146 {strides = array<i32>} : memref<512xf32, #tpu.memory_space<vmem>>, vector<16xf32>,
      %gather3A_149 = tpu.vector_load_idx %arg7[%get3A_142] : memref<8192xf32, #tpu.memory_space<vmem>>[vector<16xi32>], vector<16xf32>,
      %swap3A_150 = arith.constant 64 : index
      %swap3A_151 = tpu.vector_load %arg13[%swap3A_150] {strides = array<i32>} : memref<512xf32, #tpu.memory_space<vmem>>, vector<16xf32>,
      tpu.vector_store %arg13[%swap3A_150], %gather3A_149 {strides = array<i32>} : memref<512xf32, #tpu.memory_space<vmem>>, vector<16xf32>,
      %get3A_152 = arith.constant 80 : index
      %get3A_153 = tpu.vector_load %arg10[%get3A_152] {strides = array<i32>} : memref<512xi32, #tpu.memory_space<vmem>>, vector<16xi32>,
      %gather3A_154 = tpu.vector_load_idx %arg5[%get3A_153] : memref<8192xf32, #tpu.memory_space<vmem>>[vector<16xi32>], vector<16xf32>,
      %swap3A_155 = arith.constant 80 : index
      %swap3A_156 = tpu.vector_load %arg11[%swap3A_155] {strides = array<i32>} : memref<512xf32, #tpu.memory_space<vmem>>, vector<16xf32>,
      tpu.vector_store %arg11[%swap3A_155], %gather3A_154 {strides = array<i32>} : memref<512xf32, #tpu.memory_space<vmem>>, vector<16xf32>,
      %gather3A_157 = tpu.vector_load_idx %arg6[%get3A_153] : memref<8192xf32, #tpu.memory_space<vmem>>[vector<16xi32>], vector<16xf32>,
      %swap3A_158 = arith.constant 80 : index
      %swap3A_159 = tpu.vector_load %arg12[%swap3A_158] {strides = array<i32>} : memref<512xf32, #tpu.memory_space<vmem>>, vector<16xf32>,
      tpu.vector_store %arg12[%swap3A_158], %gather3A_157 {strides = array<i32>} : memref<512xf32, #tpu.memory_space<vmem>>, vector<16xf32>,
      %gather3A_160 = tpu.vector_load_idx %arg7[%get3A_153] : memref<8192xf32, #tpu.memory_space<vmem>>[vector<16xi32>], vector<16xf32>,
      %swap3A_161 = arith.constant 80 : index
      %swap3A_162 = tpu.vector_load %arg13[%swap3A_161] {strides = array<i32>} : memref<512xf32, #tpu.memory_space<vmem>>, vector<16xf32>,
      tpu.vector_store %arg13[%swap3A_161], %gather3A_160 {strides = array<i32>} : memref<512xf32, #tpu.memory_space<vmem>>, vector<16xf32>,
      %get3A_163 = arith.constant 96 : index
      %get3A_164 = tpu.vector_load %arg10[%get3A_163] {strides = array<i32>} : memref<512xi32, #tpu.memory_space<vmem>>, vector<16xi32>,
      %gather3A_165 = tpu.vector_load_idx %arg5[%get3A_164] : memref<8192xf32, #tpu.memory_space<vmem>>[vector<16xi32>], vector<16xf32>,
      %swap3A_166 = arith.constant 96 : index
      %swap3A_167 = tpu.vector_load %arg11[%swap3A_166] {strides = array<i32>} : memref<512xf32, #tpu.memory_space<vmem>>, vector<16xf32>,
      tpu.vector_store %arg11[%swap3A_166], %gather3A_165 {strides = array<i32>} : memref<512xf32, #tpu.memory_space<vmem>>, vector<16xf32>,
      %gather3A_168 = tpu.vector_load_idx %arg6[%get3A_164] : memref<8192xf32, #tpu.memory_space<vmem>>[vector<16xi32>], vector<16xf32>,
      %swap3A_169 = arith.constant 96 : index
      %swap3A_170 = tpu.vector_load %arg12[%swap3A_169] {strides = array<i32>} : memref<512xf32, #tpu.memory_space<vmem>>, vector<16xf32>,
      tpu.vector_store %arg12[%swap3A_169], %gather3A_168 {strides = array<i32>} : memref<512xf32, #tpu.memory_space<vmem>>, vector<16xf32>,
      %gather3A_171 = tpu.vector_load_idx %arg7[%get3A_164] : memref<8192xf32, #tpu.memory_space<vmem>>[vector<16xi32>], vector<16xf32>,
      %swap3A_172 = arith.constant 96 : index
      %swap3A_173 = tpu.vector_load %arg13[%swap3A_172] {strides = array<i32>} : memref<512xf32, #tpu.memory_space<vmem>>, vector<16xf32>,
      tpu.vector_store %arg13[%swap3A_172], %gather3A_171 {strides = array<i32>} : memref<512xf32, #tpu.memory_space<vmem>>, vector<16xf32>,
      %get3A_174 = arith.constant 112 : index
      %get3A_175 = tpu.vector_load %arg10[%get3A_174] {strides = array<i32>} : memref<512xi32, #tpu.memory_space<vmem>>, vector<16xi32>,
      %gather3A_176 = tpu.vector_load_idx %arg5[%get3A_175] : memref<8192xf32, #tpu.memory_space<vmem>>[vector<16xi32>], vector<16xf32>,
      %swap3A_177 = arith.constant 112 : index
      %swap3A_178 = tpu.vector_load %arg11[%swap3A_177] {strides = array<i32>} : memref<512xf32, #tpu.memory_space<vmem>>, vector<16xf32>,
      tpu.vector_store %arg11[%swap3A_177], %gather3A_176 {strides = array<i32>} : memref<512xf32, #tpu.memory_space<vmem>>, vector<16xf32>,
      %gather3A_179 = tpu.vector_load_idx %arg6[%get3A_175] : memref<8192xf32, #tpu.memory_space<vmem>>[vector<16xi32>], vector<16xf32>,
      %swap3A_180 = arith.constant 112 : index
      %swap3A_181 = tpu.vector_load %arg12[%swap3A_180] {strides = array<i32>} : memref<512xf32, #tpu.memory_space<vmem>>, vector<16xf32>,
      tpu.vector_store %arg12[%swap3A_180], %gather3A_179 {strides = array<i32>} : memref<512xf32, #tpu.memory_space<vmem>>, vector<16xf32>,
      %gather3A_182 = tpu.vector_load_idx %arg7[%get3A_175] : memref<8192xf32, #tpu.memory_space<vmem>>[vector<16xi32>], vector<16xf32>,
      %swap3A_183 = arith.constant 112 : index
      %swap3A_184 = tpu.vector_load %arg13[%swap3A_183] {strides = array<i32>} : memref<512xf32, #tpu.memory_space<vmem>>, vector<16xf32>,
      tpu.vector_store %arg13[%swap3A_183], %gather3A_182 {strides = array<i32>} : memref<512xf32, #tpu.memory_space<vmem>>, vector<16xf32>,
      %get3A_185 = arith.constant 128 : index
      %get3A_186 = tpu.vector_load %arg10[%get3A_185] {strides = array<i32>} : memref<512xi32, #tpu.memory_space<vmem>>, vector<16xi32>,
      %gather3A_187 = tpu.vector_load_idx %arg5[%get3A_186] : memref<8192xf32, #tpu.memory_space<vmem>>[vector<16xi32>], vector<16xf32>,
      %swap3A_188 = arith.constant 128 : index
      %swap3A_189 = tpu.vector_load %arg11[%swap3A_188] {strides = array<i32>} : memref<512xf32, #tpu.memory_space<vmem>>, vector<16xf32>,
      tpu.vector_store %arg11[%swap3A_188], %gather3A_187 {strides = array<i32>} : memref<512xf32, #tpu.memory_space<vmem>>, vector<16xf32>,
      %gather3A_190 = tpu.vector_load_idx %arg6[%get3A_186] : memref<8192xf32, #tpu.memory_space<vmem>>[vector<16xi32>], vector<16xf32>,
      %swap3A_191 = arith.constant 128 : index
      %swap3A_192 = tpu.vector_load %arg12[%swap3A_191] {strides = array<i32>} : memref<512xf32, #tpu.memory_space<vmem>>, vector<16xf32>,
      tpu.vector_store %arg12[%swap3A_191], %gather3A_190 {strides = array<i32>} : memref<512xf32, #tpu.memory_space<vmem>>, vector<16xf32>,
      %gather3A_193 = tpu.vector_load_idx %arg7[%get3A_186] : memref<8192xf32, #tpu.memory_space<vmem>>[vector<16xi32>], vector<16xf32>,
      %swap3A_194 = arith.constant 128 : index
      %swap3A_195 = tpu.vector_load %arg13[%swap3A_194] {strides = array<i32>} : memref<512xf32, #tpu.memory_space<vmem>>, vector<16xf32>,
      tpu.vector_store %arg13[%swap3A_194], %gather3A_193 {strides = array<i32>} : memref<512xf32, #tpu.memory_space<vmem>>, vector<16xf32>,
      %get3A_196 = arith.constant 144 : index
      %get3A_197 = tpu.vector_load %arg10[%get3A_196] {strides = array<i32>} : memref<512xi32, #tpu.memory_space<vmem>>, vector<16xi32>,
      %gather3A_198 = tpu.vector_load_idx %arg5[%get3A_197] : memref<8192xf32, #tpu.memory_space<vmem>>[vector<16xi32>], vector<16xf32>,
      %swap3A_199 = arith.constant 144 : index
      %swap3A_200 = tpu.vector_load %arg11[%swap3A_199] {strides = array<i32>} : memref<512xf32, #tpu.memory_space<vmem>>, vector<16xf32>,
      tpu.vector_store %arg11[%swap3A_199], %gather3A_198 {strides = array<i32>} : memref<512xf32, #tpu.memory_space<vmem>>, vector<16xf32>,
      %gather3A_201 = tpu.vector_load_idx %arg6[%get3A_197] : memref<8192xf32, #tpu.memory_space<vmem>>[vector<16xi32>], vector<16xf32>,
      %swap3A_202 = arith.constant 144 : index
      %swap3A_203 = tpu.vector_load %arg12[%swap3A_202] {strides = array<i32>} : memref<512xf32, #tpu.memory_space<vmem>>, vector<16xf32>,
      tpu.vector_store %arg12[%swap3A_202], %gather3A_201 {strides = array<i32>} : memref<512xf32, #tpu.memory_space<vmem>>, vector<16xf32>,
      %gather3A_204 = tpu.vector_load_idx %arg7[%get3A_197] : memref<8192xf32, #tpu.memory_space<vmem>>[vector<16xi32>], vector<16xf32>,
      %swap3A_205 = arith.constant 144 : index
      %swap3A_206 = tpu.vector_load %arg13[%swap3A_205] {strides = array<i32>} : memref<512xf32, #tpu.memory_space<vmem>>, vector<16xf32>,
      tpu.vector_store %arg13[%swap3A_205], %gather3A_204 {strides = array<i32>} : memref<512xf32, #tpu.memory_space<vmem>>, vector<16xf32>,
      %get3A_207 = arith.constant 160 : index
      %get3A_208 = tpu.vector_load %arg10[%get3A_207] {strides = array<i32>} : memref<512xi32, #tpu.memory_space<vmem>>, vector<16xi32>,
      %gather3A_209 = tpu.vector_load_idx %arg5[%get3A_208] : memref<8192xf32, #tpu.memory_space<vmem>>[vector<16xi32>], vector<16xf32>,
      %swap3A_210 = arith.constant 160 : index
      %swap3A_211 = tpu.vector_load %arg11[%swap3A_210] {strides = array<i32>} : memref<512xf32, #tpu.memory_space<vmem>>, vector<16xf32>,
      tpu.vector_store %arg11[%swap3A_210], %gather3A_209 {strides = array<i32>} : memref<512xf32, #tpu.memory_space<vmem>>, vector<16xf32>,
      %gather3A_212 = tpu.vector_load_idx %arg6[%get3A_208] : memref<8192xf32, #tpu.memory_space<vmem>>[vector<16xi32>], vector<16xf32>,
      %swap3A_213 = arith.constant 160 : index
      %swap3A_214 = tpu.vector_load %arg12[%swap3A_213] {strides = array<i32>} : memref<512xf32, #tpu.memory_space<vmem>>, vector<16xf32>,
      tpu.vector_store %arg12[%swap3A_213], %gather3A_212 {strides = array<i32>} : memref<512xf32, #tpu.memory_space<vmem>>, vector<16xf32>,
      %gather3A_215 = tpu.vector_load_idx %arg7[%get3A_208] : memref<8192xf32, #tpu.memory_space<vmem>>[vector<16xi32>], vector<16xf32>,
      %swap3A_216 = arith.constant 160 : index
      %swap3A_217 = tpu.vector_load %arg13[%swap3A_216] {strides = array<i32>} : memref<512xf32, #tpu.memory_space<vmem>>, vector<16xf32>,
      tpu.vector_store %arg13[%swap3A_216], %gather3A_215 {strides = array<i32>} : memref<512xf32, #tpu.memory_space<vmem>>, vector<16xf32>,
      %get3A_218 = arith.constant 176 : index
      %get3A_219 = tpu.vector_load %arg10[%get3A_218] {strides = array<i32>} : memref<512xi32, #tpu.memory_space<vmem>>, vector<16xi32>,
      %gather3A_220 = tpu.vector_load_idx %arg5[%get3A_219] : memref<8192xf32, #tpu.memory_space<vmem>>[vector<16xi32>], vector<16xf32>,
      %swap3A_221 = arith.constant 176 : index
      %swap3A_222 = tpu.vector_load %arg11[%swap3A_221] {strides = array<i32>} : memref<512xf32, #tpu.memory_space<vmem>>, vector<16xf32>,
      tpu.vector_store %arg11[%swap3A_221], %gather3A_220 {strides = array<i32>} : memref<512xf32, #tpu.memory_space<vmem>>, vector<16xf32>,
      %gather3A_223 = tpu.vector_load_idx %arg6[%get3A_219] : memref<8192xf32, #tpu.memory_space<vmem>>[vector<16xi32>], vector<16xf32>,
      %swap3A_224 = arith.constant 176 : index
      %swap3A_225 = tpu.vector_load %arg12[%swap3A_224] {strides = array<i32>} : memref<512xf32, #tpu.memory_space<vmem>>, vector<16xf32>,
      tpu.vector_store %arg12[%swap3A_224], %gather3A_223 {strides = array<i32>} : memref<512xf32, #tpu.memory_space<vmem>>, vector<16xf32>,
      %gather3A_226 = tpu.vector_load_idx %arg7[%get3A_219] : memref<8192xf32, #tpu.memory_space<vmem>>[vector<16xi32>], vector<16xf32>,
      %swap3A_227 = arith.constant 176 : index
      %swap3A_228 = tpu.vector_load %arg13[%swap3A_227] {strides = array<i32>} : memref<512xf32, #tpu.memory_space<vmem>>, vector<16xf32>,
      tpu.vector_store %arg13[%swap3A_227], %gather3A_226 {strides = array<i32>} : memref<512xf32, #tpu.memory_space<vmem>>, vector<16xf32>,
      %get3A_229 = arith.constant 192 : index
      %get3A_230 = tpu.vector_load %arg10[%get3A_229] {strides = array<i32>} : memref<512xi32, #tpu.memory_space<vmem>>, vector<16xi32>,
      %gather3A_231 = tpu.vector_load_idx %arg5[%get3A_230] : memref<8192xf32, #tpu.memory_space<vmem>>[vector<16xi32>], vector<16xf32>,
      %swap3A_232 = arith.constant 192 : index
      %swap3A_233 = tpu.vector_load %arg11[%swap3A_232] {strides = array<i32>} : memref<512xf32, #tpu.memory_space<vmem>>, vector<16xf32>,
      tpu.vector_store %arg11[%swap3A_232], %gather3A_231 {strides = array<i32>} : memref<512xf32, #tpu.memory_space<vmem>>, vector<16xf32>,
      %gather3A_234 = tpu.vector_load_idx %arg6[%get3A_230] : memref<8192xf32, #tpu.memory_space<vmem>>[vector<16xi32>], vector<16xf32>,
      %swap3A_235 = arith.constant 192 : index
      %swap3A_236 = tpu.vector_load %arg12[%swap3A_235] {strides = array<i32>} : memref<512xf32, #tpu.memory_space<vmem>>, vector<16xf32>,
      tpu.vector_store %arg12[%swap3A_235], %gather3A_234 {strides = array<i32>} : memref<512xf32, #tpu.memory_space<vmem>>, vector<16xf32>,
      %gather3A_237 = tpu.vector_load_idx %arg7[%get3A_230] : memref<8192xf32, #tpu.memory_space<vmem>>[vector<16xi32>], vector<16xf32>,
      %swap3A_238 = arith.constant 192 : index
      %swap3A_239 = tpu.vector_load %arg13[%swap3A_238] {strides = array<i32>} : memref<512xf32, #tpu.memory_space<vmem>>, vector<16xf32>,
      tpu.vector_store %arg13[%swap3A_238], %gather3A_237 {strides = array<i32>} : memref<512xf32, #tpu.memory_space<vmem>>, vector<16xf32>,
      %get3A_240 = arith.constant 208 : index
      %get3A_241 = tpu.vector_load %arg10[%get3A_240] {strides = array<i32>} : memref<512xi32, #tpu.memory_space<vmem>>, vector<16xi32>,
      %gather3A_242 = tpu.vector_load_idx %arg5[%get3A_241] : memref<8192xf32, #tpu.memory_space<vmem>>[vector<16xi32>], vector<16xf32>,
      %swap3A_243 = arith.constant 208 : index
      %swap3A_244 = tpu.vector_load %arg11[%swap3A_243] {strides = array<i32>} : memref<512xf32, #tpu.memory_space<vmem>>, vector<16xf32>,
      tpu.vector_store %arg11[%swap3A_243], %gather3A_242 {strides = array<i32>} : memref<512xf32, #tpu.memory_space<vmem>>, vector<16xf32>,
      %gather3A_245 = tpu.vector_load_idx %arg6[%get3A_241] : memref<8192xf32, #tpu.memory_space<vmem>>[vector<16xi32>], vector<16xf32>,
      %swap3A_246 = arith.constant 208 : index
      %swap3A_247 = tpu.vector_load %arg12[%swap3A_246] {strides = array<i32>} : memref<512xf32, #tpu.memory_space<vmem>>, vector<16xf32>,
      tpu.vector_store %arg12[%swap3A_246], %gather3A_245 {strides = array<i32>} : memref<512xf32, #tpu.memory_space<vmem>>, vector<16xf32>,
      %gather3A_248 = tpu.vector_load_idx %arg7[%get3A_241] : memref<8192xf32, #tpu.memory_space<vmem>>[vector<16xi32>], vector<16xf32>,
      %swap3A_249 = arith.constant 208 : index
      %swap3A_250 = tpu.vector_load %arg13[%swap3A_249] {strides = array<i32>} : memref<512xf32, #tpu.memory_space<vmem>>, vector<16xf32>,
      tpu.vector_store %arg13[%swap3A_249], %gather3A_248 {strides = array<i32>} : memref<512xf32, #tpu.memory_space<vmem>>, vector<16xf32>,
      %get3A_251 = arith.constant 224 : index
      %get3A_252 = tpu.vector_load %arg10[%get3A_251] {strides = array<i32>} : memref<512xi32, #tpu.memory_space<vmem>>, vector<16xi32>,
      %gather3A_253 = tpu.vector_load_idx %arg5[%get3A_252] : memref<8192xf32, #tpu.memory_space<vmem>>[vector<16xi32>], vector<16xf32>,
      %swap3A_254 = arith.constant 224 : index
      %swap3A_255 = tpu.vector_load %arg11[%swap3A_254] {strides = array<i32>} : memref<512xf32, #tpu.memory_space<vmem>>, vector<16xf32>,
      tpu.vector_store %arg11[%swap3A_254], %gather3A_253 {strides = array<i32>} : memref<512xf32, #tpu.memory_space<vmem>>, vector<16xf32>,
      %gather3A_256 = tpu.vector_load_idx %arg6[%get3A_252] : memref<8192xf32, #tpu.memory_space<vmem>>[vector<16xi32>], vector<16xf32>,
      %swap3A_257 = arith.constant 224 : index
      %swap3A_258 = tpu.vector_load %arg12[%swap3A_257] {strides = array<i32>} : memref<512xf32, #tpu.memory_space<vmem>>, vector<16xf32>,
      tpu.vector_store %arg12[%swap3A_257], %gather3A_256 {strides = array<i32>} : memref<512xf32, #tpu.memory_space<vmem>>, vector<16xf32>,
      %gather3A_259 = tpu.vector_load_idx %arg7[%get3A_252] : memref<8192xf32, #tpu.memory_space<vmem>>[vector<16xi32>], vector<16xf32>,
      %swap3A_260 = arith.constant 224 : index
      %swap3A_261 = tpu.vector_load %arg13[%swap3A_260] {strides = array<i32>} : memref<512xf32, #tpu.memory_space<vmem>>, vector<16xf32>,
      tpu.vector_store %arg13[%swap3A_260], %gather3A_259 {strides = array<i32>} : memref<512xf32, #tpu.memory_space<vmem>>, vector<16xf32>,
      %get3A_262 = arith.constant 240 : index
      %get3A_263 = tpu.vector_load %arg10[%get3A_262] {strides = array<i32>} : memref<512xi32, #tpu.memory_space<vmem>>, vector<16xi32>,
      %gather3A_264 = tpu.vector_load_idx %arg5[%get3A_263] : memref<8192xf32, #tpu.memory_space<vmem>>[vector<16xi32>], vector<16xf32>,
      %swap3A_265 = arith.constant 240 : index
      %swap3A_266 = tpu.vector_load %arg11[%swap3A_265] {strides = array<i32>} : memref<512xf32, #tpu.memory_space<vmem>>, vector<16xf32>,
      tpu.vector_store %arg11[%swap3A_265], %gather3A_264 {strides = array<i32>} : memref<512xf32, #tpu.memory_space<vmem>>, vector<16xf32>,
      %gather3A_267 = tpu.vector_load_idx %arg6[%get3A_263] : memref<8192xf32, #tpu.memory_space<vmem>>[vector<16xi32>], vector<16xf32>,
      %swap3A_268 = arith.constant 240 : index
      %swap3A_269 = tpu.vector_load %arg12[%swap3A_268] {strides = array<i32>} : memref<512xf32, #tpu.memory_space<vmem>>, vector<16xf32>,
      tpu.vector_store %arg12[%swap3A_268], %gather3A_267 {strides = array<i32>} : memref<512xf32, #tpu.memory_space<vmem>>, vector<16xf32>,
      %gather3A_270 = tpu.vector_load_idx %arg7[%get3A_263] : memref<8192xf32, #tpu.memory_space<vmem>>[vector<16xi32>], vector<16xf32>,
      %swap3A_271 = arith.constant 240 : index
      %swap3A_272 = tpu.vector_load %arg13[%swap3A_271] {strides = array<i32>} : memref<512xf32, #tpu.memory_space<vmem>>, vector<16xf32>,
      tpu.vector_store %arg13[%swap3A_271], %gather3A_270 {strides = array<i32>} : memref<512xf32, #tpu.memory_space<vmem>>, vector<16xf32>,
      %get3A_273 = arith.constant 256 : index
      %get3A_274 = tpu.vector_load %arg10[%get3A_273] {strides = array<i32>} : memref<512xi32, #tpu.memory_space<vmem>>, vector<16xi32>,
      %gather3A_275 = tpu.vector_load_idx %arg5[%get3A_274] : memref<8192xf32, #tpu.memory_space<vmem>>[vector<16xi32>], vector<16xf32>,
      %swap3A_276 = arith.constant 256 : index
      %swap3A_277 = tpu.vector_load %arg11[%swap3A_276] {strides = array<i32>} : memref<512xf32, #tpu.memory_space<vmem>>, vector<16xf32>,
      tpu.vector_store %arg11[%swap3A_276], %gather3A_275 {strides = array<i32>} : memref<512xf32, #tpu.memory_space<vmem>>, vector<16xf32>,
      %gather3A_278 = tpu.vector_load_idx %arg6[%get3A_274] : memref<8192xf32, #tpu.memory_space<vmem>>[vector<16xi32>], vector<16xf32>,
      %swap3A_279 = arith.constant 256 : index
      %swap3A_280 = tpu.vector_load %arg12[%swap3A_279] {strides = array<i32>} : memref<512xf32, #tpu.memory_space<vmem>>, vector<16xf32>,
      tpu.vector_store %arg12[%swap3A_279], %gather3A_278 {strides = array<i32>} : memref<512xf32, #tpu.memory_space<vmem>>, vector<16xf32>,
      %gather3A_281 = tpu.vector_load_idx %arg7[%get3A_274] : memref<8192xf32, #tpu.memory_space<vmem>>[vector<16xi32>], vector<16xf32>,
      %swap3A_282 = arith.constant 256 : index
      %swap3A_283 = tpu.vector_load %arg13[%swap3A_282] {strides = array<i32>} : memref<512xf32, #tpu.memory_space<vmem>>, vector<16xf32>,
      tpu.vector_store %arg13[%swap3A_282], %gather3A_281 {strides = array<i32>} : memref<512xf32, #tpu.memory_space<vmem>>, vector<16xf32>,
      %get3A_284 = arith.constant 272 : index
      %get3A_285 = tpu.vector_load %arg10[%get3A_284] {strides = array<i32>} : memref<512xi32, #tpu.memory_space<vmem>>, vector<16xi32>,
      %gather3A_286 = tpu.vector_load_idx %arg5[%get3A_285] : memref<8192xf32, #tpu.memory_space<vmem>>[vector<16xi32>], vector<16xf32>,
      %swap3A_287 = arith.constant 272 : index
      %swap3A_288 = tpu.vector_load %arg11[%swap3A_287] {strides = array<i32>} : memref<512xf32, #tpu.memory_space<vmem>>, vector<16xf32>,
      tpu.vector_store %arg11[%swap3A_287], %gather3A_286 {strides = array<i32>} : memref<512xf32, #tpu.memory_space<vmem>>, vector<16xf32>,
      %gather3A_289 = tpu.vector_load_idx %arg6[%get3A_285] : memref<8192xf32, #tpu.memory_space<vmem>>[vector<16xi32>], vector<16xf32>,
      %swap3A_290 = arith.constant 272 : index
      %swap3A_291 = tpu.vector_load %arg12[%swap3A_290] {strides = array<i32>} : memref<512xf32, #tpu.memory_space<vmem>>, vector<16xf32>,
      tpu.vector_store %arg12[%swap3A_290], %gather3A_289 {strides = array<i32>} : memref<512xf32, #tpu.memory_space<vmem>>, vector<16xf32>,
      %gather3A_292 = tpu.vector_load_idx %arg7[%get3A_285] : memref<8192xf32, #tpu.memory_space<vmem>>[vector<16xi32>], vector<16xf32>,
      %swap3A_293 = arith.constant 272 : index
      %swap3A_294 = tpu.vector_load %arg13[%swap3A_293] {strides = array<i32>} : memref<512xf32, #tpu.memory_space<vmem>>, vector<16xf32>,
      tpu.vector_store %arg13[%swap3A_293], %gather3A_292 {strides = array<i32>} : memref<512xf32, #tpu.memory_space<vmem>>, vector<16xf32>,
      %get3A_295 = arith.constant 288 : index
      %get3A_296 = tpu.vector_load %arg10[%get3A_295] {strides = array<i32>} : memref<512xi32, #tpu.memory_space<vmem>>, vector<16xi32>,
      %gather3A_297 = tpu.vector_load_idx %arg5[%get3A_296] : memref<8192xf32, #tpu.memory_space<vmem>>[vector<16xi32>], vector<16xf32>,
      %swap3A_298 = arith.constant 288 : index
      %swap3A_299 = tpu.vector_load %arg11[%swap3A_298] {strides = array<i32>} : memref<512xf32, #tpu.memory_space<vmem>>, vector<16xf32>,
      tpu.vector_store %arg11[%swap3A_298], %gather3A_297 {strides = array<i32>} : memref<512xf32, #tpu.memory_space<vmem>>, vector<16xf32>,
      %gather3A_300 = tpu.vector_load_idx %arg6[%get3A_296] : memref<8192xf32, #tpu.memory_space<vmem>>[vector<16xi32>], vector<16xf32>,
      %swap3A_301 = arith.constant 288 : index
      %swap3A_302 = tpu.vector_load %arg12[%swap3A_301] {strides = array<i32>} : memref<512xf32, #tpu.memory_space<vmem>>, vector<16xf32>,
      tpu.vector_store %arg12[%swap3A_301], %gather3A_300 {strides = array<i32>} : memref<512xf32, #tpu.memory_space<vmem>>, vector<16xf32>,
      %gather3A_303 = tpu.vector_load_idx %arg7[%get3A_296] : memref<8192xf32, #tpu.memory_space<vmem>>[vector<16xi32>], vector<16xf32>,
      %swap3A_304 = arith.constant 288 : index
      %swap3A_305 = tpu.vector_load %arg13[%swap3A_304] {strides = array<i32>} : memref<512xf32, #tpu.memory_space<vmem>>, vector<16xf32>,
      tpu.vector_store %arg13[%swap3A_304], %gather3A_303 {strides = array<i32>} : memref<512xf32, #tpu.memory_space<vmem>>, vector<16xf32>,
      %get3A_306 = arith.constant 304 : index
      %get3A_307 = tpu.vector_load %arg10[%get3A_306] {strides = array<i32>} : memref<512xi32, #tpu.memory_space<vmem>>, vector<16xi32>,
      %gather3A_308 = tpu.vector_load_idx %arg5[%get3A_307] : memref<8192xf32, #tpu.memory_space<vmem>>[vector<16xi32>], vector<16xf32>,
      %swap3A_309 = arith.constant 304 : index
      %swap3A_310 = tpu.vector_load %arg11[%swap3A_309] {strides = array<i32>} : memref<512xf32, #tpu.memory_space<vmem>>, vector<16xf32>,
      tpu.vector_store %arg11[%swap3A_309], %gather3A_308 {strides = array<i32>} : memref<512xf32, #tpu.memory_space<vmem>>, vector<16xf32>,
      %gather3A_311 = tpu.vector_load_idx %arg6[%get3A_307] : memref<8192xf32, #tpu.memory_space<vmem>>[vector<16xi32>], vector<16xf32>,
      %swap3A_312 = arith.constant 304 : index
      %swap3A_313 = tpu.vector_load %arg12[%swap3A_312] {strides = array<i32>} : memref<512xf32, #tpu.memory_space<vmem>>, vector<16xf32>,
      tpu.vector_store %arg12[%swap3A_312], %gather3A_311 {strides = array<i32>} : memref<512xf32, #tpu.memory_space<vmem>>, vector<16xf32>,
      %gather3A_314 = tpu.vector_load_idx %arg7[%get3A_307] : memref<8192xf32, #tpu.memory_space<vmem>>[vector<16xi32>], vector<16xf32>,
      %swap3A_315 = arith.constant 304 : index
      %swap3A_316 = tpu.vector_load %arg13[%swap3A_315] {strides = array<i32>} : memref<512xf32, #tpu.memory_space<vmem>>, vector<16xf32>,
      tpu.vector_store %arg13[%swap3A_315], %gather3A_314 {strides = array<i32>} : memref<512xf32, #tpu.memory_space<vmem>>, vector<16xf32>,
      %get3A_317 = arith.constant 320 : index
      %get3A_318 = tpu.vector_load %arg10[%get3A_317] {strides = array<i32>} : memref<512xi32, #tpu.memory_space<vmem>>, vector<16xi32>,
      %gather3A_319 = tpu.vector_load_idx %arg5[%get3A_318] : memref<8192xf32, #tpu.memory_space<vmem>>[vector<16xi32>], vector<16xf32>,
      %swap3A_320 = arith.constant 320 : index
      %swap3A_321 = tpu.vector_load %arg11[%swap3A_320] {strides = array<i32>} : memref<512xf32, #tpu.memory_space<vmem>>, vector<16xf32>,
      tpu.vector_store %arg11[%swap3A_320], %gather3A_319 {strides = array<i32>} : memref<512xf32, #tpu.memory_space<vmem>>, vector<16xf32>,
      %gather3A_322 = tpu.vector_load_idx %arg6[%get3A_318] : memref<8192xf32, #tpu.memory_space<vmem>>[vector<16xi32>], vector<16xf32>,
      %swap3A_323 = arith.constant 320 : index
      %swap3A_324 = tpu.vector_load %arg12[%swap3A_323] {strides = array<i32>} : memref<512xf32, #tpu.memory_space<vmem>>, vector<16xf32>,
      tpu.vector_store %arg12[%swap3A_323], %gather3A_322 {strides = array<i32>} : memref<512xf32, #tpu.memory_space<vmem>>, vector<16xf32>,
      %gather3A_325 = tpu.vector_load_idx %arg7[%get3A_318] : memref<8192xf32, #tpu.memory_space<vmem>>[vector<16xi32>], vector<16xf32>,
      %swap3A_326 = arith.constant 320 : index
      %swap3A_327 = tpu.vector_load %arg13[%swap3A_326] {strides = array<i32>} : memref<512xf32, #tpu.memory_space<vmem>>, vector<16xf32>,
      tpu.vector_store %arg13[%swap3A_326], %gather3A_325 {strides = array<i32>} : memref<512xf32, #tpu.memory_space<vmem>>, vector<16xf32>,
      %get3A_328 = arith.constant 336 : index
      %get3A_329 = tpu.vector_load %arg10[%get3A_328] {strides = array<i32>} : memref<512xi32, #tpu.memory_space<vmem>>, vector<16xi32>,
      %gather3A_330 = tpu.vector_load_idx %arg5[%get3A_329] : memref<8192xf32, #tpu.memory_space<vmem>>[vector<16xi32>], vector<16xf32>,
      %swap3A_331 = arith.constant 336 : index
      %swap3A_332 = tpu.vector_load %arg11[%swap3A_331] {strides = array<i32>} : memref<512xf32, #tpu.memory_space<vmem>>, vector<16xf32>,
      tpu.vector_store %arg11[%swap3A_331], %gather3A_330 {strides = array<i32>} : memref<512xf32, #tpu.memory_space<vmem>>, vector<16xf32>,
      %gather3A_333 = tpu.vector_load_idx %arg6[%get3A_329] : memref<8192xf32, #tpu.memory_space<vmem>>[vector<16xi32>], vector<16xf32>,
      %swap3A_334 = arith.constant 336 : index
      %swap3A_335 = tpu.vector_load %arg12[%swap3A_334] {strides = array<i32>} : memref<512xf32, #tpu.memory_space<vmem>>, vector<16xf32>,
      tpu.vector_store %arg12[%swap3A_334], %gather3A_333 {strides = array<i32>} : memref<512xf32, #tpu.memory_space<vmem>>, vector<16xf32>,
      %gather3A_336 = tpu.vector_load_idx %arg7[%get3A_329] : memref<8192xf32, #tpu.memory_space<vmem>>[vector<16xi32>], vector<16xf32>,
      %swap3A_337 = arith.constant 336 : index
      %swap3A_338 = tpu.vector_load %arg13[%swap3A_337] {strides = array<i32>} : memref<512xf32, #tpu.memory_space<vmem>>, vector<16xf32>,
      tpu.vector_store %arg13[%swap3A_337], %gather3A_336 {strides = array<i32>} : memref<512xf32, #tpu.memory_space<vmem>>, vector<16xf32>,
      %get3A_339 = arith.constant 352 : index
      %get3A_340 = tpu.vector_load %arg10[%get3A_339] {strides = array<i32>} : memref<512xi32, #tpu.memory_space<vmem>>, vector<16xi32>,
      %gather3A_341 = tpu.vector_load_idx %arg5[%get3A_340] : memref<8192xf32, #tpu.memory_space<vmem>>[vector<16xi32>], vector<16xf32>,
      %swap3A_342 = arith.constant 352 : index
      %swap3A_343 = tpu.vector_load %arg11[%swap3A_342] {strides = array<i32>} : memref<512xf32, #tpu.memory_space<vmem>>, vector<16xf32>,
      tpu.vector_store %arg11[%swap3A_342], %gather3A_341 {strides = array<i32>} : memref<512xf32, #tpu.memory_space<vmem>>, vector<16xf32>,
      %gather3A_344 = tpu.vector_load_idx %arg6[%get3A_340] : memref<8192xf32, #tpu.memory_space<vmem>>[vector<16xi32>], vector<16xf32>,
      %swap3A_345 = arith.constant 352 : index
      %swap3A_346 = tpu.vector_load %arg12[%swap3A_345] {strides = array<i32>} : memref<512xf32, #tpu.memory_space<vmem>>, vector<16xf32>,
      tpu.vector_store %arg12[%swap3A_345], %gather3A_344 {strides = array<i32>} : memref<512xf32, #tpu.memory_space<vmem>>, vector<16xf32>,
      %gather3A_347 = tpu.vector_load_idx %arg7[%get3A_340] : memref<8192xf32, #tpu.memory_space<vmem>>[vector<16xi32>], vector<16xf32>,
      %swap3A_348 = arith.constant 352 : index
      %swap3A_349 = tpu.vector_load %arg13[%swap3A_348] {strides = array<i32>} : memref<512xf32, #tpu.memory_space<vmem>>, vector<16xf32>,
      tpu.vector_store %arg13[%swap3A_348], %gather3A_347 {strides = array<i32>} : memref<512xf32, #tpu.memory_space<vmem>>, vector<16xf32>,
      %get3A_350 = arith.constant 368 : index
      %get3A_351 = tpu.vector_load %arg10[%get3A_350] {strides = array<i32>} : memref<512xi32, #tpu.memory_space<vmem>>, vector<16xi32>,
      %gather3A_352 = tpu.vector_load_idx %arg5[%get3A_351] : memref<8192xf32, #tpu.memory_space<vmem>>[vector<16xi32>], vector<16xf32>,
      %swap3A_353 = arith.constant 368 : index
      %swap3A_354 = tpu.vector_load %arg11[%swap3A_353] {strides = array<i32>} : memref<512xf32, #tpu.memory_space<vmem>>, vector<16xf32>,
      tpu.vector_store %arg11[%swap3A_353], %gather3A_352 {strides = array<i32>} : memref<512xf32, #tpu.memory_space<vmem>>, vector<16xf32>,
      %gather3A_355 = tpu.vector_load_idx %arg6[%get3A_351] : memref<8192xf32, #tpu.memory_space<vmem>>[vector<16xi32>], vector<16xf32>,
      %swap3A_356 = arith.constant 368 : index
      %swap3A_357 = tpu.vector_load %arg12[%swap3A_356] {strides = array<i32>} : memref<512xf32, #tpu.memory_space<vmem>>, vector<16xf32>,
      tpu.vector_store %arg12[%swap3A_356], %gather3A_355 {strides = array<i32>} : memref<512xf32, #tpu.memory_space<vmem>>, vector<16xf32>,
      %gather3A_358 = tpu.vector_load_idx %arg7[%get3A_351] : memref<8192xf32, #tpu.memory_space<vmem>>[vector<16xi32>], vector<16xf32>,
      %swap3A_359 = arith.constant 368 : index
      %swap3A_360 = tpu.vector_load %arg13[%swap3A_359] {strides = array<i32>} : memref<512xf32, #tpu.memory_space<vmem>>, vector<16xf32>,
      tpu.vector_store %arg13[%swap3A_359], %gather3A_358 {strides = array<i32>} : memref<512xf32, #tpu.memory_space<vmem>>, vector<16xf32>,
      %get3A_361 = arith.constant 384 : index
      %get3A_362 = tpu.vector_load %arg10[%get3A_361] {strides = array<i32>} : memref<512xi32, #tpu.memory_space<vmem>>, vector<16xi32>,
      %gather3A_363 = tpu.vector_load_idx %arg5[%get3A_362] : memref<8192xf32, #tpu.memory_space<vmem>>[vector<16xi32>], vector<16xf32>,
      %swap3A_364 = arith.constant 384 : index
      %swap3A_365 = tpu.vector_load %arg11[%swap3A_364] {strides = array<i32>} : memref<512xf32, #tpu.memory_space<vmem>>, vector<16xf32>,
      tpu.vector_store %arg11[%swap3A_364], %gather3A_363 {strides = array<i32>} : memref<512xf32, #tpu.memory_space<vmem>>, vector<16xf32>,
      %gather3A_366 = tpu.vector_load_idx %arg6[%get3A_362] : memref<8192xf32, #tpu.memory_space<vmem>>[vector<16xi32>], vector<16xf32>,
      %swap3A_367 = arith.constant 384 : index
      %swap3A_368 = tpu.vector_load %arg12[%swap3A_367] {strides = array<i32>} : memref<512xf32, #tpu.memory_space<vmem>>, vector<16xf32>,
      tpu.vector_store %arg12[%swap3A_367], %gather3A_366 {strides = array<i32>} : memref<512xf32, #tpu.memory_space<vmem>>, vector<16xf32>,
      %gather3A_369 = tpu.vector_load_idx %arg7[%get3A_362] : memref<8192xf32, #tpu.memory_space<vmem>>[vector<16xi32>], vector<16xf32>,
      %swap3A_370 = arith.constant 384 : index
      %swap3A_371 = tpu.vector_load %arg13[%swap3A_370] {strides = array<i32>} : memref<512xf32, #tpu.memory_space<vmem>>, vector<16xf32>,
      tpu.vector_store %arg13[%swap3A_370], %gather3A_369 {strides = array<i32>} : memref<512xf32, #tpu.memory_space<vmem>>, vector<16xf32>,
      %get3A_372 = arith.constant 400 : index
      %get3A_373 = tpu.vector_load %arg10[%get3A_372] {strides = array<i32>} : memref<512xi32, #tpu.memory_space<vmem>>, vector<16xi32>,
      %gather3A_374 = tpu.vector_load_idx %arg5[%get3A_373] : memref<8192xf32, #tpu.memory_space<vmem>>[vector<16xi32>], vector<16xf32>,
      %swap3A_375 = arith.constant 400 : index
      %swap3A_376 = tpu.vector_load %arg11[%swap3A_375] {strides = array<i32>} : memref<512xf32, #tpu.memory_space<vmem>>, vector<16xf32>,
      tpu.vector_store %arg11[%swap3A_375], %gather3A_374 {strides = array<i32>} : memref<512xf32, #tpu.memory_space<vmem>>, vector<16xf32>,
      %gather3A_377 = tpu.vector_load_idx %arg6[%get3A_373] : memref<8192xf32, #tpu.memory_space<vmem>>[vector<16xi32>], vector<16xf32>,
      %swap3A_378 = arith.constant 400 : index
      %swap3A_379 = tpu.vector_load %arg12[%swap3A_378] {strides = array<i32>} : memref<512xf32, #tpu.memory_space<vmem>>, vector<16xf32>,
      tpu.vector_store %arg12[%swap3A_378], %gather3A_377 {strides = array<i32>} : memref<512xf32, #tpu.memory_space<vmem>>, vector<16xf32>,
      %gather3A_380 = tpu.vector_load_idx %arg7[%get3A_373] : memref<8192xf32, #tpu.memory_space<vmem>>[vector<16xi32>], vector<16xf32>,
      %swap3A_381 = arith.constant 400 : index
      %swap3A_382 = tpu.vector_load %arg13[%swap3A_381] {strides = array<i32>} : memref<512xf32, #tpu.memory_space<vmem>>, vector<16xf32>,
      tpu.vector_store %arg13[%swap3A_381], %gather3A_380 {strides = array<i32>} : memref<512xf32, #tpu.memory_space<vmem>>, vector<16xf32>,
      %get3A_383 = arith.constant 416 : index
      %get3A_384 = tpu.vector_load %arg10[%get3A_383] {strides = array<i32>} : memref<512xi32, #tpu.memory_space<vmem>>, vector<16xi32>,
      %gather3A_385 = tpu.vector_load_idx %arg5[%get3A_384] : memref<8192xf32, #tpu.memory_space<vmem>>[vector<16xi32>], vector<16xf32>,
      %swap3A_386 = arith.constant 416 : index
      %swap3A_387 = tpu.vector_load %arg11[%swap3A_386] {strides = array<i32>} : memref<512xf32, #tpu.memory_space<vmem>>, vector<16xf32>,
      tpu.vector_store %arg11[%swap3A_386], %gather3A_385 {strides = array<i32>} : memref<512xf32, #tpu.memory_space<vmem>>, vector<16xf32>,
      %gather3A_388 = tpu.vector_load_idx %arg6[%get3A_384] : memref<8192xf32, #tpu.memory_space<vmem>>[vector<16xi32>], vector<16xf32>,
      %swap3A_389 = arith.constant 416 : index
      %swap3A_390 = tpu.vector_load %arg12[%swap3A_389] {strides = array<i32>} : memref<512xf32, #tpu.memory_space<vmem>>, vector<16xf32>,
      tpu.vector_store %arg12[%swap3A_389], %gather3A_388 {strides = array<i32>} : memref<512xf32, #tpu.memory_space<vmem>>, vector<16xf32>,
      %gather3A_391 = tpu.vector_load_idx %arg7[%get3A_384] : memref<8192xf32, #tpu.memory_space<vmem>>[vector<16xi32>], vector<16xf32>,
      %swap3A_392 = arith.constant 416 : index
      %swap3A_393 = tpu.vector_load %arg13[%swap3A_392] {strides = array<i32>} : memref<512xf32, #tpu.memory_space<vmem>>, vector<16xf32>,
      tpu.vector_store %arg13[%swap3A_392], %gather3A_391 {strides = array<i32>} : memref<512xf32, #tpu.memory_space<vmem>>, vector<16xf32>,
      %get3A_394 = arith.constant 432 : index
      %get3A_395 = tpu.vector_load %arg10[%get3A_394] {strides = array<i32>} : memref<512xi32, #tpu.memory_space<vmem>>, vector<16xi32>,
      %gather3A_396 = tpu.vector_load_idx %arg5[%get3A_395] : memref<8192xf32, #tpu.memory_space<vmem>>[vector<16xi32>], vector<16xf32>,
      %swap3A_397 = arith.constant 432 : index
      %swap3A_398 = tpu.vector_load %arg11[%swap3A_397] {strides = array<i32>} : memref<512xf32, #tpu.memory_space<vmem>>, vector<16xf32>,
      tpu.vector_store %arg11[%swap3A_397], %gather3A_396 {strides = array<i32>} : memref<512xf32, #tpu.memory_space<vmem>>, vector<16xf32>,
      %gather3A_399 = tpu.vector_load_idx %arg6[%get3A_395] : memref<8192xf32, #tpu.memory_space<vmem>>[vector<16xi32>], vector<16xf32>,
      %swap3A_400 = arith.constant 432 : index
      %swap3A_401 = tpu.vector_load %arg12[%swap3A_400] {strides = array<i32>} : memref<512xf32, #tpu.memory_space<vmem>>, vector<16xf32>,
      tpu.vector_store %arg12[%swap3A_400], %gather3A_399 {strides = array<i32>} : memref<512xf32, #tpu.memory_space<vmem>>, vector<16xf32>,
      %gather3A_402 = tpu.vector_load_idx %arg7[%get3A_395] : memref<8192xf32, #tpu.memory_space<vmem>>[vector<16xi32>], vector<16xf32>,
      %swap3A_403 = arith.constant 432 : index
      %swap3A_404 = tpu.vector_load %arg13[%swap3A_403] {strides = array<i32>} : memref<512xf32, #tpu.memory_space<vmem>>, vector<16xf32>,
      tpu.vector_store %arg13[%swap3A_403], %gather3A_402 {strides = array<i32>} : memref<512xf32, #tpu.memory_space<vmem>>, vector<16xf32>,
      %get3A_405 = arith.constant 448 : index
      %get3A_406 = tpu.vector_load %arg10[%get3A_405] {strides = array<i32>} : memref<512xi32, #tpu.memory_space<vmem>>, vector<16xi32>,
      %gather3A_407 = tpu.vector_load_idx %arg5[%get3A_406] : memref<8192xf32, #tpu.memory_space<vmem>>[vector<16xi32>], vector<16xf32>,
      %swap3A_408 = arith.constant 448 : index
      %swap3A_409 = tpu.vector_load %arg11[%swap3A_408] {strides = array<i32>} : memref<512xf32, #tpu.memory_space<vmem>>, vector<16xf32>,
      tpu.vector_store %arg11[%swap3A_408], %gather3A_407 {strides = array<i32>} : memref<512xf32, #tpu.memory_space<vmem>>, vector<16xf32>,
      %gather3A_410 = tpu.vector_load_idx %arg6[%get3A_406] : memref<8192xf32, #tpu.memory_space<vmem>>[vector<16xi32>], vector<16xf32>,
      %swap3A_411 = arith.constant 448 : index
      %swap3A_412 = tpu.vector_load %arg12[%swap3A_411] {strides = array<i32>} : memref<512xf32, #tpu.memory_space<vmem>>, vector<16xf32>,
      tpu.vector_store %arg12[%swap3A_411], %gather3A_410 {strides = array<i32>} : memref<512xf32, #tpu.memory_space<vmem>>, vector<16xf32>,
      %gather3A_413 = tpu.vector_load_idx %arg7[%get3A_406] : memref<8192xf32, #tpu.memory_space<vmem>>[vector<16xi32>], vector<16xf32>,
      %swap3A_414 = arith.constant 448 : index
      %swap3A_415 = tpu.vector_load %arg13[%swap3A_414] {strides = array<i32>} : memref<512xf32, #tpu.memory_space<vmem>>, vector<16xf32>,
      tpu.vector_store %arg13[%swap3A_414], %gather3A_413 {strides = array<i32>} : memref<512xf32, #tpu.memory_space<vmem>>, vector<16xf32>,
      %get3A_416 = arith.constant 464 : index
      %get3A_417 = tpu.vector_load %arg10[%get3A_416] {strides = array<i32>} : memref<512xi32, #tpu.memory_space<vmem>>, vector<16xi32>,
      %gather3A_418 = tpu.vector_load_idx %arg5[%get3A_417] : memref<8192xf32, #tpu.memory_space<vmem>>[vector<16xi32>], vector<16xf32>,
      %swap3A_419 = arith.constant 464 : index
      %swap3A_420 = tpu.vector_load %arg11[%swap3A_419] {strides = array<i32>} : memref<512xf32, #tpu.memory_space<vmem>>, vector<16xf32>,
      tpu.vector_store %arg11[%swap3A_419], %gather3A_418 {strides = array<i32>} : memref<512xf32, #tpu.memory_space<vmem>>, vector<16xf32>,
      %gather3A_421 = tpu.vector_load_idx %arg6[%get3A_417] : memref<8192xf32, #tpu.memory_space<vmem>>[vector<16xi32>], vector<16xf32>,
      %swap3A_422 = arith.constant 464 : index
      %swap3A_423 = tpu.vector_load %arg12[%swap3A_422] {strides = array<i32>} : memref<512xf32, #tpu.memory_space<vmem>>, vector<16xf32>,
      tpu.vector_store %arg12[%swap3A_422], %gather3A_421 {strides = array<i32>} : memref<512xf32, #tpu.memory_space<vmem>>, vector<16xf32>,
      %gather3A_424 = tpu.vector_load_idx %arg7[%get3A_417] : memref<8192xf32, #tpu.memory_space<vmem>>[vector<16xi32>], vector<16xf32>,
      %swap3A_425 = arith.constant 464 : index
      %swap3A_426 = tpu.vector_load %arg13[%swap3A_425] {strides = array<i32>} : memref<512xf32, #tpu.memory_space<vmem>>, vector<16xf32>,
      tpu.vector_store %arg13[%swap3A_425], %gather3A_424 {strides = array<i32>} : memref<512xf32, #tpu.memory_space<vmem>>, vector<16xf32>,
      %get3A_427 = arith.constant 480 : index
      %get3A_428 = tpu.vector_load %arg10[%get3A_427] {strides = array<i32>} : memref<512xi32, #tpu.memory_space<vmem>>, vector<16xi32>,
      %gather3A_429 = tpu.vector_load_idx %arg5[%get3A_428] : memref<8192xf32, #tpu.memory_space<vmem>>[vector<16xi32>], vector<16xf32>,
      %swap3A_430 = arith.constant 480 : index
      %swap3A_431 = tpu.vector_load %arg11[%swap3A_430] {strides = array<i32>} : memref<512xf32, #tpu.memory_space<vmem>>, vector<16xf32>,
      tpu.vector_store %arg11[%swap3A_430], %gather3A_429 {strides = array<i32>} : memref<512xf32, #tpu.memory_space<vmem>>, vector<16xf32>,
      %gather3A_432 = tpu.vector_load_idx %arg6[%get3A_428] : memref<8192xf32, #tpu.memory_space<vmem>>[vector<16xi32>], vector<16xf32>,
      %swap3A_433 = arith.constant 480 : index
      %swap3A_434 = tpu.vector_load %arg12[%swap3A_433] {strides = array<i32>} : memref<512xf32, #tpu.memory_space<vmem>>, vector<16xf32>,
      tpu.vector_store %arg12[%swap3A_433], %gather3A_432 {strides = array<i32>} : memref<512xf32, #tpu.memory_space<vmem>>, vector<16xf32>,
      %gather3A_435 = tpu.vector_load_idx %arg7[%get3A_428] : memref<8192xf32, #tpu.memory_space<vmem>>[vector<16xi32>], vector<16xf32>,
      %swap3A_436 = arith.constant 480 : index
      %swap3A_437 = tpu.vector_load %arg13[%swap3A_436] {strides = array<i32>} : memref<512xf32, #tpu.memory_space<vmem>>, vector<16xf32>,
      tpu.vector_store %arg13[%swap3A_436], %gather3A_435 {strides = array<i32>} : memref<512xf32, #tpu.memory_space<vmem>>, vector<16xf32>,
      %get3A_438 = arith.constant 496 : index
      %get3A_439 = tpu.vector_load %arg10[%get3A_438] {strides = array<i32>} : memref<512xi32, #tpu.memory_space<vmem>>, vector<16xi32>,
      %gather3A_440 = tpu.vector_load_idx %arg5[%get3A_439] : memref<8192xf32, #tpu.memory_space<vmem>>[vector<16xi32>], vector<16xf32>,
      %swap3A_441 = arith.constant 496 : index
      %swap3A_442 = tpu.vector_load %arg11[%swap3A_441] {strides = array<i32>} : memref<512xf32, #tpu.memory_space<vmem>>, vector<16xf32>,
      tpu.vector_store %arg11[%swap3A_441], %gather3A_440 {strides = array<i32>} : memref<512xf32, #tpu.memory_space<vmem>>, vector<16xf32>,
      %gather3A_443 = tpu.vector_load_idx %arg6[%get3A_439] : memref<8192xf32, #tpu.memory_space<vmem>>[vector<16xi32>], vector<16xf32>,
      %swap3A_444 = arith.constant 496 : index
      %swap3A_445 = tpu.vector_load %arg12[%swap3A_444] {strides = array<i32>} : memref<512xf32, #tpu.memory_space<vmem>>, vector<16xf32>,
      tpu.vector_store %arg12[%swap3A_444], %gather3A_443 {strides = array<i32>} : memref<512xf32, #tpu.memory_space<vmem>>, vector<16xf32>,
      %gather3A_446 = tpu.vector_load_idx %arg7[%get3A_439] : memref<8192xf32, #tpu.memory_space<vmem>>[vector<16xi32>], vector<16xf32>,
      %swap3A_447 = arith.constant 496 : index
      %swap3A_448 = tpu.vector_load %arg13[%swap3A_447] {strides = array<i32>} : memref<512xf32, #tpu.memory_space<vmem>>, vector<16xf32>,
      tpu.vector_store %arg13[%swap3A_447], %gather3A_446 {strides = array<i32>} : memref<512xf32, #tpu.memory_space<vmem>>, vector<16xf32>,
      %mul3A_449 = arith.constant 3 : i32
      %mul3A_450 = arith.muli %add3A, %mul3A_449 : i32
      %add3A_451 = arith.constant 0 : i32
      %add3A_452 = arith.addi %mul3A_450, %add3A_451 : i32
      %mul3A_453 = arith.constant 512 : i32
      %mul3A_454 = arith.muli %add3A_452, %mul3A_453 : i32
      "tpu.region"() ({
        %run_scoped3A = tpu.sem_alloc : memref<!tpu.dma_semaphore, #tpu.memory_space<semaphore_mem>>
        %dma_start3A = tpu.memref_slice %arg4[%mul3A_454] : memref<24576xf32, #tpu.memory_space<hbm>> -> memref<512xf32, #tpu.memory_space<hbm>>
        %dma_start3A_467 = tpu.memref_slice %arg4[%mul3A_454] : memref<24576xf32, #tpu.memory_space<hbm>> -> memref<512xf32, #tpu.memory_space<hbm>>
        tpu.enqueue_dma source(%arg11 : memref<512xf32, #tpu.memory_space<vmem>>) target(%dma_start3A_467 : memref<512xf32, #tpu.memory_space<hbm>>) target_semaphore(%run_scoped3A : memref<!tpu.dma_semaphore, #tpu.memory_space<semaphore_mem>>)
        %dma_wait3A = tpu.memref_slice %arg4[%mul3A_454] : memref<24576xf32, #tpu.memory_space<hbm>> -> memref<512xf32, #tpu.memory_space<hbm>>
        %dma_wait3A_468 = tpu.memref_slice %arg4[%mul3A_454] : memref<24576xf32, #tpu.memory_space<hbm>> -> memref<512xf32, #tpu.memory_space<hbm>>
        tpu.wait_dma2 semaphore(%run_scoped3A : memref<!tpu.dma_semaphore, #tpu.memory_space<semaphore_mem>>) src(%arg11 : memref<512xf32, #tpu.memory_space<vmem>>) dst(%dma_wait3A_468 : memref<512xf32, #tpu.memory_space<hbm>>)
        tpu.yield
      }) : () -> ()
      %mul3A_455 = arith.constant 3 : i32
      %mul3A_456 = arith.muli %add3A, %mul3A_455 : i32
      %add3A_457 = arith.constant 1 : i32
      %add3A_458 = arith.addi %mul3A_456, %add3A_457 : i32
      %mul3A_459 = arith.constant 512 : i32
      %mul3A_460 = arith.muli %add3A_458, %mul3A_459 : i32
      "tpu.region"() ({
        %run_scoped3A = tpu.sem_alloc : memref<!tpu.dma_semaphore, #tpu.memory_space<semaphore_mem>>
        %dma_start3A = tpu.memref_slice %arg4[%mul3A_460] : memref<24576xf32, #tpu.memory_space<hbm>> -> memref<512xf32, #tpu.memory_space<hbm>>
        %dma_start3A_467 = tpu.memref_slice %arg4[%mul3A_460] : memref<24576xf32, #tpu.memory_space<hbm>> -> memref<512xf32, #tpu.memory_space<hbm>>
        tpu.enqueue_dma source(%arg12 : memref<512xf32, #tpu.memory_space<vmem>>) target(%dma_start3A_467 : memref<512xf32, #tpu.memory_space<hbm>>) target_semaphore(%run_scoped3A : memref<!tpu.dma_semaphore, #tpu.memory_space<semaphore_mem>>)
        %dma_wait3A = tpu.memref_slice %arg4[%mul3A_460] : memref<24576xf32, #tpu.memory_space<hbm>> -> memref<512xf32, #tpu.memory_space<hbm>>
        %dma_wait3A_468 = tpu.memref_slice %arg4[%mul3A_460] : memref<24576xf32, #tpu.memory_space<hbm>> -> memref<512xf32, #tpu.memory_space<hbm>>
        tpu.wait_dma2 semaphore(%run_scoped3A : memref<!tpu.dma_semaphore, #tpu.memory_space<semaphore_mem>>) src(%arg12 : memref<512xf32, #tpu.memory_space<vmem>>) dst(%dma_wait3A_468 : memref<512xf32, #tpu.memory_space<hbm>>)
        tpu.yield
      }) : () -> ()
      %mul3A_461 = arith.constant 3 : i32
      %mul3A_462 = arith.muli %add3A, %mul3A_461 : i32
      %add3A_463 = arith.constant 2 : i32
      %add3A_464 = arith.addi %mul3A_462, %add3A_463 : i32
      %mul3A_465 = arith.constant 512 : i32
      %mul3A_466 = arith.muli %add3A_464, %mul3A_465 : i32
      "tpu.region"() ({
        %run_scoped3A = tpu.sem_alloc : memref<!tpu.dma_semaphore, #tpu.memory_space<semaphore_mem>>
        %dma_start3A = tpu.memref_slice %arg4[%mul3A_466] : memref<24576xf32, #tpu.memory_space<hbm>> -> memref<512xf32, #tpu.memory_space<hbm>>
        %dma_start3A_467 = tpu.memref_slice %arg4[%mul3A_466] : memref<24576xf32, #tpu.memory_space<hbm>> -> memref<512xf32, #tpu.memory_space<hbm>>
        tpu.enqueue_dma source(%arg13 : memref<512xf32, #tpu.memory_space<vmem>>) target(%dma_start3A_467 : memref<512xf32, #tpu.memory_space<hbm>>) target_semaphore(%run_scoped3A : memref<!tpu.dma_semaphore, #tpu.memory_space<semaphore_mem>>)
        %dma_wait3A = tpu.memref_slice %arg4[%mul3A_466] : memref<24576xf32, #tpu.memory_space<hbm>> -> memref<512xf32, #tpu.memory_space<hbm>>
        %dma_wait3A_468 = tpu.memref_slice %arg4[%mul3A_466] : memref<24576xf32, #tpu.memory_space<hbm>> -> memref<512xf32, #tpu.memory_space<hbm>>
        tpu.wait_dma2 semaphore(%run_scoped3A : memref<!tpu.dma_semaphore, #tpu.memory_space<semaphore_mem>>) src(%arg13 : memref<512xf32, #tpu.memory_space<vmem>>) dst(%dma_wait3A_468 : memref<512xf32, #tpu.memory_space<hbm>>)
        tpu.yield
      }) : () -> ()
    } else {
    }
    return
  }
}

#map = affine_map<(d0, d1) -> (0)>
module attributes {stable_mosaic.version = 14 : i64} {
  func.func @_knn_body(%arg0: i32, %arg1: i32, %arg2: memref<393216xf32, #tpu.memory_space<hbm>>, %arg3: memref<24576xf32, #tpu.memory_space<hbm>>, %arg4: memref<16xi32, #tpu.memory_space<hbm>>, %arg5: memref<786432xf32, #tpu.memory_space<hbm>>, %arg6: memref<8192xf32, #tpu.memory_space<vmem>>, %arg7: memref<8192xf32, #tpu.memory_space<vmem>>, %arg8: memref<8192xf32, #tpu.memory_space<vmem>>, %arg9: memref<256xf32, #tpu.memory_space<vmem>>, %arg10: memref<256xf32, #tpu.memory_space<vmem>>, %arg11: memref<256xf32, #tpu.memory_space<vmem>>, %arg12: memref<96xf32, #tpu.memory_space<vmem>>, %arg13: memref<96xi32, #tpu.memory_space<vmem>>, %arg14: memref<16xi32, #tpu.memory_space<vmem>>, %arg15: memref<8192xf32, #tpu.memory_space<vmem>>, %arg16: memref<8192xf32, #tpu.memory_space<vmem>>, %arg17: memref<8192xf32, #tpu.memory_space<vmem>>) attributes {dimension_semantics = [#tpu.dimension_semantics<core_parallel>, #tpu.dimension_semantics<subcore_parallel>], iteration_bounds = array<i64: 2, 16>, scalar_prefetch = 0 : i64, scratch_operands = 12 : i64, tpu.core_type = #tpu.core_type<sc_vector_subcore>, window_params = [{transform_indices = #map}, {transform_indices = #map}, {transform_indices = #map}, {transform_indices = #map}]} {
    %mul3A = arith.constant 2 : i32
    %mul3A_0 = arith.muli %arg1, %mul3A : i32
    %add3A = arith.addi %mul3A_0, %arg0 : i32
    %jit3A = arith.constant 2 : i32
    %div3A = arith.divsi %add3A, %jit3A : i32
    %sign3A = arith.constant 0 : i32
    %sign3A_1 = arith.cmpi sgt, %add3A, %sign3A : i32
    %sign3A_2 = arith.extui %sign3A_1 : i1 to i32
    %sign3A_3 = arith.constant 0 : i32
    %sign3A_4 = arith.cmpi slt, %add3A, %sign3A_3 : i32
    %sign3A_5 = arith.extui %sign3A_4 : i1 to i32
    %sign3A_6 = arith.subi %sign3A_2, %sign3A_5 : i32
    %sign3A_7 = arith.constant 0 : i32
    %sign3A_8 = arith.cmpi sgt, %jit3A, %sign3A_7 : i32
    %sign3A_9 = arith.extui %sign3A_8 : i1 to i32
    %sign3A_10 = arith.constant 0 : i32
    %sign3A_11 = arith.cmpi slt, %jit3A, %sign3A_10 : i32
    %sign3A_12 = arith.extui %sign3A_11 : i1 to i32
    %sign3A_13 = arith.subi %sign3A_9, %sign3A_12 : i32
    %ne3A = arith.cmpi ne, %sign3A_6, %sign3A_13 : i32
    %rem3A = arith.remsi %add3A, %jit3A : i32
    %ne3A_14 = arith.constant 0 : i32
    %ne3A_15 = arith.cmpi ne, %rem3A, %ne3A_14 : i32
    %and3A = arith.andi %ne3A, %ne3A_15 : i1
    %sub3A = arith.constant 1 : i32
    %sub3A_16 = arith.subi %div3A, %sub3A : i32
    %select_n3A = arith.select %and3A, %sub3A_16, %div3A : i32
    %jit3A_17 = arith.constant 2 : i32
    %eq3A = arith.constant 0 : i32
    %eq3A_18 = arith.cmpi eq, %jit3A_17, %eq3A : i32
    %jit3A_19 = arith.constant 1 : i32
    %select_n3A_20 = arith.select %eq3A_18, %jit3A_19, %jit3A_17 : i32
    %rem3A_21 = arith.remsi %add3A, %select_n3A_20 : i32
    %ne3A_22 = arith.constant 0 : i32
    %ne3A_23 = arith.cmpi ne, %rem3A_21, %ne3A_22 : i32
    %lt3A = arith.constant 0 : i32
    %lt3A_24 = arith.cmpi slt, %rem3A_21, %lt3A : i32
    %lt3A_25 = arith.constant 0 : i32
    %lt3A_26 = arith.cmpi slt, %select_n3A_20, %lt3A_25 : i32
    %ne3A_27 = arith.xori %lt3A_24, %lt3A_26 : i1
    %and3A_28 = arith.andi %ne3A_27, %ne3A_23 : i1
    %add3A_29 = arith.addi %rem3A_21, %select_n3A_20 : i32
    %select_n3A_30 = arith.select %and3A_28, %add3A_29, %rem3A_21 : i32
    %mul3A_31 = arith.constant 3 : i32
    %mul3A_32 = arith.muli %select_n3A, %mul3A_31 : i32
    %add3A_33 = arith.constant 0 : i32
    %add3A_34 = arith.addi %mul3A_32, %add3A_33 : i32
    %mul3A_35 = arith.constant 8192 : i32
    %mul3A_36 = arith.muli %add3A_34, %mul3A_35 : i32
    "tpu.region"() ({
      %run_scoped3A = tpu.sem_alloc : memref<!tpu.dma_semaphore, #tpu.memory_space<semaphore_mem>>
      %dma_start3A = tpu.memref_slice %arg2[%mul3A_36] : memref<393216xf32, #tpu.memory_space<hbm>> -> memref<8192xf32, #tpu.memory_space<hbm>>
      %dma_start3A_161 = tpu.memref_slice %arg2[%mul3A_36] : memref<393216xf32, #tpu.memory_space<hbm>> -> memref<8192xf32, #tpu.memory_space<hbm>>
      tpu.enqueue_dma source(%dma_start3A_161 : memref<8192xf32, #tpu.memory_space<hbm>>) target(%arg6 : memref<8192xf32, #tpu.memory_space<vmem>>) target_semaphore(%run_scoped3A : memref<!tpu.dma_semaphore, #tpu.memory_space<semaphore_mem>>)
      %dma_wait3A = tpu.memref_slice %arg2[%mul3A_36] : memref<393216xf32, #tpu.memory_space<hbm>> -> memref<8192xf32, #tpu.memory_space<hbm>>
      %dma_wait3A_162 = tpu.memref_slice %arg2[%mul3A_36] : memref<393216xf32, #tpu.memory_space<hbm>> -> memref<8192xf32, #tpu.memory_space<hbm>>
      tpu.wait_dma2 semaphore(%run_scoped3A : memref<!tpu.dma_semaphore, #tpu.memory_space<semaphore_mem>>) src(%dma_wait3A_162 : memref<8192xf32, #tpu.memory_space<hbm>>) dst(%arg6 : memref<8192xf32, #tpu.memory_space<vmem>>)
      tpu.yield
    }) : () -> ()
    %mul3A_37 = arith.constant 3 : i32
    %mul3A_38 = arith.muli %select_n3A, %mul3A_37 : i32
    %add3A_39 = arith.constant 1 : i32
    %add3A_40 = arith.addi %mul3A_38, %add3A_39 : i32
    %mul3A_41 = arith.constant 8192 : i32
    %mul3A_42 = arith.muli %add3A_40, %mul3A_41 : i32
    "tpu.region"() ({
      %run_scoped3A = tpu.sem_alloc : memref<!tpu.dma_semaphore, #tpu.memory_space<semaphore_mem>>
      %dma_start3A = tpu.memref_slice %arg2[%mul3A_42] : memref<393216xf32, #tpu.memory_space<hbm>> -> memref<8192xf32, #tpu.memory_space<hbm>>
      %dma_start3A_161 = tpu.memref_slice %arg2[%mul3A_42] : memref<393216xf32, #tpu.memory_space<hbm>> -> memref<8192xf32, #tpu.memory_space<hbm>>
      tpu.enqueue_dma source(%dma_start3A_161 : memref<8192xf32, #tpu.memory_space<hbm>>) target(%arg7 : memref<8192xf32, #tpu.memory_space<vmem>>) target_semaphore(%run_scoped3A : memref<!tpu.dma_semaphore, #tpu.memory_space<semaphore_mem>>)
      %dma_wait3A = tpu.memref_slice %arg2[%mul3A_42] : memref<393216xf32, #tpu.memory_space<hbm>> -> memref<8192xf32, #tpu.memory_space<hbm>>
      %dma_wait3A_162 = tpu.memref_slice %arg2[%mul3A_42] : memref<393216xf32, #tpu.memory_space<hbm>> -> memref<8192xf32, #tpu.memory_space<hbm>>
      tpu.wait_dma2 semaphore(%run_scoped3A : memref<!tpu.dma_semaphore, #tpu.memory_space<semaphore_mem>>) src(%dma_wait3A_162 : memref<8192xf32, #tpu.memory_space<hbm>>) dst(%arg7 : memref<8192xf32, #tpu.memory_space<vmem>>)
      tpu.yield
    }) : () -> ()
    %mul3A_43 = arith.constant 3 : i32
    %mul3A_44 = arith.muli %select_n3A, %mul3A_43 : i32
    %add3A_45 = arith.constant 2 : i32
    %add3A_46 = arith.addi %mul3A_44, %add3A_45 : i32
    %mul3A_47 = arith.constant 8192 : i32
    %mul3A_48 = arith.muli %add3A_46, %mul3A_47 : i32
    "tpu.region"() ({
      %run_scoped3A = tpu.sem_alloc : memref<!tpu.dma_semaphore, #tpu.memory_space<semaphore_mem>>
      %dma_start3A = tpu.memref_slice %arg2[%mul3A_48] : memref<393216xf32, #tpu.memory_space<hbm>> -> memref<8192xf32, #tpu.memory_space<hbm>>
      %dma_start3A_161 = tpu.memref_slice %arg2[%mul3A_48] : memref<393216xf32, #tpu.memory_space<hbm>> -> memref<8192xf32, #tpu.memory_space<hbm>>
      tpu.enqueue_dma source(%dma_start3A_161 : memref<8192xf32, #tpu.memory_space<hbm>>) target(%arg8 : memref<8192xf32, #tpu.memory_space<vmem>>) target_semaphore(%run_scoped3A : memref<!tpu.dma_semaphore, #tpu.memory_space<semaphore_mem>>)
      %dma_wait3A = tpu.memref_slice %arg2[%mul3A_48] : memref<393216xf32, #tpu.memory_space<hbm>> -> memref<8192xf32, #tpu.memory_space<hbm>>
      %dma_wait3A_162 = tpu.memref_slice %arg2[%mul3A_48] : memref<393216xf32, #tpu.memory_space<hbm>> -> memref<8192xf32, #tpu.memory_space<hbm>>
      tpu.wait_dma2 semaphore(%run_scoped3A : memref<!tpu.dma_semaphore, #tpu.memory_space<semaphore_mem>>) src(%dma_wait3A_162 : memref<8192xf32, #tpu.memory_space<hbm>>) dst(%arg8 : memref<8192xf32, #tpu.memory_space<vmem>>)
      tpu.yield
    }) : () -> ()
    %mul3A_49 = arith.constant 3 : i32
    %mul3A_50 = arith.muli %select_n3A, %mul3A_49 : i32
    %add3A_51 = arith.constant 0 : i32
    %add3A_52 = arith.addi %mul3A_50, %add3A_51 : i32
    %mul3A_53 = arith.constant 512 : i32
    %mul3A_54 = arith.muli %add3A_52, %mul3A_53 : i32
    %mul3A_55 = arith.constant 256 : i32
    %mul3A_56 = arith.muli %select_n3A_30, %mul3A_55 : i32
    %add3A_57 = arith.addi %mul3A_54, %mul3A_56 : i32
    "tpu.region"() ({
      %run_scoped3A = tpu.sem_alloc : memref<!tpu.dma_semaphore, #tpu.memory_space<semaphore_mem>>
      %dma_start3A = tpu.memref_slice %arg3[%add3A_57] : memref<24576xf32, #tpu.memory_space<hbm>> -> memref<256xf32, #tpu.memory_space<hbm>>
      %dma_start3A_161 = tpu.memref_slice %arg3[%add3A_57] : memref<24576xf32, #tpu.memory_space<hbm>> -> memref<256xf32, #tpu.memory_space<hbm>>
      tpu.enqueue_dma source(%dma_start3A_161 : memref<256xf32, #tpu.memory_space<hbm>>) target(%arg9 : memref<256xf32, #tpu.memory_space<vmem>>) target_semaphore(%run_scoped3A : memref<!tpu.dma_semaphore, #tpu.memory_space<semaphore_mem>>)
      %dma_wait3A = tpu.memref_slice %arg3[%add3A_57] : memref<24576xf32, #tpu.memory_space<hbm>> -> memref<256xf32, #tpu.memory_space<hbm>>
      %dma_wait3A_162 = tpu.memref_slice %arg3[%add3A_57] : memref<24576xf32, #tpu.memory_space<hbm>> -> memref<256xf32, #tpu.memory_space<hbm>>
      tpu.wait_dma2 semaphore(%run_scoped3A : memref<!tpu.dma_semaphore, #tpu.memory_space<semaphore_mem>>) src(%dma_wait3A_162 : memref<256xf32, #tpu.memory_space<hbm>>) dst(%arg9 : memref<256xf32, #tpu.memory_space<vmem>>)
      tpu.yield
    }) : () -> ()
    %mul3A_58 = arith.constant 3 : i32
    %mul3A_59 = arith.muli %select_n3A, %mul3A_58 : i32
    %add3A_60 = arith.constant 1 : i32
    %add3A_61 = arith.addi %mul3A_59, %add3A_60 : i32
    %mul3A_62 = arith.constant 512 : i32
    %mul3A_63 = arith.muli %add3A_61, %mul3A_62 : i32
    %mul3A_64 = arith.constant 256 : i32
    %mul3A_65 = arith.muli %select_n3A_30, %mul3A_64 : i32
    %add3A_66 = arith.addi %mul3A_63, %mul3A_65 : i32
    "tpu.region"() ({
      %run_scoped3A = tpu.sem_alloc : memref<!tpu.dma_semaphore, #tpu.memory_space<semaphore_mem>>
      %dma_start3A = tpu.memref_slice %arg3[%add3A_66] : memref<24576xf32, #tpu.memory_space<hbm>> -> memref<256xf32, #tpu.memory_space<hbm>>
      %dma_start3A_161 = tpu.memref_slice %arg3[%add3A_66] : memref<24576xf32, #tpu.memory_space<hbm>> -> memref<256xf32, #tpu.memory_space<hbm>>
      tpu.enqueue_dma source(%dma_start3A_161 : memref<256xf32, #tpu.memory_space<hbm>>) target(%arg10 : memref<256xf32, #tpu.memory_space<vmem>>) target_semaphore(%run_scoped3A : memref<!tpu.dma_semaphore, #tpu.memory_space<semaphore_mem>>)
      %dma_wait3A = tpu.memref_slice %arg3[%add3A_66] : memref<24576xf32, #tpu.memory_space<hbm>> -> memref<256xf32, #tpu.memory_space<hbm>>
      %dma_wait3A_162 = tpu.memref_slice %arg3[%add3A_66] : memref<24576xf32, #tpu.memory_space<hbm>> -> memref<256xf32, #tpu.memory_space<hbm>>
      tpu.wait_dma2 semaphore(%run_scoped3A : memref<!tpu.dma_semaphore, #tpu.memory_space<semaphore_mem>>) src(%dma_wait3A_162 : memref<256xf32, #tpu.memory_space<hbm>>) dst(%arg10 : memref<256xf32, #tpu.memory_space<vmem>>)
      tpu.yield
    }) : () -> ()
    %mul3A_67 = arith.constant 3 : i32
    %mul3A_68 = arith.muli %select_n3A, %mul3A_67 : i32
    %add3A_69 = arith.constant 2 : i32
    %add3A_70 = arith.addi %mul3A_68, %add3A_69 : i32
    %mul3A_71 = arith.constant 512 : i32
    %mul3A_72 = arith.muli %add3A_70, %mul3A_71 : i32
    %mul3A_73 = arith.constant 256 : i32
    %mul3A_74 = arith.muli %select_n3A_30, %mul3A_73 : i32
    %add3A_75 = arith.addi %mul3A_72, %mul3A_74 : i32
    "tpu.region"() ({
      %run_scoped3A = tpu.sem_alloc : memref<!tpu.dma_semaphore, #tpu.memory_space<semaphore_mem>>
      %dma_start3A = tpu.memref_slice %arg3[%add3A_75] : memref<24576xf32, #tpu.memory_space<hbm>> -> memref<256xf32, #tpu.memory_space<hbm>>
      %dma_start3A_161 = tpu.memref_slice %arg3[%add3A_75] : memref<24576xf32, #tpu.memory_space<hbm>> -> memref<256xf32, #tpu.memory_space<hbm>>
      tpu.enqueue_dma source(%dma_start3A_161 : memref<256xf32, #tpu.memory_space<hbm>>) target(%arg11 : memref<256xf32, #tpu.memory_space<vmem>>) target_semaphore(%run_scoped3A : memref<!tpu.dma_semaphore, #tpu.memory_space<semaphore_mem>>)
      %dma_wait3A = tpu.memref_slice %arg3[%add3A_75] : memref<24576xf32, #tpu.memory_space<hbm>> -> memref<256xf32, #tpu.memory_space<hbm>>
      %dma_wait3A_162 = tpu.memref_slice %arg3[%add3A_75] : memref<24576xf32, #tpu.memory_space<hbm>> -> memref<256xf32, #tpu.memory_space<hbm>>
      tpu.wait_dma2 semaphore(%run_scoped3A : memref<!tpu.dma_semaphore, #tpu.memory_space<semaphore_mem>>) src(%dma_wait3A_162 : memref<256xf32, #tpu.memory_space<hbm>>) dst(%arg11 : memref<256xf32, #tpu.memory_space<vmem>>)
      tpu.yield
    }) : () -> ()
    "tpu.region"() ({
      %run_scoped3A = tpu.sem_alloc : memref<!tpu.dma_semaphore, #tpu.memory_space<semaphore_mem>>
      tpu.enqueue_dma source(%arg4 : memref<16xi32, #tpu.memory_space<hbm>>) target(%arg14 : memref<16xi32, #tpu.memory_space<vmem>>) target_semaphore(%run_scoped3A : memref<!tpu.dma_semaphore, #tpu.memory_space<semaphore_mem>>)
      tpu.wait_dma2 semaphore(%run_scoped3A : memref<!tpu.dma_semaphore, #tpu.memory_space<semaphore_mem>>) src(%arg4 : memref<16xi32, #tpu.memory_space<hbm>>) dst(%arg14 : memref<16xi32, #tpu.memory_space<vmem>>)
      tpu.yield
    }) : () -> ()
    %iota3A = tpu.iota {dimensions = array<i32: 0>} : vector<16xi32>
    %iota3A_76 = tpu.iota {dimensions = array<i32: 0>} : vector<16xi32>
    %eq3A_77 = vector.broadcast %select_n3A : i32 to vector<16xi32>
    %eq3A_78 = arith.cmpi eq, %iota3A_76, %eq3A_77 : vector<16xi32>
    %get3A = arith.constant 0 : index
    %get3A_79 = tpu.vector_load %arg14[%get3A] {strides = array<i32>} : memref<16xi32, #tpu.memory_space<vmem>>, vector<16xi32>,
    %convert_element_type3A = arith.sitofp %get3A_79 : vector<16xi32> to vector<16xf32>
    %jit3A_80 = arith.constant 0.000000e+00 : f32
    %broadcast_in_dim3A = vector.broadcast %jit3A_80 : f32 to vector<16xf32>
    %select_n3A_81 = arith.select %eq3A_78, %convert_element_type3A, %broadcast_in_dim3A : vector<16xi1>, vector<16xf32>
    %reduce_max3A = arith.constant true
    %reduce_max3A_82 = vector.broadcast %reduce_max3A : i1 to vector<16xi1>
    %reduce_max3A_83 = tpu.scan <max>, %select_n3A_81 masked %reduce_max3A_82 : vector<16xf32>, vector<16xi1> -> vector<16xf32>
    %reduce_max3A_84 = vector.extract %reduce_max3A_83[15] : f32 from vector<16xf32>
    %convert_element_type3A_85 = arith.fptosi %reduce_max3A_84 : f32 to i32
    %add3A_86 = arith.constant 15 : i32
    %add3A_87 = arith.addi %convert_element_type3A_85, %add3A_86 : i32
    %jit3A_88 = arith.constant 16 : i32
    %div3A_89 = arith.divsi %add3A_87, %jit3A_88 : i32
    %sign3A_90 = arith.constant 0 : i32
    %sign3A_91 = arith.cmpi sgt, %add3A_87, %sign3A_90 : i32
    %sign3A_92 = arith.extui %sign3A_91 : i1 to i32
    %sign3A_93 = arith.constant 0 : i32
    %sign3A_94 = arith.cmpi slt, %add3A_87, %sign3A_93 : i32
    %sign3A_95 = arith.extui %sign3A_94 : i1 to i32
    %sign3A_96 = arith.subi %sign3A_92, %sign3A_95 : i32
    %sign3A_97 = arith.constant 0 : i32
    %sign3A_98 = arith.cmpi sgt, %jit3A_88, %sign3A_97 : i32
    %sign3A_99 = arith.extui %sign3A_98 : i1 to i32
    %sign3A_100 = arith.constant 0 : i32
    %sign3A_101 = arith.cmpi slt, %jit3A_88, %sign3A_100 : i32
    %sign3A_102 = arith.extui %sign3A_101 : i1 to i32
    %sign3A_103 = arith.subi %sign3A_99, %sign3A_102 : i32
    %ne3A_104 = arith.cmpi ne, %sign3A_96, %sign3A_103 : i32
    %rem3A_105 = arith.remsi %add3A_87, %jit3A_88 : i32
    %ne3A_106 = arith.constant 0 : i32
    %ne3A_107 = arith.cmpi ne, %rem3A_105, %ne3A_106 : i32
    %and3A_108 = arith.andi %ne3A_104, %ne3A_107 : i1
    %sub3A_109 = arith.constant 1 : i32
    %sub3A_110 = arith.subi %div3A_89, %sub3A_109 : i32
    %select_n3A_111 = arith.select %and3A_108, %sub3A_110, %div3A_89 : i32
    %broadcast_in_dim3A_112 = arith.constant 0x7F800000 : f32
    %broadcast_in_dim3A_113 = vector.broadcast %broadcast_in_dim3A_112 : f32 to vector<16xf32>
    %broadcast_in_dim3A_114 = arith.constant 1073741824 : i32
    %broadcast_in_dim3A_115 = vector.broadcast %broadcast_in_dim3A_114 : i32 to vector<16xi32>
    %scan3A = arith.constant 0 : i32
    %scan3A_116 = arith.constant 0 : i32
    %scan3A_117 = arith.constant 256 : i32
    %scan3A_118 = arith.addi %scan3A_116, %scan3A_117 : i32
    %scan3A_119 = arith.constant 1 : i32
    %scan3A_120 = scf.for %scan3A_161 = %scan3A_116 to %scan3A_118 step %scan3A_119 iter_args(%scan3A_162 = %scan3A) -> (i32)  : i32 {
      %broadcast_in_dim3A_163 = vector.broadcast %scan3A_161 : i32 to vector<16xi32>
      %gather3A = tpu.vector_load_idx %arg9[%broadcast_in_dim3A_163] : memref<256xf32, #tpu.memory_space<vmem>>[vector<16xi32>], vector<16xf32>,
      %gather3A_164 = tpu.vector_load_idx %arg10[%broadcast_in_dim3A_163] : memref<256xf32, #tpu.memory_space<vmem>>[vector<16xi32>], vector<16xf32>,
      %gather3A_165 = tpu.vector_load_idx %arg11[%broadcast_in_dim3A_163] : memref<256xf32, #tpu.memory_space<vmem>>[vector<16xi32>], vector<16xf32>,
      %swap3A = arith.constant 0 : index
      %swap3A_166 = tpu.vector_load %arg12[%swap3A] {strides = array<i32>} : memref<96xf32, #tpu.memory_space<vmem>>, vector<16xf32>,
      tpu.vector_store %arg12[%swap3A], %broadcast_in_dim3A_113 {strides = array<i32>} : memref<96xf32, #tpu.memory_space<vmem>>, vector<16xf32>,
      %swap3A_167 = arith.constant 0 : index
      %swap3A_168 = tpu.vector_load %arg13[%swap3A_167] {strides = array<i32>} : memref<96xi32, #tpu.memory_space<vmem>>, vector<16xi32>,
      tpu.vector_store %arg13[%swap3A_167], %broadcast_in_dim3A_115 {strides = array<i32>} : memref<96xi32, #tpu.memory_space<vmem>>, vector<16xi32>,
      %swap3A_169 = arith.constant 16 : index
      %swap3A_170 = tpu.vector_load %arg12[%swap3A_169] {strides = array<i32>} : memref<96xf32, #tpu.memory_space<vmem>>, vector<16xf32>,
      tpu.vector_store %arg12[%swap3A_169], %broadcast_in_dim3A_113 {strides = array<i32>} : memref<96xf32, #tpu.memory_space<vmem>>, vector<16xf32>,
      %swap3A_171 = arith.constant 16 : index
      %swap3A_172 = tpu.vector_load %arg13[%swap3A_171] {strides = array<i32>} : memref<96xi32, #tpu.memory_space<vmem>>, vector<16xi32>,
      tpu.vector_store %arg13[%swap3A_171], %broadcast_in_dim3A_115 {strides = array<i32>} : memref<96xi32, #tpu.memory_space<vmem>>, vector<16xi32>,
      %swap3A_173 = arith.constant 32 : index
      %swap3A_174 = tpu.vector_load %arg12[%swap3A_173] {strides = array<i32>} : memref<96xf32, #tpu.memory_space<vmem>>, vector<16xf32>,
      tpu.vector_store %arg12[%swap3A_173], %broadcast_in_dim3A_113 {strides = array<i32>} : memref<96xf32, #tpu.memory_space<vmem>>, vector<16xf32>,
      %swap3A_175 = arith.constant 32 : index
      %swap3A_176 = tpu.vector_load %arg13[%swap3A_175] {strides = array<i32>} : memref<96xi32, #tpu.memory_space<vmem>>, vector<16xi32>,
      tpu.vector_store %arg13[%swap3A_175], %broadcast_in_dim3A_115 {strides = array<i32>} : memref<96xi32, #tpu.memory_space<vmem>>, vector<16xi32>,
      %swap3A_177 = arith.constant 48 : index
      %swap3A_178 = tpu.vector_load %arg12[%swap3A_177] {strides = array<i32>} : memref<96xf32, #tpu.memory_space<vmem>>, vector<16xf32>,
      tpu.vector_store %arg12[%swap3A_177], %broadcast_in_dim3A_113 {strides = array<i32>} : memref<96xf32, #tpu.memory_space<vmem>>, vector<16xf32>,
      %swap3A_179 = arith.constant 48 : index
      %swap3A_180 = tpu.vector_load %arg13[%swap3A_179] {strides = array<i32>} : memref<96xi32, #tpu.memory_space<vmem>>, vector<16xi32>,
      tpu.vector_store %arg13[%swap3A_179], %broadcast_in_dim3A_115 {strides = array<i32>} : memref<96xi32, #tpu.memory_space<vmem>>, vector<16xi32>,
      %swap3A_181 = arith.constant 64 : index
      %swap3A_182 = tpu.vector_load %arg12[%swap3A_181] {strides = array<i32>} : memref<96xf32, #tpu.memory_space<vmem>>, vector<16xf32>,
      tpu.vector_store %arg12[%swap3A_181], %broadcast_in_dim3A_113 {strides = array<i32>} : memref<96xf32, #tpu.memory_space<vmem>>, vector<16xf32>,
      %swap3A_183 = arith.constant 64 : index
      %swap3A_184 = tpu.vector_load %arg13[%swap3A_183] {strides = array<i32>} : memref<96xi32, #tpu.memory_space<vmem>>, vector<16xi32>,
      tpu.vector_store %arg13[%swap3A_183], %broadcast_in_dim3A_115 {strides = array<i32>} : memref<96xi32, #tpu.memory_space<vmem>>, vector<16xi32>,
      %swap3A_185 = arith.constant 80 : index
      %swap3A_186 = tpu.vector_load %arg12[%swap3A_185] {strides = array<i32>} : memref<96xf32, #tpu.memory_space<vmem>>, vector<16xf32>,
      tpu.vector_store %arg12[%swap3A_185], %broadcast_in_dim3A_113 {strides = array<i32>} : memref<96xf32, #tpu.memory_space<vmem>>, vector<16xf32>,
      %swap3A_187 = arith.constant 80 : index
      %swap3A_188 = tpu.vector_load %arg13[%swap3A_187] {strides = array<i32>} : memref<96xi32, #tpu.memory_space<vmem>>, vector<16xi32>,
      tpu.vector_store %arg13[%swap3A_187], %broadcast_in_dim3A_115 {strides = array<i32>} : memref<96xi32, #tpu.memory_space<vmem>>, vector<16xi32>,
      %while3A = arith.constant 0 : i32
      %while3A_189 = arith.constant 0 : i32
      %while3A_190 = arith.constant 0x7F800000 : f32
      %while3A_191 = arith.subi %select_n3A_111, %while3A : i32
      %while3A_192 = arith.addi %while3A, %while3A_191 : i32
      %while3A_193 = arith.constant 1 : i32
      %while3A_194 = arith.divsi %while3A_191, %while3A_193 : i32
      %while3A_195 = arith.muli %while3A_194, %while3A_193 : i32
      %while3A_196 = arith.addi %while3A, %while3A_195 : i32
      %while3A_197 = arith.constant 1 : i32
      %while3A_198:2 = scf.for %while3A_478 = %while3A to %while3A_196 step %while3A_197 iter_args(%while3A_479 = %while3A_189, %while3A_480 = %while3A_190) -> (i32, f32)  : i32 {
        %mul3A_481 = arith.constant 16 : i32
        %mul3A_482 = arith.muli %while3A_478, %mul3A_481 : i32
        %get3A_483 = arith.index_cast %mul3A_482 : i32 to index
        %get3A_484 = tpu.vector_load %arg6[%get3A_483] {strides = array<i32>} : memref<8192xf32, #tpu.memory_space<vmem>>, vector<16xf32>,
        %sub3A_485 = arith.subf %get3A_484, %gather3A : vector<16xf32>
        %get3A_486 = arith.index_cast %mul3A_482 : i32 to index
        %get3A_487 = tpu.vector_load %arg7[%get3A_486] {strides = array<i32>} : memref<8192xf32, #tpu.memory_space<vmem>>, vector<16xf32>,
        %sub3A_488 = arith.subf %get3A_487, %gather3A_164 : vector<16xf32>
        %get3A_489 = arith.index_cast %mul3A_482 : i32 to index
        %get3A_490 = tpu.vector_load %arg8[%get3A_489] {strides = array<i32>} : memref<8192xf32, #tpu.memory_space<vmem>>, vector<16xf32>,
        %sub3A_491 = arith.subf %get3A_490, %gather3A_165 : vector<16xf32>
        %mul3A_492 = arith.mulf %sub3A_485, %sub3A_485 : vector<16xf32>
        %mul3A_493 = arith.mulf %sub3A_488, %sub3A_488 : vector<16xf32>
        %add3A_494 = arith.addf %mul3A_492, %mul3A_493 : vector<16xf32>
        %mul3A_495 = arith.mulf %sub3A_491, %sub3A_491 : vector<16xf32>
        %add3A_496 = arith.addf %add3A_494, %mul3A_495 : vector<16xf32>
        %mul3A_497 = arith.constant 16 : i32
        %mul3A_498 = arith.muli %while3A_478, %mul3A_497 : i32
        %add3A_499 = vector.broadcast %mul3A_498 : i32 to vector<16xi32>
        %add3A_500 = arith.addi %add3A_499, %iota3A : vector<16xi32>
        %lt3A_501 = vector.broadcast %while3A_480 : f32 to vector<16xf32>
        %lt3A_502 = arith.cmpf olt, %add3A_496, %lt3A_501 : vector<16xf32>
        %lt3A_503 = vector.broadcast %convert_element_type3A_85 : i32 to vector<16xi32>
        %lt3A_504 = arith.cmpi slt, %add3A_500, %lt3A_503 : vector<16xi32>
        %and3A_505 = arith.andi %lt3A_502, %lt3A_504 : vector<16xi1>
        %reduce_or3A = arith.constant 1.000000e+00 : f32
        %reduce_or3A_506 = arith.constant 0.000000e+00 : f32
        %reduce_or3A_507 = vector.broadcast %reduce_or3A : f32 to vector<16xf32>
        %reduce_or3A_508 = vector.broadcast %reduce_or3A_506 : f32 to vector<16xf32>
        %reduce_or3A_509 = arith.select %and3A_505, %reduce_or3A_507, %reduce_or3A_508 : vector<16xi1>, vector<16xf32>
        %reduce_or3A_510 = arith.constant true
        %reduce_or3A_511 = vector.broadcast %reduce_or3A_510 : i1 to vector<16xi1>
        %reduce_or3A_512 = tpu.scan <max>, %reduce_or3A_509 masked %reduce_or3A_511 : vector<16xf32>, vector<16xi1> -> vector<16xf32>
        %reduce_or3A_513 = vector.extract %reduce_or3A_512[15] : f32 from vector<16xf32>
        %reduce_or3A_514 = arith.constant 0.000000e+00 : f32
        %reduce_or3A_515 = arith.cmpf ogt, %reduce_or3A_513, %reduce_or3A_514 : f32
        %convert_element_type3A_516 = arith.extui %reduce_or3A_515 : i1 to i32
        %cond3A = arith.constant 0 : i32
        %cond3A_517 = arith.cmpi ne, %convert_element_type3A_516, %cond3A : i32
        %cond3A_518:2 = scf.if %cond3A_517 -> (i32, f32) {
          %convert_element_type3A_519 = arith.extui %and3A_505 : vector<16xi1> to vector<16xi32>
          %broadcast_in_dim3A_520 = arith.constant true
          %broadcast_in_dim3A_521 = vector.broadcast %broadcast_in_dim3A_520 : i1 to vector<16xi1>
          %masked_cumsum3A = tpu.scan <sum>, %convert_element_type3A_519 masked %broadcast_in_dim3A_521 : vector<16xi32>, vector<16xi1> -> vector<16xi32>
          %add3A_522 = vector.broadcast %while3A_479 : i32 to vector<16xi32>
          %add3A_523 = arith.addi %add3A_522, %masked_cumsum3A : vector<16xi32>
          %sub3A_524 = arith.constant 1 : i32
          %sub3A_525 = vector.broadcast %sub3A_524 : i32 to vector<16xi32>
          %sub3A_526 = arith.subi %add3A_523, %sub3A_525 : vector<16xi32>
          tpu.vector_store_idx %arg12[%sub3A_526], %add3A_496 masked %and3A_505 : memref<96xf32, #tpu.memory_space<vmem>>[vector<16xi32>], vector<16xf32>, vector<16xi1>
          tpu.vector_store_idx %arg13[%sub3A_526], %add3A_500 masked %and3A_505 : memref<96xi32, #tpu.memory_space<vmem>>[vector<16xi32>], vector<16xi32>, vector<16xi1>
          %convert_element_type3A_527 = arith.sitofp %masked_cumsum3A : vector<16xi32> to vector<16xf32>
          %reduce_max3A_528 = arith.constant true
          %reduce_max3A_529 = vector.broadcast %reduce_max3A_528 : i1 to vector<16xi1>
          %reduce_max3A_530 = tpu.scan <max>, %convert_element_type3A_527 masked %reduce_max3A_529 : vector<16xf32>, vector<16xi1> -> vector<16xf32>
          %reduce_max3A_531 = vector.extract %reduce_max3A_530[15] : f32 from vector<16xf32>
          %convert_element_type3A_532 = arith.fptosi %reduce_max3A_531 : f32 to i32
          %add3A_533 = arith.addi %while3A_479, %convert_element_type3A_532 : i32
          %gt3A = arith.constant 64 : i32
          %gt3A_534 = arith.cmpi sgt, %add3A_533, %gt3A : i32
          %convert_element_type3A_535 = arith.extui %gt3A_534 : i1 to i32
          %cond3A_536 = arith.constant 0 : i32
          %cond3A_537 = arith.constant 0 : i32
          %cond3A_538 = arith.cmpi ne, %convert_element_type3A_535, %cond3A_537 : i32
          %cond3A_539:2 = scf.if %cond3A_538 -> (i32, f32) {
            %get3A_540 = arith.constant 0 : index
            %get3A_541 = tpu.vector_load %arg12[%get3A_540] {strides = array<i32>} : memref<96xf32, #tpu.memory_space<vmem>>, vector<16xf32>,
            %get3A_542 = arith.constant 0 : index
            %get3A_543 = tpu.vector_load %arg13[%get3A_542] {strides = array<i32>} : memref<96xi32, #tpu.memory_space<vmem>>, vector<16xi32>,
            %masked_sort3A_544 = arith.constant dense<true> : vector<16xi1>
            %masked_sort3A_545, %masked_sort3A_546, %masked_sort3A_547 = tpu.sort %get3A_541, %get3A_543 masked %masked_sort3A_544 : (vector<16xf32>, vector<16xi32>, vector<16xi1>) -> (vector<16xi1>, vector<16xf32>, vector<16xi32>)
            %get3A_548 = arith.constant 16 : index
            %get3A_549 = tpu.vector_load %arg12[%get3A_548] {strides = array<i32>} : memref<96xf32, #tpu.memory_space<vmem>>, vector<16xf32>,
            %get3A_550 = arith.constant 16 : index
            %get3A_551 = tpu.vector_load %arg13[%get3A_550] {strides = array<i32>} : memref<96xi32, #tpu.memory_space<vmem>>, vector<16xi32>,
            %masked_sort3A_552 = arith.constant dense<true> : vector<16xi1>
            %masked_sort3A_553, %masked_sort3A_554, %masked_sort3A_555 = tpu.sort %get3A_549, %get3A_551 masked %masked_sort3A_552 : (vector<16xf32>, vector<16xi32>, vector<16xi1>) -> (vector<16xi1>, vector<16xf32>, vector<16xi32>)
            %get3A_556 = arith.constant 32 : index
            %get3A_557 = tpu.vector_load %arg12[%get3A_556] {strides = array<i32>} : memref<96xf32, #tpu.memory_space<vmem>>, vector<16xf32>,
            %get3A_558 = arith.constant 32 : index
            %get3A_559 = tpu.vector_load %arg13[%get3A_558] {strides = array<i32>} : memref<96xi32, #tpu.memory_space<vmem>>, vector<16xi32>,
            %masked_sort3A_560 = arith.constant dense<true> : vector<16xi1>
            %masked_sort3A_561, %masked_sort3A_562, %masked_sort3A_563 = tpu.sort %get3A_557, %get3A_559 masked %masked_sort3A_560 : (vector<16xf32>, vector<16xi32>, vector<16xi1>) -> (vector<16xi1>, vector<16xf32>, vector<16xi32>)
            %get3A_564 = arith.constant 48 : index
            %get3A_565 = tpu.vector_load %arg12[%get3A_564] {strides = array<i32>} : memref<96xf32, #tpu.memory_space<vmem>>, vector<16xf32>,
            %get3A_566 = arith.constant 48 : index
            %get3A_567 = tpu.vector_load %arg13[%get3A_566] {strides = array<i32>} : memref<96xi32, #tpu.memory_space<vmem>>, vector<16xi32>,
            %masked_sort3A_568 = arith.constant dense<true> : vector<16xi1>
            %masked_sort3A_569, %masked_sort3A_570, %masked_sort3A_571 = tpu.sort %get3A_565, %get3A_567 masked %masked_sort3A_568 : (vector<16xf32>, vector<16xi32>, vector<16xi1>) -> (vector<16xi1>, vector<16xf32>, vector<16xi32>)
            %get3A_572 = arith.constant 64 : index
            %get3A_573 = tpu.vector_load %arg12[%get3A_572] {strides = array<i32>} : memref<96xf32, #tpu.memory_space<vmem>>, vector<16xf32>,
            %get3A_574 = arith.constant 64 : index
            %get3A_575 = tpu.vector_load %arg13[%get3A_574] {strides = array<i32>} : memref<96xi32, #tpu.memory_space<vmem>>, vector<16xi32>,
            %masked_sort3A_576 = arith.constant dense<true> : vector<16xi1>
            %masked_sort3A_577, %masked_sort3A_578, %masked_sort3A_579 = tpu.sort %get3A_573, %get3A_575 masked %masked_sort3A_576 : (vector<16xf32>, vector<16xi32>, vector<16xi1>) -> (vector<16xi1>, vector<16xf32>, vector<16xi32>)
            %get3A_580 = arith.constant 80 : index
            %get3A_581 = tpu.vector_load %arg12[%get3A_580] {strides = array<i32>} : memref<96xf32, #tpu.memory_space<vmem>>, vector<16xf32>,
            %get3A_582 = arith.constant 80 : index
            %get3A_583 = tpu.vector_load %arg13[%get3A_582] {strides = array<i32>} : memref<96xi32, #tpu.memory_space<vmem>>, vector<16xi32>,
            %masked_sort3A_584 = arith.constant dense<true> : vector<16xi1>
            %masked_sort3A_585, %masked_sort3A_586, %masked_sort3A_587 = tpu.sort %get3A_581, %get3A_583 masked %masked_sort3A_584 : (vector<16xf32>, vector<16xi32>, vector<16xi1>) -> (vector<16xi1>, vector<16xf32>, vector<16xi32>)
            %rev3A_588 = arith.constant 15 : i32
            %rev3A_589 = vector.broadcast %rev3A_588 : i32 to vector<16xi32>
            %rev3A_590 = tpu.iota {dimensions = array<i32: 0>} : vector<16xi32>
            %rev3A_591 = arith.subi %rev3A_589, %rev3A_590 : vector<16xi32>
            %rev3A_592 = tpu.dynamic_gather %masked_sort3A_554[%rev3A_591] in [0] : vector<16xf32>, vector<16xi32> -> vector<16xf32>
            %rev3A_593 = arith.constant 15 : i32
            %rev3A_594 = vector.broadcast %rev3A_593 : i32 to vector<16xi32>
            %rev3A_595 = tpu.iota {dimensions = array<i32: 0>} : vector<16xi32>
            %rev3A_596 = arith.subi %rev3A_594, %rev3A_595 : vector<16xi32>
            %rev3A_597 = tpu.dynamic_gather %masked_sort3A_555[%rev3A_596] in [0] : vector<16xi32>, vector<16xi32> -> vector<16xi32>
            %le3A_598 = arith.cmpf ole, %masked_sort3A_546, %rev3A_592 : vector<16xf32>
            %select_n3A_599 = arith.select %le3A_598, %masked_sort3A_546, %rev3A_592 : vector<16xi1>, vector<16xf32>
            %select_n3A_600 = arith.select %le3A_598, %masked_sort3A_547, %rev3A_597 : vector<16xi1>, vector<16xi32>
            %select_n3A_601 = arith.select %le3A_598, %rev3A_592, %masked_sort3A_546 : vector<16xi1>, vector<16xf32>
            %select_n3A_602 = arith.select %le3A_598, %rev3A_597, %masked_sort3A_547 : vector<16xi1>, vector<16xi32>
            %masked_sort3A_603 = arith.constant dense<true> : vector<16xi1>
            %masked_sort3A_604, %masked_sort3A_605, %masked_sort3A_606 = tpu.sort %select_n3A_599, %select_n3A_600 masked %masked_sort3A_603 : (vector<16xf32>, vector<16xi32>, vector<16xi1>) -> (vector<16xi1>, vector<16xf32>, vector<16xi32>)
            %masked_sort3A_607 = arith.constant dense<true> : vector<16xi1>
            %masked_sort3A_608, %masked_sort3A_609, %masked_sort3A_610 = tpu.sort %select_n3A_601, %select_n3A_602 masked %masked_sort3A_607 : (vector<16xf32>, vector<16xi32>, vector<16xi1>) -> (vector<16xi1>, vector<16xf32>, vector<16xi32>)
            %rev3A_611 = arith.constant 15 : i32
            %rev3A_612 = vector.broadcast %rev3A_611 : i32 to vector<16xi32>
            %rev3A_613 = tpu.iota {dimensions = array<i32: 0>} : vector<16xi32>
            %rev3A_614 = arith.subi %rev3A_612, %rev3A_613 : vector<16xi32>
            %rev3A_615 = tpu.dynamic_gather %masked_sort3A_570[%rev3A_614] in [0] : vector<16xf32>, vector<16xi32> -> vector<16xf32>
            %rev3A_616 = arith.constant 15 : i32
            %rev3A_617 = vector.broadcast %rev3A_616 : i32 to vector<16xi32>
            %rev3A_618 = tpu.iota {dimensions = array<i32: 0>} : vector<16xi32>
            %rev3A_619 = arith.subi %rev3A_617, %rev3A_618 : vector<16xi32>
            %rev3A_620 = tpu.dynamic_gather %masked_sort3A_571[%rev3A_619] in [0] : vector<16xi32>, vector<16xi32> -> vector<16xi32>
            %le3A_621 = arith.cmpf ole, %masked_sort3A_562, %rev3A_615 : vector<16xf32>
            %select_n3A_622 = arith.select %le3A_621, %masked_sort3A_562, %rev3A_615 : vector<16xi1>, vector<16xf32>
            %select_n3A_623 = arith.select %le3A_621, %masked_sort3A_563, %rev3A_620 : vector<16xi1>, vector<16xi32>
            %select_n3A_624 = arith.select %le3A_621, %rev3A_615, %masked_sort3A_562 : vector<16xi1>, vector<16xf32>
            %select_n3A_625 = arith.select %le3A_621, %rev3A_620, %masked_sort3A_563 : vector<16xi1>, vector<16xi32>
            %masked_sort3A_626 = arith.constant dense<true> : vector<16xi1>
            %masked_sort3A_627, %masked_sort3A_628, %masked_sort3A_629 = tpu.sort %select_n3A_622, %select_n3A_623 masked %masked_sort3A_626 : (vector<16xf32>, vector<16xi32>, vector<16xi1>) -> (vector<16xi1>, vector<16xf32>, vector<16xi32>)
            %masked_sort3A_630 = arith.constant dense<true> : vector<16xi1>
            %masked_sort3A_631, %masked_sort3A_632, %masked_sort3A_633 = tpu.sort %select_n3A_624, %select_n3A_625 masked %masked_sort3A_630 : (vector<16xf32>, vector<16xi32>, vector<16xi1>) -> (vector<16xi1>, vector<16xf32>, vector<16xi32>)
            %rev3A_634 = arith.constant 15 : i32
            %rev3A_635 = vector.broadcast %rev3A_634 : i32 to vector<16xi32>
            %rev3A_636 = tpu.iota {dimensions = array<i32: 0>} : vector<16xi32>
            %rev3A_637 = arith.subi %rev3A_635, %rev3A_636 : vector<16xi32>
            %rev3A_638 = tpu.dynamic_gather %masked_sort3A_586[%rev3A_637] in [0] : vector<16xf32>, vector<16xi32> -> vector<16xf32>
            %rev3A_639 = arith.constant 15 : i32
            %rev3A_640 = vector.broadcast %rev3A_639 : i32 to vector<16xi32>
            %rev3A_641 = tpu.iota {dimensions = array<i32: 0>} : vector<16xi32>
            %rev3A_642 = arith.subi %rev3A_640, %rev3A_641 : vector<16xi32>
            %rev3A_643 = tpu.dynamic_gather %masked_sort3A_587[%rev3A_642] in [0] : vector<16xi32>, vector<16xi32> -> vector<16xi32>
            %le3A_644 = arith.cmpf ole, %masked_sort3A_578, %rev3A_638 : vector<16xf32>
            %select_n3A_645 = arith.select %le3A_644, %masked_sort3A_578, %rev3A_638 : vector<16xi1>, vector<16xf32>
            %select_n3A_646 = arith.select %le3A_644, %masked_sort3A_579, %rev3A_643 : vector<16xi1>, vector<16xi32>
            %select_n3A_647 = arith.select %le3A_644, %rev3A_638, %masked_sort3A_578 : vector<16xi1>, vector<16xf32>
            %select_n3A_648 = arith.select %le3A_644, %rev3A_643, %masked_sort3A_579 : vector<16xi1>, vector<16xi32>
            %masked_sort3A_649 = arith.constant dense<true> : vector<16xi1>
            %masked_sort3A_650, %masked_sort3A_651, %masked_sort3A_652 = tpu.sort %select_n3A_645, %select_n3A_646 masked %masked_sort3A_649 : (vector<16xf32>, vector<16xi32>, vector<16xi1>) -> (vector<16xi1>, vector<16xf32>, vector<16xi32>)
            %masked_sort3A_653 = arith.constant dense<true> : vector<16xi1>
            %masked_sort3A_654, %masked_sort3A_655, %masked_sort3A_656 = tpu.sort %select_n3A_647, %select_n3A_648 masked %masked_sort3A_653 : (vector<16xf32>, vector<16xi32>, vector<16xi1>) -> (vector<16xi1>, vector<16xf32>, vector<16xi32>)
            %rev3A_657 = arith.constant 15 : i32
            %rev3A_658 = vector.broadcast %rev3A_657 : i32 to vector<16xi32>
            %rev3A_659 = tpu.iota {dimensions = array<i32: 0>} : vector<16xi32>
            %rev3A_660 = arith.subi %rev3A_658, %rev3A_659 : vector<16xi32>
            %rev3A_661 = tpu.dynamic_gather %masked_sort3A_632[%rev3A_660] in [0] : vector<16xf32>, vector<16xi32> -> vector<16xf32>
            %rev3A_662 = arith.constant 15 : i32
            %rev3A_663 = vector.broadcast %rev3A_662 : i32 to vector<16xi32>
            %rev3A_664 = tpu.iota {dimensions = array<i32: 0>} : vector<16xi32>
            %rev3A_665 = arith.subi %rev3A_663, %rev3A_664 : vector<16xi32>
            %rev3A_666 = tpu.dynamic_gather %masked_sort3A_633[%rev3A_665] in [0] : vector<16xi32>, vector<16xi32> -> vector<16xi32>
            %rev3A_667 = arith.constant 15 : i32
            %rev3A_668 = vector.broadcast %rev3A_667 : i32 to vector<16xi32>
            %rev3A_669 = tpu.iota {dimensions = array<i32: 0>} : vector<16xi32>
            %rev3A_670 = arith.subi %rev3A_668, %rev3A_669 : vector<16xi32>
            %rev3A_671 = tpu.dynamic_gather %masked_sort3A_628[%rev3A_670] in [0] : vector<16xf32>, vector<16xi32> -> vector<16xf32>
            %rev3A_672 = arith.constant 15 : i32
            %rev3A_673 = vector.broadcast %rev3A_672 : i32 to vector<16xi32>
            %rev3A_674 = tpu.iota {dimensions = array<i32: 0>} : vector<16xi32>
            %rev3A_675 = arith.subi %rev3A_673, %rev3A_674 : vector<16xi32>
            %rev3A_676 = tpu.dynamic_gather %masked_sort3A_629[%rev3A_675] in [0] : vector<16xi32>, vector<16xi32> -> vector<16xi32>
            %le3A_677 = arith.cmpf ole, %masked_sort3A_605, %rev3A_661 : vector<16xf32>
            %select_n3A_678 = arith.select %le3A_677, %masked_sort3A_605, %rev3A_661 : vector<16xi1>, vector<16xf32>
            %select_n3A_679 = arith.select %le3A_677, %masked_sort3A_606, %rev3A_666 : vector<16xi1>, vector<16xi32>
            %le3A_680 = arith.cmpf ole, %masked_sort3A_609, %rev3A_671 : vector<16xf32>
            %select_n3A_681 = arith.select %le3A_680, %masked_sort3A_609, %rev3A_671 : vector<16xi1>, vector<16xf32>
            %select_n3A_682 = arith.select %le3A_680, %masked_sort3A_610, %rev3A_676 : vector<16xi1>, vector<16xi32>
            %le3A_683 = arith.cmpf ole, %select_n3A_678, %select_n3A_681 : vector<16xf32>
            %select_n3A_684 = arith.select %le3A_683, %select_n3A_678, %select_n3A_681 : vector<16xi1>, vector<16xf32>
            %select_n3A_685 = arith.select %le3A_683, %select_n3A_679, %select_n3A_682 : vector<16xi1>, vector<16xi32>
            %select_n3A_686 = arith.select %le3A_683, %select_n3A_681, %select_n3A_678 : vector<16xi1>, vector<16xf32>
            %select_n3A_687 = arith.select %le3A_683, %select_n3A_682, %select_n3A_679 : vector<16xi1>, vector<16xi32>
            %masked_sort3A_688 = arith.constant dense<true> : vector<16xi1>
            %masked_sort3A_689, %masked_sort3A_690, %masked_sort3A_691 = tpu.sort %select_n3A_684, %select_n3A_685 masked %masked_sort3A_688 : (vector<16xf32>, vector<16xi32>, vector<16xi1>) -> (vector<16xi1>, vector<16xf32>, vector<16xi32>)
            %masked_sort3A_692 = arith.constant dense<true> : vector<16xi1>
            %masked_sort3A_693, %masked_sort3A_694, %masked_sort3A_695 = tpu.sort %select_n3A_686, %select_n3A_687 masked %masked_sort3A_692 : (vector<16xf32>, vector<16xi32>, vector<16xi1>) -> (vector<16xi1>, vector<16xf32>, vector<16xi32>)
            %rev3A_696 = arith.constant 15 : i32
            %rev3A_697 = vector.broadcast %rev3A_696 : i32 to vector<16xi32>
            %rev3A_698 = tpu.iota {dimensions = array<i32: 0>} : vector<16xi32>
            %rev3A_699 = arith.subi %rev3A_697, %rev3A_698 : vector<16xi32>
            %rev3A_700 = tpu.dynamic_gather %masked_sort3A_655[%rev3A_699] in [0] : vector<16xf32>, vector<16xi32> -> vector<16xf32>
            %rev3A_701 = arith.constant 15 : i32
            %rev3A_702 = vector.broadcast %rev3A_701 : i32 to vector<16xi32>
            %rev3A_703 = tpu.iota {dimensions = array<i32: 0>} : vector<16xi32>
            %rev3A_704 = arith.subi %rev3A_702, %rev3A_703 : vector<16xi32>
            %rev3A_705 = tpu.dynamic_gather %masked_sort3A_656[%rev3A_704] in [0] : vector<16xi32>, vector<16xi32> -> vector<16xi32>
            %rev3A_706 = arith.constant 15 : i32
            %rev3A_707 = vector.broadcast %rev3A_706 : i32 to vector<16xi32>
            %rev3A_708 = tpu.iota {dimensions = array<i32: 0>} : vector<16xi32>
            %rev3A_709 = arith.subi %rev3A_707, %rev3A_708 : vector<16xi32>
            %rev3A_710 = tpu.dynamic_gather %masked_sort3A_651[%rev3A_709] in [0] : vector<16xf32>, vector<16xi32> -> vector<16xf32>
            %rev3A_711 = arith.constant 15 : i32
            %rev3A_712 = vector.broadcast %rev3A_711 : i32 to vector<16xi32>
            %rev3A_713 = tpu.iota {dimensions = array<i32: 0>} : vector<16xi32>
            %rev3A_714 = arith.subi %rev3A_712, %rev3A_713 : vector<16xi32>
            %rev3A_715 = tpu.dynamic_gather %masked_sort3A_652[%rev3A_714] in [0] : vector<16xi32>, vector<16xi32> -> vector<16xi32>
            %le3A_716 = arith.cmpf ole, %masked_sort3A_690, %rev3A_700 : vector<16xf32>
            %select_n3A_717 = arith.select %le3A_716, %masked_sort3A_690, %rev3A_700 : vector<16xi1>, vector<16xf32>
            %select_n3A_718 = arith.select %le3A_716, %masked_sort3A_691, %rev3A_705 : vector<16xi1>, vector<16xi32>
            %le3A_719 = arith.cmpf ole, %masked_sort3A_694, %rev3A_710 : vector<16xf32>
            %select_n3A_720 = arith.select %le3A_719, %masked_sort3A_694, %rev3A_710 : vector<16xi1>, vector<16xf32>
            %select_n3A_721 = arith.select %le3A_719, %masked_sort3A_695, %rev3A_715 : vector<16xi1>, vector<16xi32>
            %le3A_722 = arith.cmpf ole, %select_n3A_717, %select_n3A_720 : vector<16xf32>
            %select_n3A_723 = arith.select %le3A_722, %select_n3A_717, %select_n3A_720 : vector<16xi1>, vector<16xf32>
            %select_n3A_724 = arith.select %le3A_722, %select_n3A_718, %select_n3A_721 : vector<16xi1>, vector<16xi32>
            %select_n3A_725 = arith.select %le3A_722, %select_n3A_720, %select_n3A_717 : vector<16xi1>, vector<16xf32>
            %select_n3A_726 = arith.select %le3A_722, %select_n3A_721, %select_n3A_718 : vector<16xi1>, vector<16xi32>
            %masked_sort3A_727 = arith.constant dense<true> : vector<16xi1>
            %masked_sort3A_728, %masked_sort3A_729, %masked_sort3A_730 = tpu.sort %select_n3A_723, %select_n3A_724 masked %masked_sort3A_727 : (vector<16xf32>, vector<16xi32>, vector<16xi1>) -> (vector<16xi1>, vector<16xf32>, vector<16xi32>)
            %masked_sort3A_731 = arith.constant dense<true> : vector<16xi1>
            %masked_sort3A_732, %masked_sort3A_733, %masked_sort3A_734 = tpu.sort %select_n3A_725, %select_n3A_726 masked %masked_sort3A_731 : (vector<16xf32>, vector<16xi32>, vector<16xi1>) -> (vector<16xi1>, vector<16xf32>, vector<16xi32>)
            %swap3A_735 = arith.constant 0 : index
            %swap3A_736 = tpu.vector_load %arg12[%swap3A_735] {strides = array<i32>} : memref<96xf32, #tpu.memory_space<vmem>>, vector<16xf32>,
            tpu.vector_store %arg12[%swap3A_735], %masked_sort3A_729 {strides = array<i32>} : memref<96xf32, #tpu.memory_space<vmem>>, vector<16xf32>,
            %swap3A_737 = arith.constant 0 : index
            %swap3A_738 = tpu.vector_load %arg13[%swap3A_737] {strides = array<i32>} : memref<96xi32, #tpu.memory_space<vmem>>, vector<16xi32>,
            tpu.vector_store %arg13[%swap3A_737], %masked_sort3A_730 {strides = array<i32>} : memref<96xi32, #tpu.memory_space<vmem>>, vector<16xi32>,
            %swap3A_739 = arith.constant 16 : index
            %swap3A_740 = tpu.vector_load %arg12[%swap3A_739] {strides = array<i32>} : memref<96xf32, #tpu.memory_space<vmem>>, vector<16xf32>,
            tpu.vector_store %arg12[%swap3A_739], %masked_sort3A_733 {strides = array<i32>} : memref<96xf32, #tpu.memory_space<vmem>>, vector<16xf32>,
            %swap3A_741 = arith.constant 16 : index
            %swap3A_742 = tpu.vector_load %arg13[%swap3A_741] {strides = array<i32>} : memref<96xi32, #tpu.memory_space<vmem>>, vector<16xi32>,
            tpu.vector_store %arg13[%swap3A_741], %masked_sort3A_734 {strides = array<i32>} : memref<96xi32, #tpu.memory_space<vmem>>, vector<16xi32>,
            %broadcast_in_dim3A_743 = arith.constant 0x7F800000 : f32
            %broadcast_in_dim3A_744 = vector.broadcast %broadcast_in_dim3A_743 : f32 to vector<16xf32>
            %broadcast_in_dim3A_745 = arith.constant 1073741824 : i32
            %broadcast_in_dim3A_746 = vector.broadcast %broadcast_in_dim3A_745 : i32 to vector<16xi32>
            %swap3A_747 = arith.constant 32 : index
            %swap3A_748 = tpu.vector_load %arg12[%swap3A_747] {strides = array<i32>} : memref<96xf32, #tpu.memory_space<vmem>>, vector<16xf32>,
            tpu.vector_store %arg12[%swap3A_747], %broadcast_in_dim3A_744 {strides = array<i32>} : memref<96xf32, #tpu.memory_space<vmem>>, vector<16xf32>,
            %swap3A_749 = arith.constant 32 : index
            %swap3A_750 = tpu.vector_load %arg13[%swap3A_749] {strides = array<i32>} : memref<96xi32, #tpu.memory_space<vmem>>, vector<16xi32>,
            tpu.vector_store %arg13[%swap3A_749], %broadcast_in_dim3A_746 {strides = array<i32>} : memref<96xi32, #tpu.memory_space<vmem>>, vector<16xi32>,
            %swap3A_751 = arith.constant 48 : index
            %swap3A_752 = tpu.vector_load %arg12[%swap3A_751] {strides = array<i32>} : memref<96xf32, #tpu.memory_space<vmem>>, vector<16xf32>,
            tpu.vector_store %arg12[%swap3A_751], %broadcast_in_dim3A_744 {strides = array<i32>} : memref<96xf32, #tpu.memory_space<vmem>>, vector<16xf32>,
            %swap3A_753 = arith.constant 48 : index
            %swap3A_754 = tpu.vector_load %arg13[%swap3A_753] {strides = array<i32>} : memref<96xi32, #tpu.memory_space<vmem>>, vector<16xi32>,
            tpu.vector_store %arg13[%swap3A_753], %broadcast_in_dim3A_746 {strides = array<i32>} : memref<96xi32, #tpu.memory_space<vmem>>, vector<16xi32>,
            %swap3A_755 = arith.constant 64 : index
            %swap3A_756 = tpu.vector_load %arg12[%swap3A_755] {strides = array<i32>} : memref<96xf32, #tpu.memory_space<vmem>>, vector<16xf32>,
            tpu.vector_store %arg12[%swap3A_755], %broadcast_in_dim3A_744 {strides = array<i32>} : memref<96xf32, #tpu.memory_space<vmem>>, vector<16xf32>,
            %swap3A_757 = arith.constant 64 : index
            %swap3A_758 = tpu.vector_load %arg13[%swap3A_757] {strides = array<i32>} : memref<96xi32, #tpu.memory_space<vmem>>, vector<16xi32>,
            tpu.vector_store %arg13[%swap3A_757], %broadcast_in_dim3A_746 {strides = array<i32>} : memref<96xi32, #tpu.memory_space<vmem>>, vector<16xi32>,
            %swap3A_759 = arith.constant 80 : index
            %swap3A_760 = tpu.vector_load %arg12[%swap3A_759] {strides = array<i32>} : memref<96xf32, #tpu.memory_space<vmem>>, vector<16xf32>,
            tpu.vector_store %arg12[%swap3A_759], %broadcast_in_dim3A_744 {strides = array<i32>} : memref<96xf32, #tpu.memory_space<vmem>>, vector<16xf32>,
            %swap3A_761 = arith.constant 80 : index
            %swap3A_762 = tpu.vector_load %arg13[%swap3A_761] {strides = array<i32>} : memref<96xi32, #tpu.memory_space<vmem>>, vector<16xi32>,
            tpu.vector_store %arg13[%swap3A_761], %broadcast_in_dim3A_746 {strides = array<i32>} : memref<96xi32, #tpu.memory_space<vmem>>, vector<16xi32>,
            %reduce_max3A_763 = arith.constant true
            %reduce_max3A_764 = vector.broadcast %reduce_max3A_763 : i1 to vector<16xi1>
            %reduce_max3A_765 = tpu.scan <max>, %masked_sort3A_733 masked %reduce_max3A_764 : vector<16xf32>, vector<16xi1> -> vector<16xf32>
            %reduce_max3A_766 = vector.extract %reduce_max3A_765[15] : f32 from vector<16xf32>
            %cond3A_767 = arith.constant 32 : i32
            scf.yield %cond3A_767, %reduce_max3A_766 : i32, f32
          } else {
            scf.yield %add3A_533, %while3A_480 : i32, f32
          }
          scf.yield %cond3A_539#0, %cond3A_539#1 : i32, f32
        } else {
          scf.yield %while3A_479, %while3A_480 : i32, f32
        }
        scf.yield %cond3A_518#0, %cond3A_518#1 : i32, f32
      }
      %while3A_199 = arith.constant 1 : i32
      %while3A_200:2 = scf.for %while3A_478 = %while3A_196 to %while3A_192 step %while3A_199 iter_args(%while3A_479 = %while3A_198#0, %while3A_480 = %while3A_198#1) -> (i32, f32)  : i32 {
        %mul3A_481 = arith.constant 16 : i32
        %mul3A_482 = arith.muli %while3A_478, %mul3A_481 : i32
        %get3A_483 = arith.index_cast %mul3A_482 : i32 to index
        %get3A_484 = tpu.vector_load %arg6[%get3A_483] {strides = array<i32>} : memref<8192xf32, #tpu.memory_space<vmem>>, vector<16xf32>,
        %sub3A_485 = arith.subf %get3A_484, %gather3A : vector<16xf32>
        %get3A_486 = arith.index_cast %mul3A_482 : i32 to index
        %get3A_487 = tpu.vector_load %arg7[%get3A_486] {strides = array<i32>} : memref<8192xf32, #tpu.memory_space<vmem>>, vector<16xf32>,
        %sub3A_488 = arith.subf %get3A_487, %gather3A_164 : vector<16xf32>
        %get3A_489 = arith.index_cast %mul3A_482 : i32 to index
        %get3A_490 = tpu.vector_load %arg8[%get3A_489] {strides = array<i32>} : memref<8192xf32, #tpu.memory_space<vmem>>, vector<16xf32>,
        %sub3A_491 = arith.subf %get3A_490, %gather3A_165 : vector<16xf32>
        %mul3A_492 = arith.mulf %sub3A_485, %sub3A_485 : vector<16xf32>
        %mul3A_493 = arith.mulf %sub3A_488, %sub3A_488 : vector<16xf32>
        %add3A_494 = arith.addf %mul3A_492, %mul3A_493 : vector<16xf32>
        %mul3A_495 = arith.mulf %sub3A_491, %sub3A_491 : vector<16xf32>
        %add3A_496 = arith.addf %add3A_494, %mul3A_495 : vector<16xf32>
        %mul3A_497 = arith.constant 16 : i32
        %mul3A_498 = arith.muli %while3A_478, %mul3A_497 : i32
        %add3A_499 = vector.broadcast %mul3A_498 : i32 to vector<16xi32>
        %add3A_500 = arith.addi %add3A_499, %iota3A : vector<16xi32>
        %lt3A_501 = vector.broadcast %while3A_480 : f32 to vector<16xf32>
        %lt3A_502 = arith.cmpf olt, %add3A_496, %lt3A_501 : vector<16xf32>
        %lt3A_503 = vector.broadcast %convert_element_type3A_85 : i32 to vector<16xi32>
        %lt3A_504 = arith.cmpi slt, %add3A_500, %lt3A_503 : vector<16xi32>
        %and3A_505 = arith.andi %lt3A_502, %lt3A_504 : vector<16xi1>
        %reduce_or3A = arith.constant 1.000000e+00 : f32
        %reduce_or3A_506 = arith.constant 0.000000e+00 : f32
        %reduce_or3A_507 = vector.broadcast %reduce_or3A : f32 to vector<16xf32>
        %reduce_or3A_508 = vector.broadcast %reduce_or3A_506 : f32 to vector<16xf32>
        %reduce_or3A_509 = arith.select %and3A_505, %reduce_or3A_507, %reduce_or3A_508 : vector<16xi1>, vector<16xf32>
        %reduce_or3A_510 = arith.constant true
        %reduce_or3A_511 = vector.broadcast %reduce_or3A_510 : i1 to vector<16xi1>
        %reduce_or3A_512 = tpu.scan <max>, %reduce_or3A_509 masked %reduce_or3A_511 : vector<16xf32>, vector<16xi1> -> vector<16xf32>
        %reduce_or3A_513 = vector.extract %reduce_or3A_512[15] : f32 from vector<16xf32>
        %reduce_or3A_514 = arith.constant 0.000000e+00 : f32
        %reduce_or3A_515 = arith.cmpf ogt, %reduce_or3A_513, %reduce_or3A_514 : f32
        %convert_element_type3A_516 = arith.extui %reduce_or3A_515 : i1 to i32
        %cond3A = arith.constant 0 : i32
        %cond3A_517 = arith.cmpi ne, %convert_element_type3A_516, %cond3A : i32
        %cond3A_518:2 = scf.if %cond3A_517 -> (i32, f32) {
          %convert_element_type3A_519 = arith.extui %and3A_505 : vector<16xi1> to vector<16xi32>
          %broadcast_in_dim3A_520 = arith.constant true
          %broadcast_in_dim3A_521 = vector.broadcast %broadcast_in_dim3A_520 : i1 to vector<16xi1>
          %masked_cumsum3A = tpu.scan <sum>, %convert_element_type3A_519 masked %broadcast_in_dim3A_521 : vector<16xi32>, vector<16xi1> -> vector<16xi32>
          %add3A_522 = vector.broadcast %while3A_479 : i32 to vector<16xi32>
          %add3A_523 = arith.addi %add3A_522, %masked_cumsum3A : vector<16xi32>
          %sub3A_524 = arith.constant 1 : i32
          %sub3A_525 = vector.broadcast %sub3A_524 : i32 to vector<16xi32>
          %sub3A_526 = arith.subi %add3A_523, %sub3A_525 : vector<16xi32>
          tpu.vector_store_idx %arg12[%sub3A_526], %add3A_496 masked %and3A_505 : memref<96xf32, #tpu.memory_space<vmem>>[vector<16xi32>], vector<16xf32>, vector<16xi1>
          tpu.vector_store_idx %arg13[%sub3A_526], %add3A_500 masked %and3A_505 : memref<96xi32, #tpu.memory_space<vmem>>[vector<16xi32>], vector<16xi32>, vector<16xi1>
          %convert_element_type3A_527 = arith.sitofp %masked_cumsum3A : vector<16xi32> to vector<16xf32>
          %reduce_max3A_528 = arith.constant true
          %reduce_max3A_529 = vector.broadcast %reduce_max3A_528 : i1 to vector<16xi1>
          %reduce_max3A_530 = tpu.scan <max>, %convert_element_type3A_527 masked %reduce_max3A_529 : vector<16xf32>, vector<16xi1> -> vector<16xf32>
          %reduce_max3A_531 = vector.extract %reduce_max3A_530[15] : f32 from vector<16xf32>
          %convert_element_type3A_532 = arith.fptosi %reduce_max3A_531 : f32 to i32
          %add3A_533 = arith.addi %while3A_479, %convert_element_type3A_532 : i32
          %gt3A = arith.constant 64 : i32
          %gt3A_534 = arith.cmpi sgt, %add3A_533, %gt3A : i32
          %convert_element_type3A_535 = arith.extui %gt3A_534 : i1 to i32
          %cond3A_536 = arith.constant 0 : i32
          %cond3A_537 = arith.constant 0 : i32
          %cond3A_538 = arith.cmpi ne, %convert_element_type3A_535, %cond3A_537 : i32
          %cond3A_539:2 = scf.if %cond3A_538 -> (i32, f32) {
            %get3A_540 = arith.constant 0 : index
            %get3A_541 = tpu.vector_load %arg12[%get3A_540] {strides = array<i32>} : memref<96xf32, #tpu.memory_space<vmem>>, vector<16xf32>,
            %get3A_542 = arith.constant 0 : index
            %get3A_543 = tpu.vector_load %arg13[%get3A_542] {strides = array<i32>} : memref<96xi32, #tpu.memory_space<vmem>>, vector<16xi32>,
            %masked_sort3A_544 = arith.constant dense<true> : vector<16xi1>
            %masked_sort3A_545, %masked_sort3A_546, %masked_sort3A_547 = tpu.sort %get3A_541, %get3A_543 masked %masked_sort3A_544 : (vector<16xf32>, vector<16xi32>, vector<16xi1>) -> (vector<16xi1>, vector<16xf32>, vector<16xi32>)
            %get3A_548 = arith.constant 16 : index
            %get3A_549 = tpu.vector_load %arg12[%get3A_548] {strides = array<i32>} : memref<96xf32, #tpu.memory_space<vmem>>, vector<16xf32>,
            %get3A_550 = arith.constant 16 : index
            %get3A_551 = tpu.vector_load %arg13[%get3A_550] {strides = array<i32>} : memref<96xi32, #tpu.memory_space<vmem>>, vector<16xi32>,
            %masked_sort3A_552 = arith.constant dense<true> : vector<16xi1>
            %masked_sort3A_553, %masked_sort3A_554, %masked_sort3A_555 = tpu.sort %get3A_549, %get3A_551 masked %masked_sort3A_552 : (vector<16xf32>, vector<16xi32>, vector<16xi1>) -> (vector<16xi1>, vector<16xf32>, vector<16xi32>)
            %get3A_556 = arith.constant 32 : index
            %get3A_557 = tpu.vector_load %arg12[%get3A_556] {strides = array<i32>} : memref<96xf32, #tpu.memory_space<vmem>>, vector<16xf32>,
            %get3A_558 = arith.constant 32 : index
            %get3A_559 = tpu.vector_load %arg13[%get3A_558] {strides = array<i32>} : memref<96xi32, #tpu.memory_space<vmem>>, vector<16xi32>,
            %masked_sort3A_560 = arith.constant dense<true> : vector<16xi1>
            %masked_sort3A_561, %masked_sort3A_562, %masked_sort3A_563 = tpu.sort %get3A_557, %get3A_559 masked %masked_sort3A_560 : (vector<16xf32>, vector<16xi32>, vector<16xi1>) -> (vector<16xi1>, vector<16xf32>, vector<16xi32>)
            %get3A_564 = arith.constant 48 : index
            %get3A_565 = tpu.vector_load %arg12[%get3A_564] {strides = array<i32>} : memref<96xf32, #tpu.memory_space<vmem>>, vector<16xf32>,
            %get3A_566 = arith.constant 48 : index
            %get3A_567 = tpu.vector_load %arg13[%get3A_566] {strides = array<i32>} : memref<96xi32, #tpu.memory_space<vmem>>, vector<16xi32>,
            %masked_sort3A_568 = arith.constant dense<true> : vector<16xi1>
            %masked_sort3A_569, %masked_sort3A_570, %masked_sort3A_571 = tpu.sort %get3A_565, %get3A_567 masked %masked_sort3A_568 : (vector<16xf32>, vector<16xi32>, vector<16xi1>) -> (vector<16xi1>, vector<16xf32>, vector<16xi32>)
            %get3A_572 = arith.constant 64 : index
            %get3A_573 = tpu.vector_load %arg12[%get3A_572] {strides = array<i32>} : memref<96xf32, #tpu.memory_space<vmem>>, vector<16xf32>,
            %get3A_574 = arith.constant 64 : index
            %get3A_575 = tpu.vector_load %arg13[%get3A_574] {strides = array<i32>} : memref<96xi32, #tpu.memory_space<vmem>>, vector<16xi32>,
            %masked_sort3A_576 = arith.constant dense<true> : vector<16xi1>
            %masked_sort3A_577, %masked_sort3A_578, %masked_sort3A_579 = tpu.sort %get3A_573, %get3A_575 masked %masked_sort3A_576 : (vector<16xf32>, vector<16xi32>, vector<16xi1>) -> (vector<16xi1>, vector<16xf32>, vector<16xi32>)
            %get3A_580 = arith.constant 80 : index
            %get3A_581 = tpu.vector_load %arg12[%get3A_580] {strides = array<i32>} : memref<96xf32, #tpu.memory_space<vmem>>, vector<16xf32>,
            %get3A_582 = arith.constant 80 : index
            %get3A_583 = tpu.vector_load %arg13[%get3A_582] {strides = array<i32>} : memref<96xi32, #tpu.memory_space<vmem>>, vector<16xi32>,
            %masked_sort3A_584 = arith.constant dense<true> : vector<16xi1>
            %masked_sort3A_585, %masked_sort3A_586, %masked_sort3A_587 = tpu.sort %get3A_581, %get3A_583 masked %masked_sort3A_584 : (vector<16xf32>, vector<16xi32>, vector<16xi1>) -> (vector<16xi1>, vector<16xf32>, vector<16xi32>)
            %rev3A_588 = arith.constant 15 : i32
            %rev3A_589 = vector.broadcast %rev3A_588 : i32 to vector<16xi32>
            %rev3A_590 = tpu.iota {dimensions = array<i32: 0>} : vector<16xi32>
            %rev3A_591 = arith.subi %rev3A_589, %rev3A_590 : vector<16xi32>
            %rev3A_592 = tpu.dynamic_gather %masked_sort3A_554[%rev3A_591] in [0] : vector<16xf32>, vector<16xi32> -> vector<16xf32>
            %rev3A_593 = arith.constant 15 : i32
            %rev3A_594 = vector.broadcast %rev3A_593 : i32 to vector<16xi32>
            %rev3A_595 = tpu.iota {dimensions = array<i32: 0>} : vector<16xi32>
            %rev3A_596 = arith.subi %rev3A_594, %rev3A_595 : vector<16xi32>
            %rev3A_597 = tpu.dynamic_gather %masked_sort3A_555[%rev3A_596] in [0] : vector<16xi32>, vector<16xi32> -> vector<16xi32>
            %le3A_598 = arith.cmpf ole, %masked_sort3A_546, %rev3A_592 : vector<16xf32>
            %select_n3A_599 = arith.select %le3A_598, %masked_sort3A_546, %rev3A_592 : vector<16xi1>, vector<16xf32>
            %select_n3A_600 = arith.select %le3A_598, %masked_sort3A_547, %rev3A_597 : vector<16xi1>, vector<16xi32>
            %select_n3A_601 = arith.select %le3A_598, %rev3A_592, %masked_sort3A_546 : vector<16xi1>, vector<16xf32>
            %select_n3A_602 = arith.select %le3A_598, %rev3A_597, %masked_sort3A_547 : vector<16xi1>, vector<16xi32>
            %masked_sort3A_603 = arith.constant dense<true> : vector<16xi1>
            %masked_sort3A_604, %masked_sort3A_605, %masked_sort3A_606 = tpu.sort %select_n3A_599, %select_n3A_600 masked %masked_sort3A_603 : (vector<16xf32>, vector<16xi32>, vector<16xi1>) -> (vector<16xi1>, vector<16xf32>, vector<16xi32>)
            %masked_sort3A_607 = arith.constant dense<true> : vector<16xi1>
            %masked_sort3A_608, %masked_sort3A_609, %masked_sort3A_610 = tpu.sort %select_n3A_601, %select_n3A_602 masked %masked_sort3A_607 : (vector<16xf32>, vector<16xi32>, vector<16xi1>) -> (vector<16xi1>, vector<16xf32>, vector<16xi32>)
            %rev3A_611 = arith.constant 15 : i32
            %rev3A_612 = vector.broadcast %rev3A_611 : i32 to vector<16xi32>
            %rev3A_613 = tpu.iota {dimensions = array<i32: 0>} : vector<16xi32>
            %rev3A_614 = arith.subi %rev3A_612, %rev3A_613 : vector<16xi32>
            %rev3A_615 = tpu.dynamic_gather %masked_sort3A_570[%rev3A_614] in [0] : vector<16xf32>, vector<16xi32> -> vector<16xf32>
            %rev3A_616 = arith.constant 15 : i32
            %rev3A_617 = vector.broadcast %rev3A_616 : i32 to vector<16xi32>
            %rev3A_618 = tpu.iota {dimensions = array<i32: 0>} : vector<16xi32>
            %rev3A_619 = arith.subi %rev3A_617, %rev3A_618 : vector<16xi32>
            %rev3A_620 = tpu.dynamic_gather %masked_sort3A_571[%rev3A_619] in [0] : vector<16xi32>, vector<16xi32> -> vector<16xi32>
            %le3A_621 = arith.cmpf ole, %masked_sort3A_562, %rev3A_615 : vector<16xf32>
            %select_n3A_622 = arith.select %le3A_621, %masked_sort3A_562, %rev3A_615 : vector<16xi1>, vector<16xf32>
            %select_n3A_623 = arith.select %le3A_621, %masked_sort3A_563, %rev3A_620 : vector<16xi1>, vector<16xi32>
            %select_n3A_624 = arith.select %le3A_621, %rev3A_615, %masked_sort3A_562 : vector<16xi1>, vector<16xf32>
            %select_n3A_625 = arith.select %le3A_621, %rev3A_620, %masked_sort3A_563 : vector<16xi1>, vector<16xi32>
            %masked_sort3A_626 = arith.constant dense<true> : vector<16xi1>
            %masked_sort3A_627, %masked_sort3A_628, %masked_sort3A_629 = tpu.sort %select_n3A_622, %select_n3A_623 masked %masked_sort3A_626 : (vector<16xf32>, vector<16xi32>, vector<16xi1>) -> (vector<16xi1>, vector<16xf32>, vector<16xi32>)
            %masked_sort3A_630 = arith.constant dense<true> : vector<16xi1>
            %masked_sort3A_631, %masked_sort3A_632, %masked_sort3A_633 = tpu.sort %select_n3A_624, %select_n3A_625 masked %masked_sort3A_630 : (vector<16xf32>, vector<16xi32>, vector<16xi1>) -> (vector<16xi1>, vector<16xf32>, vector<16xi32>)
            %rev3A_634 = arith.constant 15 : i32
            %rev3A_635 = vector.broadcast %rev3A_634 : i32 to vector<16xi32>
            %rev3A_636 = tpu.iota {dimensions = array<i32: 0>} : vector<16xi32>
            %rev3A_637 = arith.subi %rev3A_635, %rev3A_636 : vector<16xi32>
            %rev3A_638 = tpu.dynamic_gather %masked_sort3A_586[%rev3A_637] in [0] : vector<16xf32>, vector<16xi32> -> vector<16xf32>
            %rev3A_639 = arith.constant 15 : i32
            %rev3A_640 = vector.broadcast %rev3A_639 : i32 to vector<16xi32>
            %rev3A_641 = tpu.iota {dimensions = array<i32: 0>} : vector<16xi32>
            %rev3A_642 = arith.subi %rev3A_640, %rev3A_641 : vector<16xi32>
            %rev3A_643 = tpu.dynamic_gather %masked_sort3A_587[%rev3A_642] in [0] : vector<16xi32>, vector<16xi32> -> vector<16xi32>
            %le3A_644 = arith.cmpf ole, %masked_sort3A_578, %rev3A_638 : vector<16xf32>
            %select_n3A_645 = arith.select %le3A_644, %masked_sort3A_578, %rev3A_638 : vector<16xi1>, vector<16xf32>
            %select_n3A_646 = arith.select %le3A_644, %masked_sort3A_579, %rev3A_643 : vector<16xi1>, vector<16xi32>
            %select_n3A_647 = arith.select %le3A_644, %rev3A_638, %masked_sort3A_578 : vector<16xi1>, vector<16xf32>
            %select_n3A_648 = arith.select %le3A_644, %rev3A_643, %masked_sort3A_579 : vector<16xi1>, vector<16xi32>
            %masked_sort3A_649 = arith.constant dense<true> : vector<16xi1>
            %masked_sort3A_650, %masked_sort3A_651, %masked_sort3A_652 = tpu.sort %select_n3A_645, %select_n3A_646 masked %masked_sort3A_649 : (vector<16xf32>, vector<16xi32>, vector<16xi1>) -> (vector<16xi1>, vector<16xf32>, vector<16xi32>)
            %masked_sort3A_653 = arith.constant dense<true> : vector<16xi1>
            %masked_sort3A_654, %masked_sort3A_655, %masked_sort3A_656 = tpu.sort %select_n3A_647, %select_n3A_648 masked %masked_sort3A_653 : (vector<16xf32>, vector<16xi32>, vector<16xi1>) -> (vector<16xi1>, vector<16xf32>, vector<16xi32>)
            %rev3A_657 = arith.constant 15 : i32
            %rev3A_658 = vector.broadcast %rev3A_657 : i32 to vector<16xi32>
            %rev3A_659 = tpu.iota {dimensions = array<i32: 0>} : vector<16xi32>
            %rev3A_660 = arith.subi %rev3A_658, %rev3A_659 : vector<16xi32>
            %rev3A_661 = tpu.dynamic_gather %masked_sort3A_632[%rev3A_660] in [0] : vector<16xf32>, vector<16xi32> -> vector<16xf32>
            %rev3A_662 = arith.constant 15 : i32
            %rev3A_663 = vector.broadcast %rev3A_662 : i32 to vector<16xi32>
            %rev3A_664 = tpu.iota {dimensions = array<i32: 0>} : vector<16xi32>
            %rev3A_665 = arith.subi %rev3A_663, %rev3A_664 : vector<16xi32>
            %rev3A_666 = tpu.dynamic_gather %masked_sort3A_633[%rev3A_665] in [0] : vector<16xi32>, vector<16xi32> -> vector<16xi32>
            %rev3A_667 = arith.constant 15 : i32
            %rev3A_668 = vector.broadcast %rev3A_667 : i32 to vector<16xi32>
            %rev3A_669 = tpu.iota {dimensions = array<i32: 0>} : vector<16xi32>
            %rev3A_670 = arith.subi %rev3A_668, %rev3A_669 : vector<16xi32>
            %rev3A_671 = tpu.dynamic_gather %masked_sort3A_628[%rev3A_670] in [0] : vector<16xf32>, vector<16xi32> -> vector<16xf32>
            %rev3A_672 = arith.constant 15 : i32
            %rev3A_673 = vector.broadcast %rev3A_672 : i32 to vector<16xi32>
            %rev3A_674 = tpu.iota {dimensions = array<i32: 0>} : vector<16xi32>
            %rev3A_675 = arith.subi %rev3A_673, %rev3A_674 : vector<16xi32>
            %rev3A_676 = tpu.dynamic_gather %masked_sort3A_629[%rev3A_675] in [0] : vector<16xi32>, vector<16xi32> -> vector<16xi32>
            %le3A_677 = arith.cmpf ole, %masked_sort3A_605, %rev3A_661 : vector<16xf32>
            %select_n3A_678 = arith.select %le3A_677, %masked_sort3A_605, %rev3A_661 : vector<16xi1>, vector<16xf32>
            %select_n3A_679 = arith.select %le3A_677, %masked_sort3A_606, %rev3A_666 : vector<16xi1>, vector<16xi32>
            %le3A_680 = arith.cmpf ole, %masked_sort3A_609, %rev3A_671 : vector<16xf32>
            %select_n3A_681 = arith.select %le3A_680, %masked_sort3A_609, %rev3A_671 : vector<16xi1>, vector<16xf32>
            %select_n3A_682 = arith.select %le3A_680, %masked_sort3A_610, %rev3A_676 : vector<16xi1>, vector<16xi32>
            %le3A_683 = arith.cmpf ole, %select_n3A_678, %select_n3A_681 : vector<16xf32>
            %select_n3A_684 = arith.select %le3A_683, %select_n3A_678, %select_n3A_681 : vector<16xi1>, vector<16xf32>
            %select_n3A_685 = arith.select %le3A_683, %select_n3A_679, %select_n3A_682 : vector<16xi1>, vector<16xi32>
            %select_n3A_686 = arith.select %le3A_683, %select_n3A_681, %select_n3A_678 : vector<16xi1>, vector<16xf32>
            %select_n3A_687 = arith.select %le3A_683, %select_n3A_682, %select_n3A_679 : vector<16xi1>, vector<16xi32>
            %masked_sort3A_688 = arith.constant dense<true> : vector<16xi1>
            %masked_sort3A_689, %masked_sort3A_690, %masked_sort3A_691 = tpu.sort %select_n3A_684, %select_n3A_685 masked %masked_sort3A_688 : (vector<16xf32>, vector<16xi32>, vector<16xi1>) -> (vector<16xi1>, vector<16xf32>, vector<16xi32>)
            %masked_sort3A_692 = arith.constant dense<true> : vector<16xi1>
            %masked_sort3A_693, %masked_sort3A_694, %masked_sort3A_695 = tpu.sort %select_n3A_686, %select_n3A_687 masked %masked_sort3A_692 : (vector<16xf32>, vector<16xi32>, vector<16xi1>) -> (vector<16xi1>, vector<16xf32>, vector<16xi32>)
            %rev3A_696 = arith.constant 15 : i32
            %rev3A_697 = vector.broadcast %rev3A_696 : i32 to vector<16xi32>
            %rev3A_698 = tpu.iota {dimensions = array<i32: 0>} : vector<16xi32>
            %rev3A_699 = arith.subi %rev3A_697, %rev3A_698 : vector<16xi32>
            %rev3A_700 = tpu.dynamic_gather %masked_sort3A_655[%rev3A_699] in [0] : vector<16xf32>, vector<16xi32> -> vector<16xf32>
            %rev3A_701 = arith.constant 15 : i32
            %rev3A_702 = vector.broadcast %rev3A_701 : i32 to vector<16xi32>
            %rev3A_703 = tpu.iota {dimensions = array<i32: 0>} : vector<16xi32>
            %rev3A_704 = arith.subi %rev3A_702, %rev3A_703 : vector<16xi32>
            %rev3A_705 = tpu.dynamic_gather %masked_sort3A_656[%rev3A_704] in [0] : vector<16xi32>, vector<16xi32> -> vector<16xi32>
            %rev3A_706 = arith.constant 15 : i32
            %rev3A_707 = vector.broadcast %rev3A_706 : i32 to vector<16xi32>
            %rev3A_708 = tpu.iota {dimensions = array<i32: 0>} : vector<16xi32>
            %rev3A_709 = arith.subi %rev3A_707, %rev3A_708 : vector<16xi32>
            %rev3A_710 = tpu.dynamic_gather %masked_sort3A_651[%rev3A_709] in [0] : vector<16xf32>, vector<16xi32> -> vector<16xf32>
            %rev3A_711 = arith.constant 15 : i32
            %rev3A_712 = vector.broadcast %rev3A_711 : i32 to vector<16xi32>
            %rev3A_713 = tpu.iota {dimensions = array<i32: 0>} : vector<16xi32>
            %rev3A_714 = arith.subi %rev3A_712, %rev3A_713 : vector<16xi32>
            %rev3A_715 = tpu.dynamic_gather %masked_sort3A_652[%rev3A_714] in [0] : vector<16xi32>, vector<16xi32> -> vector<16xi32>
            %le3A_716 = arith.cmpf ole, %masked_sort3A_690, %rev3A_700 : vector<16xf32>
            %select_n3A_717 = arith.select %le3A_716, %masked_sort3A_690, %rev3A_700 : vector<16xi1>, vector<16xf32>
            %select_n3A_718 = arith.select %le3A_716, %masked_sort3A_691, %rev3A_705 : vector<16xi1>, vector<16xi32>
            %le3A_719 = arith.cmpf ole, %masked_sort3A_694, %rev3A_710 : vector<16xf32>
            %select_n3A_720 = arith.select %le3A_719, %masked_sort3A_694, %rev3A_710 : vector<16xi1>, vector<16xf32>
            %select_n3A_721 = arith.select %le3A_719, %masked_sort3A_695, %rev3A_715 : vector<16xi1>, vector<16xi32>
            %le3A_722 = arith.cmpf ole, %select_n3A_717, %select_n3A_720 : vector<16xf32>
            %select_n3A_723 = arith.select %le3A_722, %select_n3A_717, %select_n3A_720 : vector<16xi1>, vector<16xf32>
            %select_n3A_724 = arith.select %le3A_722, %select_n3A_718, %select_n3A_721 : vector<16xi1>, vector<16xi32>
            %select_n3A_725 = arith.select %le3A_722, %select_n3A_720, %select_n3A_717 : vector<16xi1>, vector<16xf32>
            %select_n3A_726 = arith.select %le3A_722, %select_n3A_721, %select_n3A_718 : vector<16xi1>, vector<16xi32>
            %masked_sort3A_727 = arith.constant dense<true> : vector<16xi1>
            %masked_sort3A_728, %masked_sort3A_729, %masked_sort3A_730 = tpu.sort %select_n3A_723, %select_n3A_724 masked %masked_sort3A_727 : (vector<16xf32>, vector<16xi32>, vector<16xi1>) -> (vector<16xi1>, vector<16xf32>, vector<16xi32>)
            %masked_sort3A_731 = arith.constant dense<true> : vector<16xi1>
            %masked_sort3A_732, %masked_sort3A_733, %masked_sort3A_734 = tpu.sort %select_n3A_725, %select_n3A_726 masked %masked_sort3A_731 : (vector<16xf32>, vector<16xi32>, vector<16xi1>) -> (vector<16xi1>, vector<16xf32>, vector<16xi32>)
            %swap3A_735 = arith.constant 0 : index
            %swap3A_736 = tpu.vector_load %arg12[%swap3A_735] {strides = array<i32>} : memref<96xf32, #tpu.memory_space<vmem>>, vector<16xf32>,
            tpu.vector_store %arg12[%swap3A_735], %masked_sort3A_729 {strides = array<i32>} : memref<96xf32, #tpu.memory_space<vmem>>, vector<16xf32>,
            %swap3A_737 = arith.constant 0 : index
            %swap3A_738 = tpu.vector_load %arg13[%swap3A_737] {strides = array<i32>} : memref<96xi32, #tpu.memory_space<vmem>>, vector<16xi32>,
            tpu.vector_store %arg13[%swap3A_737], %masked_sort3A_730 {strides = array<i32>} : memref<96xi32, #tpu.memory_space<vmem>>, vector<16xi32>,
            %swap3A_739 = arith.constant 16 : index
            %swap3A_740 = tpu.vector_load %arg12[%swap3A_739] {strides = array<i32>} : memref<96xf32, #tpu.memory_space<vmem>>, vector<16xf32>,
            tpu.vector_store %arg12[%swap3A_739], %masked_sort3A_733 {strides = array<i32>} : memref<96xf32, #tpu.memory_space<vmem>>, vector<16xf32>,
            %swap3A_741 = arith.constant 16 : index
            %swap3A_742 = tpu.vector_load %arg13[%swap3A_741] {strides = array<i32>} : memref<96xi32, #tpu.memory_space<vmem>>, vector<16xi32>,
            tpu.vector_store %arg13[%swap3A_741], %masked_sort3A_734 {strides = array<i32>} : memref<96xi32, #tpu.memory_space<vmem>>, vector<16xi32>,
            %broadcast_in_dim3A_743 = arith.constant 0x7F800000 : f32
            %broadcast_in_dim3A_744 = vector.broadcast %broadcast_in_dim3A_743 : f32 to vector<16xf32>
            %broadcast_in_dim3A_745 = arith.constant 1073741824 : i32
            %broadcast_in_dim3A_746 = vector.broadcast %broadcast_in_dim3A_745 : i32 to vector<16xi32>
            %swap3A_747 = arith.constant 32 : index
            %swap3A_748 = tpu.vector_load %arg12[%swap3A_747] {strides = array<i32>} : memref<96xf32, #tpu.memory_space<vmem>>, vector<16xf32>,
            tpu.vector_store %arg12[%swap3A_747], %broadcast_in_dim3A_744 {strides = array<i32>} : memref<96xf32, #tpu.memory_space<vmem>>, vector<16xf32>,
            %swap3A_749 = arith.constant 32 : index
            %swap3A_750 = tpu.vector_load %arg13[%swap3A_749] {strides = array<i32>} : memref<96xi32, #tpu.memory_space<vmem>>, vector<16xi32>,
            tpu.vector_store %arg13[%swap3A_749], %broadcast_in_dim3A_746 {strides = array<i32>} : memref<96xi32, #tpu.memory_space<vmem>>, vector<16xi32>,
            %swap3A_751 = arith.constant 48 : index
            %swap3A_752 = tpu.vector_load %arg12[%swap3A_751] {strides = array<i32>} : memref<96xf32, #tpu.memory_space<vmem>>, vector<16xf32>,
            tpu.vector_store %arg12[%swap3A_751], %broadcast_in_dim3A_744 {strides = array<i32>} : memref<96xf32, #tpu.memory_space<vmem>>, vector<16xf32>,
            %swap3A_753 = arith.constant 48 : index
            %swap3A_754 = tpu.vector_load %arg13[%swap3A_753] {strides = array<i32>} : memref<96xi32, #tpu.memory_space<vmem>>, vector<16xi32>,
            tpu.vector_store %arg13[%swap3A_753], %broadcast_in_dim3A_746 {strides = array<i32>} : memref<96xi32, #tpu.memory_space<vmem>>, vector<16xi32>,
            %swap3A_755 = arith.constant 64 : index
            %swap3A_756 = tpu.vector_load %arg12[%swap3A_755] {strides = array<i32>} : memref<96xf32, #tpu.memory_space<vmem>>, vector<16xf32>,
            tpu.vector_store %arg12[%swap3A_755], %broadcast_in_dim3A_744 {strides = array<i32>} : memref<96xf32, #tpu.memory_space<vmem>>, vector<16xf32>,
            %swap3A_757 = arith.constant 64 : index
            %swap3A_758 = tpu.vector_load %arg13[%swap3A_757] {strides = array<i32>} : memref<96xi32, #tpu.memory_space<vmem>>, vector<16xi32>,
            tpu.vector_store %arg13[%swap3A_757], %broadcast_in_dim3A_746 {strides = array<i32>} : memref<96xi32, #tpu.memory_space<vmem>>, vector<16xi32>,
            %swap3A_759 = arith.constant 80 : index
            %swap3A_760 = tpu.vector_load %arg12[%swap3A_759] {strides = array<i32>} : memref<96xf32, #tpu.memory_space<vmem>>, vector<16xf32>,
            tpu.vector_store %arg12[%swap3A_759], %broadcast_in_dim3A_744 {strides = array<i32>} : memref<96xf32, #tpu.memory_space<vmem>>, vector<16xf32>,
            %swap3A_761 = arith.constant 80 : index
            %swap3A_762 = tpu.vector_load %arg13[%swap3A_761] {strides = array<i32>} : memref<96xi32, #tpu.memory_space<vmem>>, vector<16xi32>,
            tpu.vector_store %arg13[%swap3A_761], %broadcast_in_dim3A_746 {strides = array<i32>} : memref<96xi32, #tpu.memory_space<vmem>>, vector<16xi32>,
            %reduce_max3A_763 = arith.constant true
            %reduce_max3A_764 = vector.broadcast %reduce_max3A_763 : i1 to vector<16xi1>
            %reduce_max3A_765 = tpu.scan <max>, %masked_sort3A_733 masked %reduce_max3A_764 : vector<16xf32>, vector<16xi1> -> vector<16xf32>
            %reduce_max3A_766 = vector.extract %reduce_max3A_765[15] : f32 from vector<16xf32>
            %cond3A_767 = arith.constant 32 : i32
            scf.yield %cond3A_767, %reduce_max3A_766 : i32, f32
          } else {
            scf.yield %add3A_533, %while3A_480 : i32, f32
          }
          scf.yield %cond3A_539#0, %cond3A_539#1 : i32, f32
        } else {
          scf.yield %while3A_479, %while3A_480 : i32, f32
        }
        scf.yield %cond3A_518#0, %cond3A_518#1 : i32, f32
      }
      %get3A_201 = arith.constant 0 : index
      %get3A_202 = tpu.vector_load %arg12[%get3A_201] {strides = array<i32>} : memref<96xf32, #tpu.memory_space<vmem>>, vector<16xf32>,
      %get3A_203 = arith.constant 0 : index
      %get3A_204 = tpu.vector_load %arg13[%get3A_203] {strides = array<i32>} : memref<96xi32, #tpu.memory_space<vmem>>, vector<16xi32>,
      %masked_sort3A = arith.constant dense<true> : vector<16xi1>
      %masked_sort3A_205, %masked_sort3A_206, %masked_sort3A_207 = tpu.sort %get3A_202, %get3A_204 masked %masked_sort3A : (vector<16xf32>, vector<16xi32>, vector<16xi1>) -> (vector<16xi1>, vector<16xf32>, vector<16xi32>)
      %get3A_208 = arith.constant 16 : index
      %get3A_209 = tpu.vector_load %arg12[%get3A_208] {strides = array<i32>} : memref<96xf32, #tpu.memory_space<vmem>>, vector<16xf32>,
      %get3A_210 = arith.constant 16 : index
      %get3A_211 = tpu.vector_load %arg13[%get3A_210] {strides = array<i32>} : memref<96xi32, #tpu.memory_space<vmem>>, vector<16xi32>,
      %masked_sort3A_212 = arith.constant dense<true> : vector<16xi1>
      %masked_sort3A_213, %masked_sort3A_214, %masked_sort3A_215 = tpu.sort %get3A_209, %get3A_211 masked %masked_sort3A_212 : (vector<16xf32>, vector<16xi32>, vector<16xi1>) -> (vector<16xi1>, vector<16xf32>, vector<16xi32>)
      %get3A_216 = arith.constant 32 : index
      %get3A_217 = tpu.vector_load %arg12[%get3A_216] {strides = array<i32>} : memref<96xf32, #tpu.memory_space<vmem>>, vector<16xf32>,
      %get3A_218 = arith.constant 32 : index
      %get3A_219 = tpu.vector_load %arg13[%get3A_218] {strides = array<i32>} : memref<96xi32, #tpu.memory_space<vmem>>, vector<16xi32>,
      %masked_sort3A_220 = arith.constant dense<true> : vector<16xi1>
      %masked_sort3A_221, %masked_sort3A_222, %masked_sort3A_223 = tpu.sort %get3A_217, %get3A_219 masked %masked_sort3A_220 : (vector<16xf32>, vector<16xi32>, vector<16xi1>) -> (vector<16xi1>, vector<16xf32>, vector<16xi32>)
      %get3A_224 = arith.constant 48 : index
      %get3A_225 = tpu.vector_load %arg12[%get3A_224] {strides = array<i32>} : memref<96xf32, #tpu.memory_space<vmem>>, vector<16xf32>,
      %get3A_226 = arith.constant 48 : index
      %get3A_227 = tpu.vector_load %arg13[%get3A_226] {strides = array<i32>} : memref<96xi32, #tpu.memory_space<vmem>>, vector<16xi32>,
      %masked_sort3A_228 = arith.constant dense<true> : vector<16xi1>
      %masked_sort3A_229, %masked_sort3A_230, %masked_sort3A_231 = tpu.sort %get3A_225, %get3A_227 masked %masked_sort3A_228 : (vector<16xf32>, vector<16xi32>, vector<16xi1>) -> (vector<16xi1>, vector<16xf32>, vector<16xi32>)
      %get3A_232 = arith.constant 64 : index
      %get3A_233 = tpu.vector_load %arg12[%get3A_232] {strides = array<i32>} : memref<96xf32, #tpu.memory_space<vmem>>, vector<16xf32>,
      %get3A_234 = arith.constant 64 : index
      %get3A_235 = tpu.vector_load %arg13[%get3A_234] {strides = array<i32>} : memref<96xi32, #tpu.memory_space<vmem>>, vector<16xi32>,
      %masked_sort3A_236 = arith.constant dense<true> : vector<16xi1>
      %masked_sort3A_237, %masked_sort3A_238, %masked_sort3A_239 = tpu.sort %get3A_233, %get3A_235 masked %masked_sort3A_236 : (vector<16xf32>, vector<16xi32>, vector<16xi1>) -> (vector<16xi1>, vector<16xf32>, vector<16xi32>)
      %get3A_240 = arith.constant 80 : index
      %get3A_241 = tpu.vector_load %arg12[%get3A_240] {strides = array<i32>} : memref<96xf32, #tpu.memory_space<vmem>>, vector<16xf32>,
      %get3A_242 = arith.constant 80 : index
      %get3A_243 = tpu.vector_load %arg13[%get3A_242] {strides = array<i32>} : memref<96xi32, #tpu.memory_space<vmem>>, vector<16xi32>,
      %masked_sort3A_244 = arith.constant dense<true> : vector<16xi1>
      %masked_sort3A_245, %masked_sort3A_246, %masked_sort3A_247 = tpu.sort %get3A_241, %get3A_243 masked %masked_sort3A_244 : (vector<16xf32>, vector<16xi32>, vector<16xi1>) -> (vector<16xi1>, vector<16xf32>, vector<16xi32>)
      %rev3A = arith.constant 15 : i32
      %rev3A_248 = vector.broadcast %rev3A : i32 to vector<16xi32>
      %rev3A_249 = tpu.iota {dimensions = array<i32: 0>} : vector<16xi32>
      %rev3A_250 = arith.subi %rev3A_248, %rev3A_249 : vector<16xi32>
      %rev3A_251 = tpu.dynamic_gather %masked_sort3A_214[%rev3A_250] in [0] : vector<16xf32>, vector<16xi32> -> vector<16xf32>
      %rev3A_252 = arith.constant 15 : i32
      %rev3A_253 = vector.broadcast %rev3A_252 : i32 to vector<16xi32>
      %rev3A_254 = tpu.iota {dimensions = array<i32: 0>} : vector<16xi32>
      %rev3A_255 = arith.subi %rev3A_253, %rev3A_254 : vector<16xi32>
      %rev3A_256 = tpu.dynamic_gather %masked_sort3A_215[%rev3A_255] in [0] : vector<16xi32>, vector<16xi32> -> vector<16xi32>
      %le3A = arith.cmpf ole, %masked_sort3A_206, %rev3A_251 : vector<16xf32>
      %select_n3A_257 = arith.select %le3A, %masked_sort3A_206, %rev3A_251 : vector<16xi1>, vector<16xf32>
      %select_n3A_258 = arith.select %le3A, %masked_sort3A_207, %rev3A_256 : vector<16xi1>, vector<16xi32>
      %select_n3A_259 = arith.select %le3A, %rev3A_251, %masked_sort3A_206 : vector<16xi1>, vector<16xf32>
      %select_n3A_260 = arith.select %le3A, %rev3A_256, %masked_sort3A_207 : vector<16xi1>, vector<16xi32>
      %masked_sort3A_261 = arith.constant dense<true> : vector<16xi1>
      %masked_sort3A_262, %masked_sort3A_263, %masked_sort3A_264 = tpu.sort %select_n3A_257, %select_n3A_258 masked %masked_sort3A_261 : (vector<16xf32>, vector<16xi32>, vector<16xi1>) -> (vector<16xi1>, vector<16xf32>, vector<16xi32>)
      %masked_sort3A_265 = arith.constant dense<true> : vector<16xi1>
      %masked_sort3A_266, %masked_sort3A_267, %masked_sort3A_268 = tpu.sort %select_n3A_259, %select_n3A_260 masked %masked_sort3A_265 : (vector<16xf32>, vector<16xi32>, vector<16xi1>) -> (vector<16xi1>, vector<16xf32>, vector<16xi32>)
      %rev3A_269 = arith.constant 15 : i32
      %rev3A_270 = vector.broadcast %rev3A_269 : i32 to vector<16xi32>
      %rev3A_271 = tpu.iota {dimensions = array<i32: 0>} : vector<16xi32>
      %rev3A_272 = arith.subi %rev3A_270, %rev3A_271 : vector<16xi32>
      %rev3A_273 = tpu.dynamic_gather %masked_sort3A_230[%rev3A_272] in [0] : vector<16xf32>, vector<16xi32> -> vector<16xf32>
      %rev3A_274 = arith.constant 15 : i32
      %rev3A_275 = vector.broadcast %rev3A_274 : i32 to vector<16xi32>
      %rev3A_276 = tpu.iota {dimensions = array<i32: 0>} : vector<16xi32>
      %rev3A_277 = arith.subi %rev3A_275, %rev3A_276 : vector<16xi32>
      %rev3A_278 = tpu.dynamic_gather %masked_sort3A_231[%rev3A_277] in [0] : vector<16xi32>, vector<16xi32> -> vector<16xi32>
      %le3A_279 = arith.cmpf ole, %masked_sort3A_222, %rev3A_273 : vector<16xf32>
      %select_n3A_280 = arith.select %le3A_279, %masked_sort3A_222, %rev3A_273 : vector<16xi1>, vector<16xf32>
      %select_n3A_281 = arith.select %le3A_279, %masked_sort3A_223, %rev3A_278 : vector<16xi1>, vector<16xi32>
      %select_n3A_282 = arith.select %le3A_279, %rev3A_273, %masked_sort3A_222 : vector<16xi1>, vector<16xf32>
      %select_n3A_283 = arith.select %le3A_279, %rev3A_278, %masked_sort3A_223 : vector<16xi1>, vector<16xi32>
      %masked_sort3A_284 = arith.constant dense<true> : vector<16xi1>
      %masked_sort3A_285, %masked_sort3A_286, %masked_sort3A_287 = tpu.sort %select_n3A_280, %select_n3A_281 masked %masked_sort3A_284 : (vector<16xf32>, vector<16xi32>, vector<16xi1>) -> (vector<16xi1>, vector<16xf32>, vector<16xi32>)
      %masked_sort3A_288 = arith.constant dense<true> : vector<16xi1>
      %masked_sort3A_289, %masked_sort3A_290, %masked_sort3A_291 = tpu.sort %select_n3A_282, %select_n3A_283 masked %masked_sort3A_288 : (vector<16xf32>, vector<16xi32>, vector<16xi1>) -> (vector<16xi1>, vector<16xf32>, vector<16xi32>)
      %rev3A_292 = arith.constant 15 : i32
      %rev3A_293 = vector.broadcast %rev3A_292 : i32 to vector<16xi32>
      %rev3A_294 = tpu.iota {dimensions = array<i32: 0>} : vector<16xi32>
      %rev3A_295 = arith.subi %rev3A_293, %rev3A_294 : vector<16xi32>
      %rev3A_296 = tpu.dynamic_gather %masked_sort3A_246[%rev3A_295] in [0] : vector<16xf32>, vector<16xi32> -> vector<16xf32>
      %rev3A_297 = arith.constant 15 : i32
      %rev3A_298 = vector.broadcast %rev3A_297 : i32 to vector<16xi32>
      %rev3A_299 = tpu.iota {dimensions = array<i32: 0>} : vector<16xi32>
      %rev3A_300 = arith.subi %rev3A_298, %rev3A_299 : vector<16xi32>
      %rev3A_301 = tpu.dynamic_gather %masked_sort3A_247[%rev3A_300] in [0] : vector<16xi32>, vector<16xi32> -> vector<16xi32>
      %le3A_302 = arith.cmpf ole, %masked_sort3A_238, %rev3A_296 : vector<16xf32>
      %select_n3A_303 = arith.select %le3A_302, %masked_sort3A_238, %rev3A_296 : vector<16xi1>, vector<16xf32>
      %select_n3A_304 = arith.select %le3A_302, %masked_sort3A_239, %rev3A_301 : vector<16xi1>, vector<16xi32>
      %select_n3A_305 = arith.select %le3A_302, %rev3A_296, %masked_sort3A_238 : vector<16xi1>, vector<16xf32>
      %select_n3A_306 = arith.select %le3A_302, %rev3A_301, %masked_sort3A_239 : vector<16xi1>, vector<16xi32>
      %masked_sort3A_307 = arith.constant dense<true> : vector<16xi1>
      %masked_sort3A_308, %masked_sort3A_309, %masked_sort3A_310 = tpu.sort %select_n3A_303, %select_n3A_304 masked %masked_sort3A_307 : (vector<16xf32>, vector<16xi32>, vector<16xi1>) -> (vector<16xi1>, vector<16xf32>, vector<16xi32>)
      %masked_sort3A_311 = arith.constant dense<true> : vector<16xi1>
      %masked_sort3A_312, %masked_sort3A_313, %masked_sort3A_314 = tpu.sort %select_n3A_305, %select_n3A_306 masked %masked_sort3A_311 : (vector<16xf32>, vector<16xi32>, vector<16xi1>) -> (vector<16xi1>, vector<16xf32>, vector<16xi32>)
      %rev3A_315 = arith.constant 15 : i32
      %rev3A_316 = vector.broadcast %rev3A_315 : i32 to vector<16xi32>
      %rev3A_317 = tpu.iota {dimensions = array<i32: 0>} : vector<16xi32>
      %rev3A_318 = arith.subi %rev3A_316, %rev3A_317 : vector<16xi32>
      %rev3A_319 = tpu.dynamic_gather %masked_sort3A_290[%rev3A_318] in [0] : vector<16xf32>, vector<16xi32> -> vector<16xf32>
      %rev3A_320 = arith.constant 15 : i32
      %rev3A_321 = vector.broadcast %rev3A_320 : i32 to vector<16xi32>
      %rev3A_322 = tpu.iota {dimensions = array<i32: 0>} : vector<16xi32>
      %rev3A_323 = arith.subi %rev3A_321, %rev3A_322 : vector<16xi32>
      %rev3A_324 = tpu.dynamic_gather %masked_sort3A_291[%rev3A_323] in [0] : vector<16xi32>, vector<16xi32> -> vector<16xi32>
      %rev3A_325 = arith.constant 15 : i32
      %rev3A_326 = vector.broadcast %rev3A_325 : i32 to vector<16xi32>
      %rev3A_327 = tpu.iota {dimensions = array<i32: 0>} : vector<16xi32>
      %rev3A_328 = arith.subi %rev3A_326, %rev3A_327 : vector<16xi32>
      %rev3A_329 = tpu.dynamic_gather %masked_sort3A_286[%rev3A_328] in [0] : vector<16xf32>, vector<16xi32> -> vector<16xf32>
      %rev3A_330 = arith.constant 15 : i32
      %rev3A_331 = vector.broadcast %rev3A_330 : i32 to vector<16xi32>
      %rev3A_332 = tpu.iota {dimensions = array<i32: 0>} : vector<16xi32>
      %rev3A_333 = arith.subi %rev3A_331, %rev3A_332 : vector<16xi32>
      %rev3A_334 = tpu.dynamic_gather %masked_sort3A_287[%rev3A_333] in [0] : vector<16xi32>, vector<16xi32> -> vector<16xi32>
      %le3A_335 = arith.cmpf ole, %masked_sort3A_263, %rev3A_319 : vector<16xf32>
      %select_n3A_336 = arith.select %le3A_335, %masked_sort3A_263, %rev3A_319 : vector<16xi1>, vector<16xf32>
      %select_n3A_337 = arith.select %le3A_335, %masked_sort3A_264, %rev3A_324 : vector<16xi1>, vector<16xi32>
      %le3A_338 = arith.cmpf ole, %masked_sort3A_267, %rev3A_329 : vector<16xf32>
      %select_n3A_339 = arith.select %le3A_338, %masked_sort3A_267, %rev3A_329 : vector<16xi1>, vector<16xf32>
      %select_n3A_340 = arith.select %le3A_338, %masked_sort3A_268, %rev3A_334 : vector<16xi1>, vector<16xi32>
      %le3A_341 = arith.cmpf ole, %select_n3A_336, %select_n3A_339 : vector<16xf32>
      %select_n3A_342 = arith.select %le3A_341, %select_n3A_336, %select_n3A_339 : vector<16xi1>, vector<16xf32>
      %select_n3A_343 = arith.select %le3A_341, %select_n3A_337, %select_n3A_340 : vector<16xi1>, vector<16xi32>
      %select_n3A_344 = arith.select %le3A_341, %select_n3A_339, %select_n3A_336 : vector<16xi1>, vector<16xf32>
      %select_n3A_345 = arith.select %le3A_341, %select_n3A_340, %select_n3A_337 : vector<16xi1>, vector<16xi32>
      %masked_sort3A_346 = arith.constant dense<true> : vector<16xi1>
      %masked_sort3A_347, %masked_sort3A_348, %masked_sort3A_349 = tpu.sort %select_n3A_342, %select_n3A_343 masked %masked_sort3A_346 : (vector<16xf32>, vector<16xi32>, vector<16xi1>) -> (vector<16xi1>, vector<16xf32>, vector<16xi32>)
      %masked_sort3A_350 = arith.constant dense<true> : vector<16xi1>
      %masked_sort3A_351, %masked_sort3A_352, %masked_sort3A_353 = tpu.sort %select_n3A_344, %select_n3A_345 masked %masked_sort3A_350 : (vector<16xf32>, vector<16xi32>, vector<16xi1>) -> (vector<16xi1>, vector<16xf32>, vector<16xi32>)
      %rev3A_354 = arith.constant 15 : i32
      %rev3A_355 = vector.broadcast %rev3A_354 : i32 to vector<16xi32>
      %rev3A_356 = tpu.iota {dimensions = array<i32: 0>} : vector<16xi32>
      %rev3A_357 = arith.subi %rev3A_355, %rev3A_356 : vector<16xi32>
      %rev3A_358 = tpu.dynamic_gather %masked_sort3A_313[%rev3A_357] in [0] : vector<16xf32>, vector<16xi32> -> vector<16xf32>
      %rev3A_359 = arith.constant 15 : i32
      %rev3A_360 = vector.broadcast %rev3A_359 : i32 to vector<16xi32>
      %rev3A_361 = tpu.iota {dimensions = array<i32: 0>} : vector<16xi32>
      %rev3A_362 = arith.subi %rev3A_360, %rev3A_361 : vector<16xi32>
      %rev3A_363 = tpu.dynamic_gather %masked_sort3A_314[%rev3A_362] in [0] : vector<16xi32>, vector<16xi32> -> vector<16xi32>
      %rev3A_364 = arith.constant 15 : i32
      %rev3A_365 = vector.broadcast %rev3A_364 : i32 to vector<16xi32>
      %rev3A_366 = tpu.iota {dimensions = array<i32: 0>} : vector<16xi32>
      %rev3A_367 = arith.subi %rev3A_365, %rev3A_366 : vector<16xi32>
      %rev3A_368 = tpu.dynamic_gather %masked_sort3A_309[%rev3A_367] in [0] : vector<16xf32>, vector<16xi32> -> vector<16xf32>
      %rev3A_369 = arith.constant 15 : i32
      %rev3A_370 = vector.broadcast %rev3A_369 : i32 to vector<16xi32>
      %rev3A_371 = tpu.iota {dimensions = array<i32: 0>} : vector<16xi32>
      %rev3A_372 = arith.subi %rev3A_370, %rev3A_371 : vector<16xi32>
      %rev3A_373 = tpu.dynamic_gather %masked_sort3A_310[%rev3A_372] in [0] : vector<16xi32>, vector<16xi32> -> vector<16xi32>
      %le3A_374 = arith.cmpf ole, %masked_sort3A_348, %rev3A_358 : vector<16xf32>
      %select_n3A_375 = arith.select %le3A_374, %masked_sort3A_348, %rev3A_358 : vector<16xi1>, vector<16xf32>
      %select_n3A_376 = arith.select %le3A_374, %masked_sort3A_349, %rev3A_363 : vector<16xi1>, vector<16xi32>
      %le3A_377 = arith.cmpf ole, %masked_sort3A_352, %rev3A_368 : vector<16xf32>
      %select_n3A_378 = arith.select %le3A_377, %masked_sort3A_352, %rev3A_368 : vector<16xi1>, vector<16xf32>
      %select_n3A_379 = arith.select %le3A_377, %masked_sort3A_353, %rev3A_373 : vector<16xi1>, vector<16xi32>
      %le3A_380 = arith.cmpf ole, %select_n3A_375, %select_n3A_378 : vector<16xf32>
      %select_n3A_381 = arith.select %le3A_380, %select_n3A_375, %select_n3A_378 : vector<16xi1>, vector<16xf32>
      %select_n3A_382 = arith.select %le3A_380, %select_n3A_376, %select_n3A_379 : vector<16xi1>, vector<16xi32>
      %select_n3A_383 = arith.select %le3A_380, %select_n3A_378, %select_n3A_375 : vector<16xi1>, vector<16xf32>
      %select_n3A_384 = arith.select %le3A_380, %select_n3A_379, %select_n3A_376 : vector<16xi1>, vector<16xi32>
      %masked_sort3A_385 = arith.constant dense<true> : vector<16xi1>
      %masked_sort3A_386, %masked_sort3A_387, %masked_sort3A_388 = tpu.sort %select_n3A_381, %select_n3A_382 masked %masked_sort3A_385 : (vector<16xf32>, vector<16xi32>, vector<16xi1>) -> (vector<16xi1>, vector<16xf32>, vector<16xi32>)
      %masked_sort3A_389 = arith.constant dense<true> : vector<16xi1>
      %masked_sort3A_390, %masked_sort3A_391, %masked_sort3A_392 = tpu.sort %select_n3A_383, %select_n3A_384 masked %masked_sort3A_389 : (vector<16xf32>, vector<16xi32>, vector<16xi1>) -> (vector<16xi1>, vector<16xf32>, vector<16xi32>)
      %swap3A_393 = arith.constant 0 : index
      %swap3A_394 = tpu.vector_load %arg12[%swap3A_393] {strides = array<i32>} : memref<96xf32, #tpu.memory_space<vmem>>, vector<16xf32>,
      tpu.vector_store %arg12[%swap3A_393], %masked_sort3A_387 {strides = array<i32>} : memref<96xf32, #tpu.memory_space<vmem>>, vector<16xf32>,
      %swap3A_395 = arith.constant 0 : index
      %swap3A_396 = tpu.vector_load %arg13[%swap3A_395] {strides = array<i32>} : memref<96xi32, #tpu.memory_space<vmem>>, vector<16xi32>,
      tpu.vector_store %arg13[%swap3A_395], %masked_sort3A_388 {strides = array<i32>} : memref<96xi32, #tpu.memory_space<vmem>>, vector<16xi32>,
      %swap3A_397 = arith.constant 16 : index
      %swap3A_398 = tpu.vector_load %arg12[%swap3A_397] {strides = array<i32>} : memref<96xf32, #tpu.memory_space<vmem>>, vector<16xf32>,
      tpu.vector_store %arg12[%swap3A_397], %masked_sort3A_391 {strides = array<i32>} : memref<96xf32, #tpu.memory_space<vmem>>, vector<16xf32>,
      %swap3A_399 = arith.constant 16 : index
      %swap3A_400 = tpu.vector_load %arg13[%swap3A_399] {strides = array<i32>} : memref<96xi32, #tpu.memory_space<vmem>>, vector<16xi32>,
      tpu.vector_store %arg13[%swap3A_399], %masked_sort3A_392 {strides = array<i32>} : memref<96xi32, #tpu.memory_space<vmem>>, vector<16xi32>,
      %broadcast_in_dim3A_401 = arith.constant 0x7F800000 : f32
      %broadcast_in_dim3A_402 = vector.broadcast %broadcast_in_dim3A_401 : f32 to vector<16xf32>
      %broadcast_in_dim3A_403 = arith.constant 1073741824 : i32
      %broadcast_in_dim3A_404 = vector.broadcast %broadcast_in_dim3A_403 : i32 to vector<16xi32>
      %swap3A_405 = arith.constant 32 : index
      %swap3A_406 = tpu.vector_load %arg12[%swap3A_405] {strides = array<i32>} : memref<96xf32, #tpu.memory_space<vmem>>, vector<16xf32>,
      tpu.vector_store %arg12[%swap3A_405], %broadcast_in_dim3A_402 {strides = array<i32>} : memref<96xf32, #tpu.memory_space<vmem>>, vector<16xf32>,
      %swap3A_407 = arith.constant 32 : index
      %swap3A_408 = tpu.vector_load %arg13[%swap3A_407] {strides = array<i32>} : memref<96xi32, #tpu.memory_space<vmem>>, vector<16xi32>,
      tpu.vector_store %arg13[%swap3A_407], %broadcast_in_dim3A_404 {strides = array<i32>} : memref<96xi32, #tpu.memory_space<vmem>>, vector<16xi32>,
      %swap3A_409 = arith.constant 48 : index
      %swap3A_410 = tpu.vector_load %arg12[%swap3A_409] {strides = array<i32>} : memref<96xf32, #tpu.memory_space<vmem>>, vector<16xf32>,
      tpu.vector_store %arg12[%swap3A_409], %broadcast_in_dim3A_402 {strides = array<i32>} : memref<96xf32, #tpu.memory_space<vmem>>, vector<16xf32>,
      %swap3A_411 = arith.constant 48 : index
      %swap3A_412 = tpu.vector_load %arg13[%swap3A_411] {strides = array<i32>} : memref<96xi32, #tpu.memory_space<vmem>>, vector<16xi32>,
      tpu.vector_store %arg13[%swap3A_411], %broadcast_in_dim3A_404 {strides = array<i32>} : memref<96xi32, #tpu.memory_space<vmem>>, vector<16xi32>,
      %swap3A_413 = arith.constant 64 : index
      %swap3A_414 = tpu.vector_load %arg12[%swap3A_413] {strides = array<i32>} : memref<96xf32, #tpu.memory_space<vmem>>, vector<16xf32>,
      tpu.vector_store %arg12[%swap3A_413], %broadcast_in_dim3A_402 {strides = array<i32>} : memref<96xf32, #tpu.memory_space<vmem>>, vector<16xf32>,
      %swap3A_415 = arith.constant 64 : index
      %swap3A_416 = tpu.vector_load %arg13[%swap3A_415] {strides = array<i32>} : memref<96xi32, #tpu.memory_space<vmem>>, vector<16xi32>,
      tpu.vector_store %arg13[%swap3A_415], %broadcast_in_dim3A_404 {strides = array<i32>} : memref<96xi32, #tpu.memory_space<vmem>>, vector<16xi32>,
      %swap3A_417 = arith.constant 80 : index
      %swap3A_418 = tpu.vector_load %arg12[%swap3A_417] {strides = array<i32>} : memref<96xf32, #tpu.memory_space<vmem>>, vector<16xf32>,
      tpu.vector_store %arg12[%swap3A_417], %broadcast_in_dim3A_402 {strides = array<i32>} : memref<96xf32, #tpu.memory_space<vmem>>, vector<16xf32>,
      %swap3A_419 = arith.constant 80 : index
      %swap3A_420 = tpu.vector_load %arg13[%swap3A_419] {strides = array<i32>} : memref<96xi32, #tpu.memory_space<vmem>>, vector<16xi32>,
      tpu.vector_store %arg13[%swap3A_419], %broadcast_in_dim3A_404 {strides = array<i32>} : memref<96xi32, #tpu.memory_space<vmem>>, vector<16xi32>,
      %reduce_max3A_421 = arith.constant true
      %reduce_max3A_422 = vector.broadcast %reduce_max3A_421 : i1 to vector<16xi1>
      %reduce_max3A_423 = tpu.scan <max>, %masked_sort3A_391 masked %reduce_max3A_422 : vector<16xf32>, vector<16xi1> -> vector<16xf32>
      %reduce_max3A_424 = vector.extract %reduce_max3A_423[15] : f32 from vector<16xf32>
      %get3A_425 = arith.constant 0 : index
      %get3A_426 = tpu.vector_load %arg13[%get3A_425] {strides = array<i32>} : memref<96xi32, #tpu.memory_space<vmem>>, vector<16xi32>,
      %gather3A_427 = tpu.vector_load_idx %arg6[%get3A_426] : memref<8192xf32, #tpu.memory_space<vmem>>[vector<16xi32>], vector<16xf32>,
      %sub3A_428 = arith.subf %gather3A_427, %gather3A : vector<16xf32>
      %gather3A_429 = tpu.vector_load_idx %arg7[%get3A_426] : memref<8192xf32, #tpu.memory_space<vmem>>[vector<16xi32>], vector<16xf32>,
      %sub3A_430 = arith.subf %gather3A_429, %gather3A_164 : vector<16xf32>
      %gather3A_431 = tpu.vector_load_idx %arg8[%get3A_426] : memref<8192xf32, #tpu.memory_space<vmem>>[vector<16xi32>], vector<16xf32>,
      %sub3A_432 = arith.subf %gather3A_431, %gather3A_165 : vector<16xf32>
      %mul3A_433 = arith.constant 32 : i32
      %mul3A_434 = arith.muli %scan3A_161, %mul3A_433 : i32
      %add3A_435 = arith.constant 0 : i32
      %add3A_436 = arith.addi %mul3A_434, %add3A_435 : i32
      %swap3A_437 = arith.index_cast %add3A_436 : i32 to index
      %swap3A_438 = tpu.vector_load %arg15[%swap3A_437] {strides = array<i32>} : memref<8192xf32, #tpu.memory_space<vmem>>, vector<16xf32>,
      tpu.vector_store %arg15[%swap3A_437], %sub3A_428 {strides = array<i32>} : memref<8192xf32, #tpu.memory_space<vmem>>, vector<16xf32>,
      %mul3A_439 = arith.constant 32 : i32
      %mul3A_440 = arith.muli %scan3A_161, %mul3A_439 : i32
      %add3A_441 = arith.constant 0 : i32
      %add3A_442 = arith.addi %mul3A_440, %add3A_441 : i32
      %swap3A_443 = arith.index_cast %add3A_442 : i32 to index
      %swap3A_444 = tpu.vector_load %arg16[%swap3A_443] {strides = array<i32>} : memref<8192xf32, #tpu.memory_space<vmem>>, vector<16xf32>,
      tpu.vector_store %arg16[%swap3A_443], %sub3A_430 {strides = array<i32>} : memref<8192xf32, #tpu.memory_space<vmem>>, vector<16xf32>,
      %mul3A_445 = arith.constant 32 : i32
      %mul3A_446 = arith.muli %scan3A_161, %mul3A_445 : i32
      %add3A_447 = arith.constant 0 : i32
      %add3A_448 = arith.addi %mul3A_446, %add3A_447 : i32
      %swap3A_449 = arith.index_cast %add3A_448 : i32 to index
      %swap3A_450 = tpu.vector_load %arg17[%swap3A_449] {strides = array<i32>} : memref<8192xf32, #tpu.memory_space<vmem>>, vector<16xf32>,
      tpu.vector_store %arg17[%swap3A_449], %sub3A_432 {strides = array<i32>} : memref<8192xf32, #tpu.memory_space<vmem>>, vector<16xf32>,
      %get3A_451 = arith.constant 16 : index
      %get3A_452 = tpu.vector_load %arg13[%get3A_451] {strides = array<i32>} : memref<96xi32, #tpu.memory_space<vmem>>, vector<16xi32>,
      %gather3A_453 = tpu.vector_load_idx %arg6[%get3A_452] : memref<8192xf32, #tpu.memory_space<vmem>>[vector<16xi32>], vector<16xf32>,
      %sub3A_454 = arith.subf %gather3A_453, %gather3A : vector<16xf32>
      %gather3A_455 = tpu.vector_load_idx %arg7[%get3A_452] : memref<8192xf32, #tpu.memory_space<vmem>>[vector<16xi32>], vector<16xf32>,
      %sub3A_456 = arith.subf %gather3A_455, %gather3A_164 : vector<16xf32>
      %gather3A_457 = tpu.vector_load_idx %arg8[%get3A_452] : memref<8192xf32, #tpu.memory_space<vmem>>[vector<16xi32>], vector<16xf32>,
      %sub3A_458 = arith.subf %gather3A_457, %gather3A_165 : vector<16xf32>
      %mul3A_459 = arith.constant 32 : i32
      %mul3A_460 = arith.muli %scan3A_161, %mul3A_459 : i32
      %add3A_461 = arith.constant 16 : i32
      %add3A_462 = arith.addi %mul3A_460, %add3A_461 : i32
      %swap3A_463 = arith.index_cast %add3A_462 : i32 to index
      %swap3A_464 = tpu.vector_load %arg15[%swap3A_463] {strides = array<i32>} : memref<8192xf32, #tpu.memory_space<vmem>>, vector<16xf32>,
      tpu.vector_store %arg15[%swap3A_463], %sub3A_454 {strides = array<i32>} : memref<8192xf32, #tpu.memory_space<vmem>>, vector<16xf32>,
      %mul3A_465 = arith.constant 32 : i32
      %mul3A_466 = arith.muli %scan3A_161, %mul3A_465 : i32
      %add3A_467 = arith.constant 16 : i32
      %add3A_468 = arith.addi %mul3A_466, %add3A_467 : i32
      %swap3A_469 = arith.index_cast %add3A_468 : i32 to index
      %swap3A_470 = tpu.vector_load %arg16[%swap3A_469] {strides = array<i32>} : memref<8192xf32, #tpu.memory_space<vmem>>, vector<16xf32>,
      tpu.vector_store %arg16[%swap3A_469], %sub3A_456 {strides = array<i32>} : memref<8192xf32, #tpu.memory_space<vmem>>, vector<16xf32>,
      %mul3A_471 = arith.constant 32 : i32
      %mul3A_472 = arith.muli %scan3A_161, %mul3A_471 : i32
      %add3A_473 = arith.constant 16 : i32
      %add3A_474 = arith.addi %mul3A_472, %add3A_473 : i32
      %swap3A_475 = arith.index_cast %add3A_474 : i32 to index
      %swap3A_476 = tpu.vector_load %arg17[%swap3A_475] {strides = array<i32>} : memref<8192xf32, #tpu.memory_space<vmem>>, vector<16xf32>,
      tpu.vector_store %arg17[%swap3A_475], %sub3A_458 {strides = array<i32>} : memref<8192xf32, #tpu.memory_space<vmem>>, vector<16xf32>,
      %scan3A_477 = arith.constant 0 : i32
      scf.yield %scan3A_477 : i32
    }
    %scan3A_121 = arith.constant 256 : i32
    %mul3A_122 = arith.constant 3 : i32
    %mul3A_123 = arith.muli %select_n3A, %mul3A_122 : i32
    %add3A_124 = arith.constant 0 : i32
    %add3A_125 = arith.addi %mul3A_123, %add3A_124 : i32
    %mul3A_126 = arith.constant 512 : i32
    %mul3A_127 = arith.muli %add3A_125, %mul3A_126 : i32
    %mul3A_128 = arith.constant 32 : i32
    %mul3A_129 = arith.muli %mul3A_127, %mul3A_128 : i32
    %mul3A_130 = arith.constant 256 : i32
    %mul3A_131 = arith.muli %select_n3A_30, %mul3A_130 : i32
    %mul3A_132 = arith.constant 32 : i32
    %mul3A_133 = arith.muli %mul3A_131, %mul3A_132 : i32
    %add3A_134 = arith.addi %mul3A_129, %mul3A_133 : i32
    "tpu.region"() ({
      %run_scoped3A = tpu.sem_alloc : memref<!tpu.dma_semaphore, #tpu.memory_space<semaphore_mem>>
      %dma_start3A = tpu.memref_slice %arg5[%add3A_134] : memref<786432xf32, #tpu.memory_space<hbm>> -> memref<8192xf32, #tpu.memory_space<hbm>>
      %dma_start3A_161 = tpu.memref_slice %arg5[%add3A_134] : memref<786432xf32, #tpu.memory_space<hbm>> -> memref<8192xf32, #tpu.memory_space<hbm>>
      tpu.enqueue_dma source(%arg15 : memref<8192xf32, #tpu.memory_space<vmem>>) target(%dma_start3A_161 : memref<8192xf32, #tpu.memory_space<hbm>>) target_semaphore(%run_scoped3A : memref<!tpu.dma_semaphore, #tpu.memory_space<semaphore_mem>>)
      %dma_wait3A = tpu.memref_slice %arg5[%add3A_134] : memref<786432xf32, #tpu.memory_space<hbm>> -> memref<8192xf32, #tpu.memory_space<hbm>>
      %dma_wait3A_162 = tpu.memref_slice %arg5[%add3A_134] : memref<786432xf32, #tpu.memory_space<hbm>> -> memref<8192xf32, #tpu.memory_space<hbm>>
      tpu.wait_dma2 semaphore(%run_scoped3A : memref<!tpu.dma_semaphore, #tpu.memory_space<semaphore_mem>>) src(%arg15 : memref<8192xf32, #tpu.memory_space<vmem>>) dst(%dma_wait3A_162 : memref<8192xf32, #tpu.memory_space<hbm>>)
      tpu.yield
    }) : () -> ()
    %mul3A_135 = arith.constant 3 : i32
    %mul3A_136 = arith.muli %select_n3A, %mul3A_135 : i32
    %add3A_137 = arith.constant 1 : i32
    %add3A_138 = arith.addi %mul3A_136, %add3A_137 : i32
    %mul3A_139 = arith.constant 512 : i32
    %mul3A_140 = arith.muli %add3A_138, %mul3A_139 : i32
    %mul3A_141 = arith.constant 32 : i32
    %mul3A_142 = arith.muli %mul3A_140, %mul3A_141 : i32
    %mul3A_143 = arith.constant 256 : i32
    %mul3A_144 = arith.muli %select_n3A_30, %mul3A_143 : i32
    %mul3A_145 = arith.constant 32 : i32
    %mul3A_146 = arith.muli %mul3A_144, %mul3A_145 : i32
    %add3A_147 = arith.addi %mul3A_142, %mul3A_146 : i32
    "tpu.region"() ({
      %run_scoped3A = tpu.sem_alloc : memref<!tpu.dma_semaphore, #tpu.memory_space<semaphore_mem>>
      %dma_start3A = tpu.memref_slice %arg5[%add3A_147] : memref<786432xf32, #tpu.memory_space<hbm>> -> memref<8192xf32, #tpu.memory_space<hbm>>
      %dma_start3A_161 = tpu.memref_slice %arg5[%add3A_147] : memref<786432xf32, #tpu.memory_space<hbm>> -> memref<8192xf32, #tpu.memory_space<hbm>>
      tpu.enqueue_dma source(%arg16 : memref<8192xf32, #tpu.memory_space<vmem>>) target(%dma_start3A_161 : memref<8192xf32, #tpu.memory_space<hbm>>) target_semaphore(%run_scoped3A : memref<!tpu.dma_semaphore, #tpu.memory_space<semaphore_mem>>)
      %dma_wait3A = tpu.memref_slice %arg5[%add3A_147] : memref<786432xf32, #tpu.memory_space<hbm>> -> memref<8192xf32, #tpu.memory_space<hbm>>
      %dma_wait3A_162 = tpu.memref_slice %arg5[%add3A_147] : memref<786432xf32, #tpu.memory_space<hbm>> -> memref<8192xf32, #tpu.memory_space<hbm>>
      tpu.wait_dma2 semaphore(%run_scoped3A : memref<!tpu.dma_semaphore, #tpu.memory_space<semaphore_mem>>) src(%arg16 : memref<8192xf32, #tpu.memory_space<vmem>>) dst(%dma_wait3A_162 : memref<8192xf32, #tpu.memory_space<hbm>>)
      tpu.yield
    }) : () -> ()
    %mul3A_148 = arith.constant 3 : i32
    %mul3A_149 = arith.muli %select_n3A, %mul3A_148 : i32
    %add3A_150 = arith.constant 2 : i32
    %add3A_151 = arith.addi %mul3A_149, %add3A_150 : i32
    %mul3A_152 = arith.constant 512 : i32
    %mul3A_153 = arith.muli %add3A_151, %mul3A_152 : i32
    %mul3A_154 = arith.constant 32 : i32
    %mul3A_155 = arith.muli %mul3A_153, %mul3A_154 : i32
    %mul3A_156 = arith.constant 256 : i32
    %mul3A_157 = arith.muli %select_n3A_30, %mul3A_156 : i32
    %mul3A_158 = arith.constant 32 : i32
    %mul3A_159 = arith.muli %mul3A_157, %mul3A_158 : i32
    %add3A_160 = arith.addi %mul3A_155, %mul3A_159 : i32
    "tpu.region"() ({
      %run_scoped3A = tpu.sem_alloc : memref<!tpu.dma_semaphore, #tpu.memory_space<semaphore_mem>>
      %dma_start3A = tpu.memref_slice %arg5[%add3A_160] : memref<786432xf32, #tpu.memory_space<hbm>> -> memref<8192xf32, #tpu.memory_space<hbm>>
      %dma_start3A_161 = tpu.memref_slice %arg5[%add3A_160] : memref<786432xf32, #tpu.memory_space<hbm>> -> memref<8192xf32, #tpu.memory_space<hbm>>
      tpu.enqueue_dma source(%arg17 : memref<8192xf32, #tpu.memory_space<vmem>>) target(%dma_start3A_161 : memref<8192xf32, #tpu.memory_space<hbm>>) target_semaphore(%run_scoped3A : memref<!tpu.dma_semaphore, #tpu.memory_space<semaphore_mem>>)
      %dma_wait3A = tpu.memref_slice %arg5[%add3A_160] : memref<786432xf32, #tpu.memory_space<hbm>> -> memref<8192xf32, #tpu.memory_space<hbm>>
      %dma_wait3A_162 = tpu.memref_slice %arg5[%add3A_160] : memref<786432xf32, #tpu.memory_space<hbm>> -> memref<8192xf32, #tpu.memory_space<hbm>>
      tpu.wait_dma2 semaphore(%run_scoped3A : memref<!tpu.dma_semaphore, #tpu.memory_space<semaphore_mem>>) src(%arg17 : memref<8192xf32, #tpu.memory_space<vmem>>) dst(%dma_wait3A_162 : memref<8192xf32, #tpu.memory_space<hbm>>)
      tpu.yield
    }) : () -> ()
    return
  }
}

</mosaic_0001>

<sc_bundles>
// kernel: kernel.4.cloned.1.call-start
scs
__scs_entry_jumppad:
0x0: {  	(pc) =	sbr.rel $0x88, $3  }
0x1: {  	(tag) =	ssettag $0x0;
	lr =	simm.s32 $0x1  }
0x2: {  	[smem:$0x3F9F] =	sst lr;
	_ =	strace $0xD0000000  }
0x3: {  	_ = 	snop  }
0x4: {  	_ = 	snop  }
0x5: {  	_ = 	snop  }
0x6: {  	_ = 	snop  }
0x7: {  	_ = 	snop  }
__scs_overlays_trampoline_lowered:
0x8: {  	[smem:$0x3FAE] =	sst s0  }
0x9: {  	[smem:$0x3FAF] =	sst s1  }
0xa: {  	[smem:$0x3FB0] =	sst s2  }
0xb: {  	[smem:$0x3FB1] =	sst s3  }
0xc: {  	[smem:$0x3FB2] =	sst s4  }
0xd: {  	[smem:$0x3FB3] =	sst s5  }
0xe: {  	[smem:$0x3FB4] =	sst s6  }
0xf: {  	[smem:$0x3FB5] =	sst s7  }
0x10: {  	[smem:$0x3FB6] =	sst s8  }
0x11: {  	[smem:$0x3FB7] =	sst s9;
	s0 =	simm.s32 @!p0 $0x0  }
0x12: {  	s1 =	sld [smem:$0x3F9D];
	s0 =	simm.s32 @p0 $0x1  }
0x13: {  	[smem:$0x3FB8] =	sst s0;
	s0 =	simm.s32 @!p1 $0x0  }
0x14: {  	s2 =	sld [smem:$0x3F9C];
	s0 =	simm.s32 @p1 $0x1  }
0x15: {  	[smem:$0x3FB9] =	sst s0;
	s0 =	simm.s32 @!p2 $0x0  }
0x16: {  	s3 =	sld [smem:$0x3FDB];
	s0 =	simm.s32 @p2 $0x1  }
0x17: {  	s4 =	simm.s32 $0x1BF5;
	[smem:$0x3FBB] =	sst s0  }
0x18: {  	s0 =	sld [smem:$0x3F9E];
	_ =	swait.ge [sflag:s4], $0x0  }
0x19: {  	s7 =	sld [smem:$0x3F9F]  }
0x1a: {  	s8 =	sadd.s32 $0xFFFFE003, lr  }
0x1b: {  	s9 =	sadd.s32 $0xFFFFFEF7, lr;
	s5 =	simm.s32 $0xFFFFFFFF;
	p2 =	slt.u32 s8, $0xFFFFF086  }
0x1c: {  	p1 =	slt.u32 s9, $0xF7A;
	s5 =	simm.s32 @!p2 $0x0  }
0x1d: {  	s5 =	simm.s32 @p1 $0x1;
	p0 =	seq.s32 s7, s2  }
0x1e: {  	s7 =	smul.u32 @!p0 $0xF7A, s2;
	p2 =	seq.s32 @!p0 s5, $0x0  }
0x1f: {  	s9 =	smul.u32 $0xF7A, s1;
	s8 =	simm.s32 @!p0 $0x1BF5;
	p2 =	por !p2, p0  }
0x20: {  	[sflag:s8] =	ssyncset.s32 @!p0 $0xFFFFF086;
	s6 =	sadd.s32 @!p0 s3, s7;
	s7 =	simm.s32 @!p0 $0x108  }
0x21: {  	s3 =	sadd.s32 s3, s9;
	s6 =	sadd.s32 @!p0 $0x88, s6;
	s7 =	simm.s32 @p2 $0x1082  }
0x22: {  	[simem:s7], [sflag:s8] =	dma.local @!p0 [hbm:s6], $0xF7A  }
0x23: {  	s9 =	sor.u32 $0xD0000000, s2;
	s6 =	simm.s32 $0x108;
	_ =	swait.ge @!p0 [sflag:s8], $0x0  }
0x24: {  	s3 =	sadd.s32 $0x88, s3;
	s6 =	simm.s32 @!p1 $0x1082;
	[sflag:s4] =	ssyncset.s32 $0xFFFFF086  }
0x25: {  	[simem:s6], [sflag:s4] =	dma.local [hbm:s3], $0xF7A  }
0x26: {  	[smem:$0x3F9F] =	sst s1;
	(tag) =	ssettag s2;
	_ =	strace s9  }
0x27: {  	s1 =	sld [smem:$0x3FAF]  }
0x28: {  	s2 =	sld [smem:$0x3FB0]  }
0x29: {  	s4 =	sld [smem:$0x3FB2]  }
0x2a: {  	p0 =	seq.s32 s5, $0x0;
	s5 =	sld [smem:$0x3FB3]  }
0x2b: {  	s6 =	sld [smem:$0x3FB4]  }
0x2c: {  	s7 =	sld [smem:$0x3FB5]  }
0x2d: {  	s3 =	simm.s32 $0x108;
	s8 =	sld [smem:$0x3FB6]  }
0x2e: {  	s3 =	simm.s32 @!p0 $0x1082;
	s9 =	sld [smem:$0x3FB7]  }
0x2f: {  	lr =	sadd.s32 s0, s3;
	s0 =	sld [smem:$0x3FAE]  }
0x30: {  	s3 =	sld [smem:$0x3FB1]  }
0x31: {  	[smem:$0x3FBA] =	sst s10  }
0x32: {  	s10 =	sld [smem:$0x3FB8];
	_ =	sdelay $0x3  }
0x33: {  	p0 =	seq.s32 s10, $0x1;
	s10 =	sld [smem:$0x3FBA];
	_ =	sdelay $0x3  }
0x34: {  	[smem:$0x3FBA] =	sst s10  }
0x35: {  	s10 =	sld [smem:$0x3FB9];
	_ =	sdelay $0x3  }
0x36: {  	p1 =	seq.s32 s10, $0x1;
	s10 =	sld [smem:$0x3FBA];
	_ =	sdelay $0x3  }
0x37: {  	[smem:$0x3FBA] =	sst s10  }
0x38: {  	s10 =	sld [smem:$0x3FBB]  }
0x39: {  	_ = 	snop;
	(pc) =	sbr.ind lr, $3  }
0x3a: {  	_ = 	snop  }
0x3b: {  	_ = 	snop  }
0x3c: {  	p2 =	seq.s32 s10, $0x1;
	s10 =	sld [smem:$0x3FBA]  }
0x3d: {  	_ =	shalt  }
0x3e: {  	_ =	shalt  }
0x3f: {  	_ =	shalt  }
0x40: {  	_ =	shalt  }
0x41: {  	_ =	shalt  }
0x42: {  	_ =	shalt  }
0x43: {  	_ =	shalt  }
0x44: {  	_ =	shalt  }
0x45: {  	_ =	shalt  }
0x46: {  	_ =	shalt  }
0x47: {  	_ =	shalt  }
0x48: {  	_ =	shalt  }
0x49: {  	_ =	shalt  }
0x4a: {  	_ =	shalt  }
0x4b: {  	_ =	shalt  }
0x4c: {  	_ =	shalt  }
0x4d: {  	_ =	shalt  }
0x4e: {  	_ =	shalt  }
0x4f: {  	_ =	shalt  }
0x50: {  	_ =	shalt  }
0x51: {  	_ =	shalt  }
0x52: {  	_ =	shalt  }
0x53: {  	_ =	shalt  }
0x54: {  	_ =	shalt  }
0x55: {  	_ =	shalt  }
0x56: {  	_ =	shalt  }
0x57: {  	_ =	shalt  }
0x58: {  	_ =	shalt  }
0x59: {  	_ =	shalt  }
0x5a: {  	_ =	shalt  }
0x5b: {  	_ =	shalt  }
0x5c: {  	_ =	shalt  }
0x5d: {  	_ =	shalt  }
0x5e: {  	_ =	shalt  }
0x5f: {  	_ =	shalt  }
0x60: {  	_ =	shalt  }
0x61: {  	_ =	shalt  }
0x62: {  	_ =	shalt  }
0x63: {  	_ =	shalt  }
0x64: {  	_ =	shalt  }
0x65: {  	_ =	shalt  }
0x66: {  	_ =	shalt  }
0x67: {  	_ =	shalt  }
0x68: {  	_ =	shalt  }
0x69: {  	_ =	shalt  }
0x6a: {  	_ =	shalt  }
0x6b: {  	_ =	shalt  }
0x6c: {  	_ =	shalt  }
0x6d: {  	_ =	shalt  }
0x6e: {  	_ =	shalt  }
0x6f: {  	_ =	shalt  }
0x70: {  	_ =	shalt  }
0x71: {  	_ =	shalt  }
0x72: {  	_ =	shalt  }
0x73: {  	_ =	shalt  }
0x74: {  	_ =	shalt  }
0x75: {  	_ =	shalt  }
0x76: {  	_ =	shalt  }
0x77: {  	_ =	shalt  }
0x78: {  	_ =	shalt  }
0x79: {  	_ =	shalt  }
0x7a: {  	_ =	shalt  }
0x7b: {  	_ =	shalt  }
0x7c: {  	_ =	shalt  }
0x7d: {  	_ =	shalt  }
0x7e: {  	_ =	shalt  }
0x7f: {  	_ =	shalt  }
0x80: {  	_ =	shalt  }
0x81: {  	_ =	shalt  }
0x82: {  	_ =	shalt  }
0x83: {  	_ =	shalt  }
0x84: {  	_ =	shalt  }
0x85: {  	_ =	shalt  }
0x86: {  	_ =	shalt  }
0x87: {  	_ =	shalt  }
.Lfunc_end0:
.L_simem_size_0:
called_computation_lowered:
.L_overlay_start_0:
0x88: {  	s2 =	sld [smem:$0x3FD9]  }
0x89: {  	s3 =	sld [smem:$0x3FFE];
	_ =	sdelay $0x1  }
0x8a: {  	s1 =	srdreg.scid  }
0x8b: {  	s0 =	sand.u32 $0x1, s1  }
0x8c: {  	s17 =	sshll.u32 s0, $0xA;
	s2 =	sadd.s32 s3, s2  }
0x8d: {  	s2 =	sadd.s32 s2, s17  }
0x8e: {  	[smem:$0x3FC6] =	sst s2  }
0x8f: {  	_ = 	snop  }
0x90: {  	s2 =	sld [smem:$0x3FC8];
	(tm) =	ssettm $0x1  }
0x91: {  	s18 =	sld [smem:$0x3FFB];
	_ =	sdelay $0x3  }
0x92: {  	_ =	strace s18  }
0x93: {  	s3 =	sld [smem:$0x3FFC];
	_ =	sdelay $0x3  }
0x94: {  	_ =	strace s3  }
0x95: {  	s3 =	sld [smem:$0x3FFD];
	_ =	sdelay $0x3  }
0x96: {  	_ =	strace s3  }
0x97: {  	_ =	strace $0x8FFFFFFF  }
0x98: {  	s19 =	sld [smem:$0x3FDB];
	_ =	sdelay $0x1  }
0x99: {  	s4 =	simm.s32 $_scs_section_size  }
0x9a: {  	s5 =	simm.s32 $_size__tile_overlayer_lowered;
	s6 =	simm.s32 $_tile_overlayer_lowered  }
0x9b: {  	s22 =	simm.s32 $0x1BFF;
	s21 =	sshll.u32 s6, $0x1;
	s3 =	sadd.s32 s4, s19  }
0x9c: {  	s7 =	simm.s32 $0x0;
	s20 =	sshll.u32 s5, $0x1;
	s5 =	sadd.s32 s21, s3  }
0x9d: {  	[timem:s7], [sflag:s22] =	dma.local [hbm:s5], s20  }
0x9e: {  	_ =	swait.ge [sflag:s22], s20  }
0x9f: {  	s4 =	ssub.s32 $0x0, s20;
	[sflag:s22] =	ssyncset.done $0x0  }
0xa0: {  	[sflag:s22] =	ssyncadd.s32 s4;
	_ =	sdelay $0x1  }
0xa1: {  	s23 =	simm.s32 $0x1B8B  }
0xa2: {  	_ =	swait.ge [sflag:s23], $0x1  }
0xa3: {  	[sflag:s23] =	ssyncset.done $0x0  }
0xa4: {  	s25 =	simm.s32 $0x1B8E;
	s24 =	sld [smem:$0x3FFE];
	[sflag:s23] =	ssyncadd.s32 $0xFFFFFFFF  }
0xa5: {  	s26 =	simm.s32 $execute0_lowered;
	[smem:$0x3FD2] =	sst s25  }
0xa6: {  	s5 =	sshll.u32 s26, $0x1;
	_ =	strace $0x80000046;
	[dreg:$0x1] =	wrdreg $0xFFFFFFFF  }
0xa7: {  	s28 =	simm.s32 $_size_execute0_lowered;
	s3 =	sadd.s32 s3, s5;
	[dreg:$0x0] =	wrdreg $0x0  }
0xa8: {  	s5 =	sshll.u32 s28, $0x1;
	[dreg:$0x2] =	wrdreg s3  }
0xa9: {  	[dreg:$0x3] =	wrdreg s5  }
0xaa: {  	[dreg:$0x4] =	wrdreg $0xC0  }
0xab: {  	_ =	task [dreg:s7], $0x5FFFF  }
0xac: {  	[dreg:$0x1] =	wrdreg $0xFFFFFFFF  }
0xad: {  	[dreg:$0x0] =	wrdreg $0x60  }
0xae: {  	[dreg:$0x2] =	wrdreg s24  }
0xaf: {  	[dreg:$0x3] =	wrdreg s2  }
0xb0: {  	[dreg:$0x4] =	wrdreg $0x9  }
0xb1: {  	_ =	task.clear_ibuf [dreg:s7], $0x5FFFF;
	_ =	strace $0x90000046  }
0xb2: {  	s29 =	simm.s32 $0x9;
	_ =	strace $0x80000048  }
0xb3: {  	_ =	swait.ge [sflag:s29], $0x1  }
0xb4: {  	[sflag:s29] =	ssyncadd.s32 $0xFFFFFFFF  }
0xb5: {  	_ =	strace $0x90000048  }
0xb6: {  	_ =	sfence  }
0xb7: {  	s30 =	sld [smem:$0x0];
	_ =	sdelay $0x2  }
0xb8: {  	s31 =	sshll.u32 s1, $0xD;
	s1 =	sshrl.u32 s1, $0x2  }
0xb9: {  	s3 =	sand.u32 $0x4000, s31;
	s1 =	sadd.s32 s1, s30  }
0xba: {  	s0 =	sor.u32 s3, s0;
	s1 =	sshll.u32 s1, $0x11  }
0xbb: {  	s0 =	sor.u32 s1, s0  }
0xbc: {  	s0 =	sadd.s32 $0x8F2B, s0  }
0xbd: {  	[sflag:s0] =	ssyncadd.remote.s32 $0x1  }
0xbe: {  	_ =	sfence.sel $0xFFFF  }
0xbf: {  	[dreg:$0x0] =	wrdreg $0xFFFFFFFF;
	(pc) =	sbr.abs _section_cstart, $3  }
0xc0: {  	[dreg:$0x1] =	wrdreg $0xFFFFFFFF  }
0xc1: {  	_ =	task.clear_ibuf [dreg:s7], $0x2FFFF;
	_ =	strace $0x9FFFFFFF  }
0xc2: {  	(tm) =	ssettm $0x7FFFFFFF  }
0xc3: {  	_ =	shalt  }
tec
execute0_lowered:
.L_overlay_start_1:
0x0: {  	(tag) =	ssettag $0x1  }
0x1: {  	v0 =	vimm.f32 $1.500000000e+01;
	vm0 =	vcmask $0x300  }
0x2: {  	vm14 =	vcmask $0x704;
	v0 =	vsel vm0, $0x0, v0  }
0x3: {  	vm15 =	vcmask $0xB08;
	v0 =	vsel vm14, $0x3F800000, v0  }
0x4: {  	vm4 =	vcmask $0xF0C;
	v0 =	vsel vm15, $0x40000000, v0  }
0x5: {  	vm5 =	vcmask $0x1310;
	v0 =	vsel vm4, $0x40400000, v0  }
0x6: {  	vm6 =	vcmask $0x1714;
	v0 =	vsel vm5, $0x40800000, v0  }
0x7: {  	vm7 =	vcmask $0x1B18;
	v0 =	vsel vm6, $0x40A00000, v0  }
0x8: {  	vm8 =	vcmask $0x1F1C;
	v0 =	vsel vm7, $0x40C00000, v0  }
0x9: {  	vm9 =	vcmask $0x2320;
	v0 =	vsel vm8, $0x40E00000, v0  }
0xa: {  	vm10 =	vcmask $0x2724;
	v0 =	vsel vm9, $0x41000000, v0  }
0xb: {  	vm11 =	vcmask $0x2B28;
	v0 =	vsel vm10, $0x41100000, v0  }
0xc: {  	vm12 =	vcmask $0x2F2C;
	v0 =	vsel vm11, $0x41200000, v0  }
0xd: {  	vm13 =	vcmask $0x3330;
	v0 =	vsel vm12, $0x41300000, v0  }
0xe: {  	s0 =	rddreg [dreg:$0x0];
	s2 =	simm.s32 $0x0;
	vm14 =	vcmask $0x3734;
	v0 =	vsel vm13, $0x41400000, v0  }
0xf: {  	[smem:$0x7FF] =	sst s2;
	vm15 =	vcmask $0x3B38;
	v0 =	vsel vm14, $0x41500000, v0  }
0x10: {  	s1 =	rddreg [dreg:$0x1];
	_ =	strace $0x80000047;
	v0 =	vsel vm15, $0x41600000, v0  }
0x11: {  	(xrf0) =	vmin.scan.msk.f32 $0xffff, v0;
	_ =	sdelay $0x5  }
0x12: {  	v0, _, _ =	vpop (xrf0)  }
0x13: {  	(v2sf) =	vpush v0, $0xF;
	_ =	sdelay $0x8  }
0x14: {  	s3 =	stileid.u32  }
0x15: {  	p0 =	sgt.u32 s3, $0x7  }
.Ltmp0:
0x16: {  	_ = 	snop;
	(pc) =	sbr.rel @p0 .LBB2_19-.Ltmp0, $2  }
0x17: {  	_ =	sdelay $0x2  }
0x18: {  	s6 =	spop (v2sf)  }
0x19: {  	s4 =	srdreg.scid;
	s25 =	sshll.u32 s3, $0x1;
	s9 =	sadd.s32 $0xA00, s0  }
0x1a: {  	s28 =	sadd.s32 $0xCA00, s0;
	s15 =	scvt.f32.s32 s6;
	s7 =	sand.u32 $0x1, s4  }
0x1b: {  	s13 =	simm.s32 $0x8080;
	s16 =	simm.s32 $0x8280;
	s14 =	sor.u32 s7, s25  }
0x1c: {  	s17 =	simm.s32 $0x8480;
	s18 =	simm.s32 $0x8680;
	s4 =	smul.u32 $0x3, s14  }
0x1d: {  	s19 =	simm.s32 $0x0;
	s29 =	ssub.s32 $0x2, s7;
	s11 =	smul.u32 $0xC0, s14  }
0x1e: {  	v0 =	vmov s15;
	s15 =	simm.s32 $0x4000;
	s31 =	sshrl.u32 s29, $0x1;
	s12 =	smul.u32 $0xC00, s14  }
0x1f: {  	v3 =	vmov s14;
	s14 =	simm.s32 $0x2000;
	s8 =	sadd.s32 $0x1, s4;
	s10 =	sadd.s32 $0x2, s4  }
.Ltmp1:
0x20: {  	s6 =	sadd.s32 s28, s11;
	s11 =	ssub.s32 s29, s31;
	(pc) =	sbr.rel .LBB2_2-.Ltmp1, $4  }
0x21: {  	s26 =	sshll.u32 s8, $0xA;
	s5 =	sshll.u32 s10, $0xA;
	s30 =	sshll.u32 s8, $0x6  }
0x22: {  	s10 =	sshll.u32 s10, $0x6;
	s4 =	sadd.s32 s9, s26;
	s5 =	sadd.s32 s9, s5  }
0x23: {  	v1 =	vlaneseq.u32;
	s7 =	sadd.s32 s28, s30;
	s8 =	sadd.s32 s28, s10;
	s9 =	sadd.s32 s9, s12  }
0x24: {  	v2 =	vadd.s32 $0x1, v0;
	vm0 =	veq.s32 v3, v1;
	s10 =	smax.u32 s11, $0x1;
	s11 =	simm.s32 $0x1;
	s12 =	simm.s32 $0x8000  }
.LBB2_18:
0x25: {  	v3 =	vld [tilespmem:$0x8080];
	_ =	sdelay $0x7  }
0x26: {  	v4 =	vld.idx.msk [tilespmem:v3+s2+$0x0], $0xffff;
	_ =	sdelay $0x4  }
0x27: {  	[tilespmem:$0x8280] =	vst v4  }
0x28: {  	v4 =	vld.idx.msk [tilespmem:v3+s14+$0x0], $0xffff;
	_ =	sdelay $0x3  }
0x29: {  	v5 =	vld [tilespmem:$0x8090]  }
0x2a: {  	[tilespmem:$0x8480] =	vst v4  }
0x2b: {  	v3 =	vld.idx.msk [tilespmem:v3+s15+$0x0], $0xffff;
	_ =	sdelay $0x4  }
0x2c: {  	[tilespmem:$0x8680] =	vst v3  }
0x2d: {  	v3 =	vld.idx.msk [tilespmem:v5+s2+$0x0], $0xffff;
	_ =	sdelay $0x4  }
0x2e: {  	[tilespmem:$0x8290] =	vst v3  }
0x2f: {  	v3 =	vld.idx.msk [tilespmem:v5+s14+$0x0], $0xffff;
	_ =	sdelay $0x3  }
0x30: {  	v34 =	vld [tilespmem:$0x80A0]  }
0x31: {  	[tilespmem:$0x8490] =	vst v3  }
0x32: {  	v3 =	vld.idx.msk [tilespmem:v5+s15+$0x0], $0xffff;
	_ =	sdelay $0x4  }
0x33: {  	[tilespmem:$0x8690] =	vst v3  }
0x34: {  	v3 =	vld.idx.msk [tilespmem:v34+s2+$0x0], $0xffff;
	_ =	sdelay $0x4  }
0x35: {  	[tilespmem:$0x82A0] =	vst v3  }
0x36: {  	v3 =	vld.idx.msk [tilespmem:v34+s14+$0x0], $0xffff;
	_ =	sdelay $0x3  }
0x37: {  	v35 =	vld [tilespmem:$0x80B0]  }
0x38: {  	[tilespmem:$0x84A0] =	vst v3  }
0x39: {  	v3 =	vld.idx.msk [tilespmem:v34+s15+$0x0], $0xffff;
	_ =	sdelay $0x4  }
0x3a: {  	[tilespmem:$0x86A0] =	vst v3  }
0x3b: {  	v3 =	vld.idx.msk [tilespmem:v35+s2+$0x0], $0xffff;
	_ =	sdelay $0x4  }
0x3c: {  	[tilespmem:$0x82B0] =	vst v3  }
0x3d: {  	v3 =	vld.idx.msk [tilespmem:v35+s14+$0x0], $0xffff;
	_ =	sdelay $0x3  }
0x3e: {  	v36 =	vld [tilespmem:$0x80C0]  }
0x3f: {  	[tilespmem:$0x84B0] =	vst v3  }
0x40: {  	v3 =	vld.idx.msk [tilespmem:v35+s15+$0x0], $0xffff;
	_ =	sdelay $0x4  }
0x41: {  	[tilespmem:$0x86B0] =	vst v3  }
0x42: {  	v3 =	vld.idx.msk [tilespmem:v36+s2+$0x0], $0xffff;
	_ =	sdelay $0x4  }
0x43: {  	[tilespmem:$0x82C0] =	vst v3  }
0x44: {  	v3 =	vld.idx.msk [tilespmem:v36+s14+$0x0], $0xffff;
	_ =	sdelay $0x3  }
0x45: {  	v37 =	vld [tilespmem:$0x80D0]  }
0x46: {  	[tilespmem:$0x84C0] =	vst v3  }
0x47: {  	v3 =	vld.idx.msk [tilespmem:v36+s15+$0x0], $0xffff;
	_ =	sdelay $0x4  }
0x48: {  	[tilespmem:$0x86C0] =	vst v3  }
0x49: {  	v3 =	vld.idx.msk [tilespmem:v37+s2+$0x0], $0xffff;
	_ =	sdelay $0x4  }
0x4a: {  	[tilespmem:$0x82D0] =	vst v3  }
0x4b: {  	v3 =	vld.idx.msk [tilespmem:v37+s14+$0x0], $0xffff;
	_ =	sdelay $0x3  }
0x4c: {  	v38 =	vld [tilespmem:$0x80E0]  }
0x4d: {  	[tilespmem:$0x84D0] =	vst v3  }
0x4e: {  	v3 =	vld.idx.msk [tilespmem:v37+s15+$0x0], $0xffff;
	_ =	sdelay $0x4  }
0x4f: {  	[tilespmem:$0x86D0] =	vst v3  }
0x50: {  	v3 =	vld.idx.msk [tilespmem:v38+s2+$0x0], $0xffff;
	_ =	sdelay $0x4  }
0x51: {  	[tilespmem:$0x82E0] =	vst v3  }
0x52: {  	v3 =	vld.idx.msk [tilespmem:v38+s14+$0x0], $0xffff;
	_ =	sdelay $0x3  }
0x53: {  	v39 =	vld [tilespmem:$0x80F0]  }
0x54: {  	[tilespmem:$0x84E0] =	vst v3  }
0x55: {  	v3 =	vld.idx.msk [tilespmem:v38+s15+$0x0], $0xffff;
	_ =	sdelay $0x4  }
0x56: {  	[tilespmem:$0x86E0] =	vst v3  }
0x57: {  	v3 =	vld.idx.msk [tilespmem:v39+s2+$0x0], $0xffff;
	_ =	sdelay $0x4  }
0x58: {  	[tilespmem:$0x82F0] =	vst v3  }
0x59: {  	v3 =	vld.idx.msk [tilespmem:v39+s14+$0x0], $0xffff;
	_ =	sdelay $0x3  }
0x5a: {  	v40 =	vld [tilespmem:$0x8100]  }
0x5b: {  	[tilespmem:$0x84F0] =	vst v3  }
0x5c: {  	v3 =	vld.idx.msk [tilespmem:v39+s15+$0x0], $0xffff;
	_ =	sdelay $0x4  }
0x5d: {  	[tilespmem:$0x86F0] =	vst v3  }
0x5e: {  	v3 =	vld.idx.msk [tilespmem:v40+s2+$0x0], $0xffff;
	_ =	sdelay $0x4  }
0x5f: {  	[tilespmem:$0x8300] =	vst v3  }
0x60: {  	v3 =	vld.idx.msk [tilespmem:v40+s14+$0x0], $0xffff;
	_ =	sdelay $0x3  }
0x61: {  	v41 =	vld [tilespmem:$0x8110]  }
0x62: {  	[tilespmem:$0x8500] =	vst v3  }
0x63: {  	v3 =	vld.idx.msk [tilespmem:v40+s15+$0x0], $0xffff;
	_ =	sdelay $0x4  }
0x64: {  	[tilespmem:$0x8700] =	vst v3  }
0x65: {  	v3 =	vld.idx.msk [tilespmem:v41+s2+$0x0], $0xffff;
	_ =	sdelay $0x4  }
0x66: {  	[tilespmem:$0x8310] =	vst v3  }
0x67: {  	v3 =	vld.idx.msk [tilespmem:v41+s14+$0x0], $0xffff;
	_ =	sdelay $0x3  }
0x68: {  	v42 =	vld [tilespmem:$0x8120]  }
0x69: {  	[tilespmem:$0x8510] =	vst v3  }
0x6a: {  	v3 =	vld.idx.msk [tilespmem:v41+s15+$0x0], $0xffff;
	_ =	sdelay $0x4  }
0x6b: {  	[tilespmem:$0x8710] =	vst v3  }
0x6c: {  	v3 =	vld.idx.msk [tilespmem:v42+s2+$0x0], $0xffff;
	_ =	sdelay $0x4  }
0x6d: {  	[tilespmem:$0x8320] =	vst v3  }
0x6e: {  	v3 =	vld.idx.msk [tilespmem:v42+s14+$0x0], $0xffff;
	_ =	sdelay $0x3  }
0x6f: {  	v43 =	vld [tilespmem:$0x8130]  }
0x70: {  	[tilespmem:$0x8520] =	vst v3  }
0x71: {  	v3 =	vld.idx.msk [tilespmem:v42+s15+$0x0], $0xffff;
	_ =	sdelay $0x4  }
0x72: {  	[tilespmem:$0x8720] =	vst v3  }
0x73: {  	v3 =	vld.idx.msk [tilespmem:v43+s2+$0x0], $0xffff;
	_ =	sdelay $0x4  }
0x74: {  	[tilespmem:$0x8330] =	vst v3  }
0x75: {  	v3 =	vld.idx.msk [tilespmem:v43+s14+$0x0], $0xffff;
	_ =	sdelay $0x3  }
0x76: {  	v44 =	vld [tilespmem:$0x8140]  }
0x77: {  	[tilespmem:$0x8530] =	vst v3  }
0x78: {  	v3 =	vld.idx.msk [tilespmem:v43+s15+$0x0], $0xffff;
	_ =	sdelay $0x4  }
0x79: {  	[tilespmem:$0x8730] =	vst v3  }
0x7a: {  	v3 =	vld.idx.msk [tilespmem:v44+s2+$0x0], $0xffff;
	_ =	sdelay $0x4  }
0x7b: {  	[tilespmem:$0x8340] =	vst v3  }
0x7c: {  	v3 =	vld.idx.msk [tilespmem:v44+s14+$0x0], $0xffff;
	_ =	sdelay $0x3  }
0x7d: {  	v45 =	vld [tilespmem:$0x8150]  }
0x7e: {  	[tilespmem:$0x8540] =	vst v3  }
0x7f: {  	v3 =	vld.idx.msk [tilespmem:v44+s15+$0x0], $0xffff;
	_ =	sdelay $0x4  }
0x80: {  	[tilespmem:$0x8740] =	vst v3  }
0x81: {  	v3 =	vld.idx.msk [tilespmem:v45+s2+$0x0], $0xffff;
	_ =	sdelay $0x4  }
0x82: {  	[tilespmem:$0x8350] =	vst v3  }
0x83: {  	v3 =	vld.idx.msk [tilespmem:v45+s14+$0x0], $0xffff;
	_ =	sdelay $0x3  }
0x84: {  	v46 =	vld [tilespmem:$0x8160]  }
0x85: {  	[tilespmem:$0x8550] =	vst v3  }
0x86: {  	v3 =	vld.idx.msk [tilespmem:v45+s15+$0x0], $0xffff;
	_ =	sdelay $0x4  }
0x87: {  	[tilespmem:$0x8750] =	vst v3  }
0x88: {  	v3 =	vld.idx.msk [tilespmem:v46+s2+$0x0], $0xffff;
	_ =	sdelay $0x4  }
0x89: {  	[tilespmem:$0x8360] =	vst v3  }
0x8a: {  	v3 =	vld.idx.msk [tilespmem:v46+s14+$0x0], $0xffff;
	_ =	sdelay $0x3  }
0x8b: {  	v47 =	vld [tilespmem:$0x8170]  }
0x8c: {  	[tilespmem:$0x8560] =	vst v3  }
0x8d: {  	v3 =	vld.idx.msk [tilespmem:v46+s15+$0x0], $0xffff;
	_ =	sdelay $0x4  }
0x8e: {  	[tilespmem:$0x8760] =	vst v3  }
0x8f: {  	v3 =	vld.idx.msk [tilespmem:v47+s2+$0x0], $0xffff;
	_ =	sdelay $0x4  }
0x90: {  	[tilespmem:$0x8370] =	vst v3  }
0x91: {  	v3 =	vld.idx.msk [tilespmem:v47+s14+$0x0], $0xffff;
	_ =	sdelay $0x3  }
0x92: {  	v48 =	vld [tilespmem:$0x8180]  }
0x93: {  	[tilespmem:$0x8570] =	vst v3  }
0x94: {  	v3 =	vld.idx.msk [tilespmem:v47+s15+$0x0], $0xffff;
	_ =	sdelay $0x4  }
0x95: {  	[tilespmem:$0x8770] =	vst v3  }
0x96: {  	v3 =	vld.idx.msk [tilespmem:v48+s2+$0x0], $0xffff;
	_ =	sdelay $0x4  }
0x97: {  	[tilespmem:$0x8380] =	vst v3  }
0x98: {  	v3 =	vld.idx.msk [tilespmem:v48+s14+$0x0], $0xffff;
	_ =	sdelay $0x3  }
0x99: {  	v49 =	vld [tilespmem:$0x8190]  }
0x9a: {  	[tilespmem:$0x8580] =	vst v3  }
0x9b: {  	v3 =	vld.idx.msk [tilespmem:v48+s15+$0x0], $0xffff;
	_ =	sdelay $0x4  }
0x9c: {  	[tilespmem:$0x8780] =	vst v3  }
0x9d: {  	v3 =	vld.idx.msk [tilespmem:v49+s2+$0x0], $0xffff;
	_ =	sdelay $0x4  }
0x9e: {  	[tilespmem:$0x8390] =	vst v3  }
0x9f: {  	v3 =	vld.idx.msk [tilespmem:v49+s14+$0x0], $0xffff;
	_ =	sdelay $0x3  }
0xa0: {  	v50 =	vld [tilespmem:$0x81A0]  }
0xa1: {  	[tilespmem:$0x8590] =	vst v3  }
0xa2: {  	v3 =	vld.idx.msk [tilespmem:v49+s15+$0x0], $0xffff;
	_ =	sdelay $0x4  }
0xa3: {  	[tilespmem:$0x8790] =	vst v3  }
0xa4: {  	v3 =	vld.idx.msk [tilespmem:v50+s2+$0x0], $0xffff;
	_ =	sdelay $0x4  }
0xa5: {  	[tilespmem:$0x83A0] =	vst v3  }
0xa6: {  	v3 =	vld.idx.msk [tilespmem:v50+s14+$0x0], $0xffff;
	_ =	sdelay $0x3  }
0xa7: {  	v51 =	vld [tilespmem:$0x81B0]  }
0xa8: {  	[tilespmem:$0x85A0] =	vst v3  }
0xa9: {  	v3 =	vld.idx.msk [tilespmem:v50+s15+$0x0], $0xffff;
	_ =	sdelay $0x4  }
0xaa: {  	[tilespmem:$0x87A0] =	vst v3  }
0xab: {  	v3 =	vld.idx.msk [tilespmem:v51+s2+$0x0], $0xffff;
	_ =	sdelay $0x4  }
0xac: {  	[tilespmem:$0x83B0] =	vst v3  }
0xad: {  	v3 =	vld.idx.msk [tilespmem:v51+s14+$0x0], $0xffff;
	_ =	sdelay $0x3  }
0xae: {  	v52 =	vld [tilespmem:$0x81C0]  }
0xaf: {  	[tilespmem:$0x85B0] =	vst v3  }
0xb0: {  	v3 =	vld.idx.msk [tilespmem:v51+s15+$0x0], $0xffff;
	_ =	sdelay $0x4  }
0xb1: {  	[tilespmem:$0x87B0] =	vst v3  }
0xb2: {  	v3 =	vld.idx.msk [tilespmem:v52+s2+$0x0], $0xffff;
	_ =	sdelay $0x4  }
0xb3: {  	[tilespmem:$0x83C0] =	vst v3  }
0xb4: {  	v3 =	vld.idx.msk [tilespmem:v52+s14+$0x0], $0xffff;
	_ =	sdelay $0x3  }
0xb5: {  	v53 =	vld [tilespmem:$0x81D0]  }
0xb6: {  	[tilespmem:$0x85C0] =	vst v3  }
0xb7: {  	v3 =	vld.idx.msk [tilespmem:v52+s15+$0x0], $0xffff;
	_ =	sdelay $0x4  }
0xb8: {  	[tilespmem:$0x87C0] =	vst v3  }
0xb9: {  	v3 =	vld.idx.msk [tilespmem:v53+s2+$0x0], $0xffff;
	_ =	sdelay $0x4  }
0xba: {  	[tilespmem:$0x83D0] =	vst v3  }
0xbb: {  	v3 =	vld.idx.msk [tilespmem:v53+s14+$0x0], $0xffff;
	_ =	sdelay $0x3  }
0xbc: {  	v54 =	vld [tilespmem:$0x81E0]  }
0xbd: {  	[tilespmem:$0x85D0] =	vst v3  }
0xbe: {  	v3 =	vld.idx.msk [tilespmem:v53+s15+$0x0], $0xffff;
	_ =	sdelay $0x4  }
0xbf: {  	[tilespmem:$0x87D0] =	vst v3  }
0xc0: {  	v3 =	vld.idx.msk [tilespmem:v54+s2+$0x0], $0xffff;
	_ =	sdelay $0x4  }
0xc1: {  	[tilespmem:$0x83E0] =	vst v3  }
0xc2: {  	v3 =	vld.idx.msk [tilespmem:v54+s14+$0x0], $0xffff;
	_ =	sdelay $0x3  }
0xc3: {  	v55 =	vld [tilespmem:$0x81F0]  }
0xc4: {  	[tilespmem:$0x85E0] =	vst v3  }
0xc5: {  	v3 =	vld.idx.msk [tilespmem:v54+s15+$0x0], $0xffff;
	_ =	sdelay $0x4  }
0xc6: {  	[tilespmem:$0x87E0] =	vst v3  }
0xc7: {  	v3 =	vld.idx.msk [tilespmem:v55+s2+$0x0], $0xffff;
	_ =	sdelay $0x4  }
0xc8: {  	[tilespmem:$0x83F0] =	vst v3  }
0xc9: {  	v3 =	vld.idx.msk [tilespmem:v55+s14+$0x0], $0xffff;
	_ =	sdelay $0x3  }
0xca: {  	v56 =	vld [tilespmem:$0x8200]  }
0xcb: {  	[tilespmem:$0x85F0] =	vst v3  }
0xcc: {  	v3 =	vld.idx.msk [tilespmem:v55+s15+$0x0], $0xffff;
	_ =	sdelay $0x4  }
0xcd: {  	[tilespmem:$0x87F0] =	vst v3  }
0xce: {  	v3 =	vld.idx.msk [tilespmem:v56+s2+$0x0], $0xffff;
	_ =	sdelay $0x4  }
0xcf: {  	[tilespmem:$0x8400] =	vst v3  }
0xd0: {  	v3 =	vld.idx.msk [tilespmem:v56+s14+$0x0], $0xffff;
	_ =	sdelay $0x3  }
0xd1: {  	v57 =	vld [tilespmem:$0x8210]  }
0xd2: {  	[tilespmem:$0x8600] =	vst v3  }
0xd3: {  	v3 =	vld.idx.msk [tilespmem:v56+s15+$0x0], $0xffff;
	_ =	sdelay $0x4  }
0xd4: {  	[tilespmem:$0x8800] =	vst v3  }
0xd5: {  	v3 =	vld.idx.msk [tilespmem:v57+s2+$0x0], $0xffff;
	_ =	sdelay $0x4  }
0xd6: {  	[tilespmem:$0x8410] =	vst v3  }
0xd7: {  	v3 =	vld.idx.msk [tilespmem:v57+s14+$0x0], $0xffff;
	_ =	sdelay $0x3  }
0xd8: {  	v58 =	vld [tilespmem:$0x8220]  }
0xd9: {  	[tilespmem:$0x8610] =	vst v3  }
0xda: {  	v3 =	vld.idx.msk [tilespmem:v57+s15+$0x0], $0xffff;
	_ =	sdelay $0x4  }
0xdb: {  	[tilespmem:$0x8810] =	vst v3  }
0xdc: {  	v3 =	vld.idx.msk [tilespmem:v58+s2+$0x0], $0xffff;
	_ =	sdelay $0x4  }
0xdd: {  	[tilespmem:$0x8420] =	vst v3  }
0xde: {  	v3 =	vld.idx.msk [tilespmem:v58+s14+$0x0], $0xffff;
	_ =	sdelay $0x3  }
0xdf: {  	v59 =	vld [tilespmem:$0x8230]  }
0xe0: {  	[tilespmem:$0x8620] =	vst v3  }
0xe1: {  	v3 =	vld.idx.msk [tilespmem:v58+s15+$0x0], $0xffff;
	_ =	sdelay $0x4  }
0xe2: {  	[tilespmem:$0x8820] =	vst v3  }
0xe3: {  	v3 =	vld.idx.msk [tilespmem:v59+s2+$0x0], $0xffff;
	_ =	sdelay $0x4  }
0xe4: {  	[tilespmem:$0x8430] =	vst v3  }
0xe5: {  	v3 =	vld.idx.msk [tilespmem:v59+s14+$0x0], $0xffff;
	_ =	sdelay $0x3  }
0xe6: {  	v60 =	vld [tilespmem:$0x8240]  }
0xe7: {  	[tilespmem:$0x8630] =	vst v3  }
0xe8: {  	v3 =	vld.idx.msk [tilespmem:v59+s15+$0x0], $0xffff;
	_ =	sdelay $0x4  }
0xe9: {  	[tilespmem:$0x8830] =	vst v3  }
0xea: {  	v3 =	vld.idx.msk [tilespmem:v60+s2+$0x0], $0xffff;
	_ =	sdelay $0x4  }
0xeb: {  	[tilespmem:$0x8440] =	vst v3  }
0xec: {  	v3 =	vld.idx.msk [tilespmem:v60+s14+$0x0], $0xffff;
	_ =	sdelay $0x3  }
0xed: {  	v61 =	vld [tilespmem:$0x8250]  }
0xee: {  	[tilespmem:$0x8640] =	vst v3  }
0xef: {  	v3 =	vld.idx.msk [tilespmem:v60+s15+$0x0], $0xffff;
	_ =	sdelay $0x4  }
0xf0: {  	[tilespmem:$0x8840] =	vst v3  }
0xf1: {  	v3 =	vld.idx.msk [tilespmem:v61+s2+$0x0], $0xffff;
	_ =	sdelay $0x4  }
0xf2: {  	[tilespmem:$0x8450] =	vst v3  }
0xf3: {  	v3 =	vld.idx.msk [tilespmem:v61+s14+$0x0], $0xffff;
	_ =	sdelay $0x3  }
0xf4: {  	v62 =	vld [tilespmem:$0x8260]  }
0xf5: {  	[tilespmem:$0x8650] =	vst v3  }
0xf6: {  	v3 =	vld.idx.msk [tilespmem:v61+s15+$0x0], $0xffff;
	_ =	sdelay $0x4  }
0xf7: {  	[tilespmem:$0x8850] =	vst v3  }
0xf8: {  	v3 =	vld.idx.msk [tilespmem:v62+s2+$0x0], $0xffff;
	_ =	sdelay $0x4  }
0xf9: {  	[tilespmem:$0x8460] =	vst v3  }
0xfa: {  	v3 =	vld.idx.msk [tilespmem:v62+s14+$0x0], $0xffff;
	_ =	sdelay $0x3  }
0xfb: {  	v63 =	vld [tilespmem:$0x8270]  }
0xfc: {  	[tilespmem:$0x8660] =	vst v3  }
0xfd: {  	v3 =	vld.idx.msk [tilespmem:v62+s15+$0x0], $0xffff;
	_ =	sdelay $0x4  }
0xfe: {  	[tilespmem:$0x8860] =	vst v3  }
0xff: {  	v3 =	vld.idx.msk [tilespmem:v63+s2+$0x0], $0xffff;
	_ =	sdelay $0x4  }
0x100: {  	[tilespmem:$0x8470] =	vst v3  }
0x101: {  	v3 =	vld.idx.msk [tilespmem:v63+s14+$0x0], $0xffff;
	_ =	sdelay $0x4  }
0x102: {  	[tilespmem:$0x8670] =	vst v3  }
0x103: {  	v3 =	vld.idx.msk [tilespmem:v63+s15+$0x0], $0xffff;
	_ =	sdelay $0x4  }
0x104: {  	[tilespmem:$0x8870] =	vst v3  }
0x105: {  	[hbm4b:s6+s2] =	stream.linear.scatter [tilespmem:s16], [sflag:$0x1], $0x200, $0x38;
	[tilespmem:$0x8880] =	vst v63  }
0x106: {  	_ =	swait.ge [sflag:s11], $0x200  }
0x107: {  	[sflag:s11] =	ssyncset.done $0x0  }
0x108: {  	[sflag:s11] =	ssyncadd.s32 $0xFFFFFE00  }
0x109: {  	[hbm4b:s7+s2] =	stream.linear.scatter [tilespmem:s17], [sflag:$0x1], $0x200, $0x38;
	[tilespmem:$0x8880] =	vst v63  }
0x10a: {  	s19 =	sadd.s32 $0x1, s19;
	_ =	swait.ge [sflag:s11], $0x200  }
0x10b: {  	p0 =	sne.s32 s19, s10;
	[sflag:s11] =	ssyncset.done $0x0  }
.Ltmp2:
0x10c: {  	[sflag:s11] =	ssyncadd.s32 $0xFFFFFE00;
	(pc) =	sbr.rel @!p0 .LBB2_19-.Ltmp2, $4  }
0x10d: {  	[hbm4b:s8+s2] =	stream.linear.scatter [tilespmem:s18], [sflag:$0x1], $0x200, $0x38;
	[tilespmem:$0x8880] =	vst v63  }
0x10e: {  	_ =	swait.ge [sflag:s11], $0x200  }
0x10f: {  	[sflag:s11] =	ssyncset.done $0x0  }
0x110: {  	[sflag:s11] =	ssyncadd.s32 $0xFFFFFE00  }
.LBB2_2:
0x111: {  	s21 =	simm.s32 $0x0  }
0x112: {  	[tilespmem:s21], [sflag:$0x1] =	stream.linear.gather [hbm4b:s9+s21], $0x2000, $0x38;
	[tilespmem:$0x8880] =	vst v63  }
0x113: {  	_ =	swait.ge [sflag:s11], $0x2000  }
0x114: {  	[sflag:s11] =	ssyncset.done $0x0  }
0x115: {  	[sflag:s11] =	ssyncadd.s32 $0xFFFFE000  }
0x116: {  	[tilespmem:s14], [sflag:$0x1] =	stream.linear.gather [hbm4b:s4+s21], $0x2000, $0x38;
	[tilespmem:$0x8880] =	vst v63  }
0x117: {  	_ =	swait.ge [sflag:s11], $0x2000  }
0x118: {  	[sflag:s11] =	ssyncset.done $0x0  }
0x119: {  	[sflag:s11] =	ssyncadd.s32 $0xFFFFE000  }
0x11a: {  	[tilespmem:s15], [sflag:$0x1] =	stream.linear.gather [hbm4b:s5+s21], $0x2000, $0x38;
	[tilespmem:$0x8880] =	vst v63  }
0x11b: {  	_ =	swait.ge [sflag:s11], $0x2000  }
0x11c: {  	[sflag:s11] =	ssyncset.done $0x0  }
0x11d: {  	[sflag:s11] =	ssyncadd.s32 $0xFFFFE000  }
0x11e: {  	[tilespmem:s12], [sflag:$0x1] =	stream.linear.gather [hbm4b:s1+s21], $0x80, $0x38;
	[tilespmem:$0x8880] =	vst v63  }
0x11f: {  	_ =	swait.ge [sflag:s11], $0x80  }
0x120: {  	[sflag:s11] =	ssyncset.done $0x0  }
0x121: {  	[sflag:s11] =	ssyncadd.s32 $0xFFFFFF80  }
0x122: {  	v3 =	vld [tilespmem:$0x8000];
	_ =	sdelay $0x4  }
0x123: {  	v3 =	vcvt.s32.f32 v3;
	_ =	sdelay $0x1  }
0x124: {  	v3 =	vnsel vm0, $0x0, v3  }
0x125: {  	(xrf0) =	vmax.scan.msk.f32 $0xffff, v3;
	_ =	sdelay $0x5  }
0x126: {  	v3, _, _ =	vpop (xrf0)  }
0x127: {  	(v2sf) =	vpush v3, $0xF;
	_ =	sdelay $0xe  }
0x128: {  	s0 =	spop (v2sf)  }
0x129: {  	s0 =	scvt.f32.s32 s0;
	_ =	sdelay $0x1  }
0x12a: {  	s20 =	sadd.s32 $0xF, s0  }
0x12b: {  	s22 =	sand.u32 $0xF, s20  }
0x12c: {  	s31 =	sshra.s32 s20, $0x1F;
	p1 =	slt.s32 s20, $0x1;
	p0 =	sne.s32 s22, $0x0  }
0x12d: {  	s22 =	sshrl.u32 s31, $0x1C;
	p0 =	por !p1, !p0  }
0x12e: {  	s20 =	sadd.s32 s22, s20;
	s22 =	simm.s32 $0x1;
	p0 =	por !p0, !p0  }
0x12f: {  	s20 =	sshra.s32 s20, $0x4;
	s22 =	simm.s32 @!p0 $0x0  }
0x130: {  	s20 =	ssub.s32 s20, s22  }
0x131: {  	p0 =	slt.s32 s20, $0x1  }
.Ltmp3:
0x132: {  	_ = 	snop;
	(pc) =	sbr.rel @p0 .LBB2_3-.Ltmp3, $2  }
0x133: {  	_ =	sdelay $0x2  }
0x134: {  	v4 =	vimm.f32 $-Inf;
	[tilespmem:v0+s13+$0x0] =	vst.idx.msk $0x1, v0;
	v3 =	vmov s0  }
0x135: {  	_ = 	snop  }
0x136: {  	p2 =	sne.s32 s20, $0x1  }
.Ltmp4:
0x137: {  	_ = 	snop;
	(pc) =	sbr.rel @!p2 .LBB2_8-.Ltmp4, $4  }
0x138: {  	_ = 	snop  }
0x139: {  	v6 =	vld.idx.msk [tilespmem:v0+s21+$0x0], $0xffff;
	s22 =	simm.s32 $0x6000;
	s0 =	sadd.s32 $0xFFFFFFFF, s20  }
0x13a: {  	v7 =	vld.idx.msk [tilespmem:v0+s14+$0x0], $0xffff;
	p1 =	por $0x0, $0x0;
	s23 =	simm.s32 $0x0;
	s25 =	simm.s32 $0x2000  }
0x13b: {  	v8 =	vld.idx.msk [tilespmem:v0+s15+$0x0], $0xffff;
	v5 =	vimm.s32 $0x0;
	v9 =	vimm.f32 $-Inf;
	v10 =	vimm.s32 $0x0;
	s28 =	simm.s32 $0x4000;
	s26 =	simm.s32 $0x0;
	s24 =	simm.s32 $0x6000  }
0x13c: {  	v9 =	vld [tilespmem:s21+$0x0]  }
0x13d: {  	v10 =	vld [tilespmem:s14+$0x0];
	_ =	sdelay $0x1  }
0x13e: {  	v11 =	vld [tilespmem:s15+$0x0];
	_ =	sdelay $0x2  }
0x13f: {  	v9 =	vsub.f32 v9, v6;
	v10 =	vsub.f32 v10, v7;
	_ =	sdelay $0x1  }
0x140: {  	v11 =	vsub.f32 v11, v8;
	v9 =	vmul.f32 v9, v9;
	v10 =	vmul.f32 v10, v10  }
0x141: {  	p2 =	sne.s32 s0, $0x1  }
.Ltmp5:
0x142: {  	v9 =	vadd.f32 v10, v9;
	v10 =	vmul.f32 v11, v11;
	(pc) =	sbr.rel @!p2 .LBB2_6-.Ltmp5, $4  }
0x143: {  	_ = 	snop  }
0x144: {  	s0 =	sadd.s32 $0xFFFFFFFF, s0;
	v11 =	vor.u32 s21, v1;
	v9 =	vadd.f32 v10, v9  }
0x145: {  	s23 =	simm.s32 $0x10;
	p1 =	por $0x1, $0x1;
	s25 =	simm.s32 $0x2000;
	vm1 =	vlt.s32 v11, v3  }
0x146: {  	s28 =	simm.s32 $0x4000;
	s26 =	simm.s32 $0x0;
	s24 =	simm.s32 $0x6000;
	v10 =	vimm.s32 $0x0;
	[tilespmem:s22+$0x0] =	vst v9;
	v12 =	vnsel vm1, $0xFF800000, v9;
	v9 =	vimm.f32 $-Inf  }
.LBB2_7:
0x147: {  	p2 =	sne.s32 s0, $0x1;
	v13 =	vld [tilespmem:s23+$0x0];
	vm1 =	vgt.f32 v12, v9;
	s25 =	sadd.s32 $0x10, s25  }
0x148: {  	v14 =	vld [tilespmem:s25+$0x0];
	v9 =	vsel vm1, v12, v9;
	v10 =	vsel vm1, v11, v10  }
0x149: {  	s28 =	sadd.s32 $0x10, s28  }
0x14a: {  	v11 =	vld [tilespmem:s28+$0x0];
	_ =	sdelay $0x2  }
0x14b: {  	v12 =	vsub.f32 v13, v6;
	v13 =	vsub.f32 v14, v7;
	_ =	sdelay $0x1  }
0x14c: {  	v12 =	vmul.f32 v12, v12;
	v11 =	vsub.f32 v11, v8;
	v13 =	vmul.f32 v13, v13;
	_ =	sdelay $0x1  }
.Ltmp6:
0x14d: {  	v12 =	vadd.f32 v13, v12;
	v11 =	vmul.f32 v11, v11;
	(pc) =	sbr.rel @p2 .LBB2_7-.Ltmp6, $4  }
0x14e: {  	s26 =	sadd.s32 $0x10, s26  }
0x14f: {  	v12 =	vadd.f32 v11, v12;
	v11 =	vor.u32 s26, v1  }
0x150: {  	s24 =	sadd.s32 $0x10, s24;
	vm1 =	vlt.s32 v11, v3  }
0x151: {  	s0 =	sadd.s32 $0xFFFFFFFF, s0;
	s23 =	sadd.s32 $0x10, s23;
	[tilespmem:s24+$0x0] =	vst v12;
	v12 =	vnsel vm1, $0xFF800000, v12  }
.LBB2_8:
0x152: {  	s0 =	sadd.s32 @p1 $0x10, s25;
	s25 =	simm.s32 $0x2000  }
0x153: {  	v13 =	vld [tilespmem:s23+$0x0];
	s25 =	smov.u32 @p1 s0  }
0x154: {  	s23 =	simm.s32 $0x4000;
	s0 =	sadd.s32 @p1 $0x10, s28;
	v14 =	vld [tilespmem:s25+$0x0]  }
0x155: {  	s23 =	smov.u32 @p1 s0  }
0x156: {  	v15 =	vld [tilespmem:s23+$0x0];
	_ =	sdelay $0x2  }
0x157: {  	v6 =	vsub.f32 v13, v6;
	v7 =	vsub.f32 v14, v7;
	_ =	sdelay $0x1  }
0x158: {  	v6 =	vmul.f32 v6, v6;
	v8 =	vsub.f32 v15, v8;
	v7 =	vmul.f32 v7, v7;
	_ =	sdelay $0x1  }
0x159: {  	s0 =	sadd.s32 @p1 $0x10, s26;
	v6 =	vadd.f32 v7, v6;
	v7 =	vmul.f32 v8, v8  }
0x15a: {  	s21 =	smov.u32 @p1 s0  }
0x15b: {  	vm1 =	vgt.f32 @p1 v12, v9;
	v6 =	vadd.f32 v7, v6;
	v7 =	vor.u32 s21, v1  }
.Ltmp7:
0x15c: {  	v8 =	vsel @p1 vm1, v12, v9;
	vm2 =	vlt.s32 v7, v3;
	(pc) =	sbr.rel .LBB2_9-.Ltmp7, $4  }
0x15d: {  	v9 =	vsel @p1 vm1, v11, v10;
	v4 =	vpsel p1, v8, v4;
	v63 =	vnsel vm2, $0xFF800000, v6  }
0x15e: {  	s0 =	sadd.s32 @p1 $0x10, s24;
	v5 =	vpsel p1, v9, v5;
	vm1 =	vgt.f32 v63, v4  }
0x15f: {  	s22 =	smov.u32 @p1 s0;
	v5 =	vsel vm1, v7, v5  }
0x160: {  	[tilespmem:s22+$0x0] =	vst v6;
	v4 =	vsel vm1, v63, v4;
	v5 =	vcvt.s32.f32 v5  }
.LBB2_3:
0x161: {  	v5 =	vimm.f32 $0.0e+00  }
.LBB2_9:
0x162: {  	(xrf0) =	vmax.scan.msk.f32 $0xffff, v4;
	_ =	sdelay $0x5  }
0x163: {  	v6, _, _ =	vpop (xrf0)  }
0x164: {  	v6 =	vbroadcast v6, $0xF;
	_ =	sdelay $0x1  }
0x165: {  	vm1 =	veq.f32 v4, v6  }
0x166: {  	v4 =	vnsel vm1, $0x4E800000, v5  }
0x167: {  	(xrf0) =	vmin.scan.msk.f32 $0xffff, v4;
	_ =	sdelay $0x5  }
0x168: {  	v4, _, _ =	vpop (xrf0)  }
0x169: {  	(v2sf) =	vpush v4, $0xF;
	_ =	sdelay $0xe  }
.Ltmp8:
0x16a: {  	s0 =	spop (v2sf);
	(pc) =	sbr.rel .LBB2_10-.Ltmp8, $3  }
0x16b: {  	s0 =	scvt.f32.s32 s0;
	_ =	sdelay $0x1  }
0x16c: {  	v4 =	vmov s0  }
0x16d: {  	s21 =	simm.s32 $0x2;
	[tilespmem:v2+s13+$0x0] =	vst.idx.msk $0x1, v4  }
.LBB2_11:
0x16e: {  	v5 =	vimm.f32 $0.0e+00  }
.LBB2_17:
0x16f: {  	(xrf0) =	vmax.scan.msk.f32 $0xffff, v4;
	_ =	sdelay $0x5  }
0x170: {  	v6, _, _ =	vpop (xrf0)  }
0x171: {  	v6 =	vbroadcast v6, $0xF;
	_ =	sdelay $0x1  }
0x172: {  	vm1 =	veq.f32 v4, v6  }
0x173: {  	v4 =	vnsel vm1, $0x4E800000, v5  }
0x174: {  	(xrf0) =	vmin.scan.msk.f32 $0xffff, v4;
	_ =	sdelay $0x5  }
0x175: {  	v4, _, _ =	vpop (xrf0)  }
0x176: {  	(v2sf) =	vpush v4, $0xF;
	_ =	sdelay $0xc  }
0x177: {  	v4 =	vmov s21;
	s21 =	sadd.s32 $0x1, s21  }
0x178: {  	p1 =	sne.s32 s21, $0x200  }
.Ltmp9:
0x179: {  	s0 =	spop (v2sf);
	(pc) =	sbr.rel @!p1 .LBB2_18-.Ltmp9, $3  }
0x17a: {  	s0 =	scvt.f32.s32 s0;
	_ =	sdelay $0x1  }
0x17b: {  	v5 =	vmov s0  }
0x17c: {  	[tilespmem:v4+s13+$0x0] =	vst.idx.msk $0x1, v5  }
.LBB2_10:
.Ltmp10:
0x17d: {  	(pc) =	sbr.rel @p0 .LBB2_11-.Ltmp10, $2  }
0x17e: {  	_ =	sdelay $0x2  }
0x17f: {  	v4 =	vimm.f32 $-Inf  }
0x180: {  	v5 =	vmov s0;
	_ =	sdelay $0x1  }
0x181: {  	p2 =	sne.s32 s20, $0x1  }
.Ltmp11:
0x182: {  	_ = 	snop;
	(pc) =	sbr.rel @!p2 .LBB2_16-.Ltmp11, $4  }
0x183: {  	s23 =	simm.s32 $0x0;
	s25 =	simm.s32 $0x2000  }
0x184: {  	s24 =	simm.s32 $0x4000;
	s22 =	simm.s32 $0x6000;
	s0 =	sadd.s32 $0xFFFFFFFF, s20;
	v6 =	vld.idx.msk [tilespmem:v5+s23+$0x0], $0xffff  }
0x185: {  	p1 =	por $0x0, $0x0;
	s26 =	simm.s32 $0x0;
	s28 =	simm.s32 $0x2000;
	v7 =	vld.idx.msk [tilespmem:v5+s25+$0x0], $0xffff  }
0x186: {  	v9 =	vimm.f32 $-Inf;
	v10 =	vimm.s32 $0x0;
	s31 =	simm.s32 $0x4000;
	s30 =	simm.s32 $0x6000;
	s29 =	simm.s32 $0x0;
	v8 =	vld.idx.msk [tilespmem:v5+s24+$0x0], $0xffff;
	v5 =	vimm.s32 $0x0  }
0x187: {  	v9 =	vld [tilespmem:s23+$0x0]  }
0x188: {  	v10 =	vld [tilespmem:s25+$0x0];
	_ =	sdelay $0x1  }
0x189: {  	v11 =	vld [tilespmem:s24+$0x0];
	_ =	sdelay $0x2  }
0x18a: {  	v9 =	vsub.f32 v9, v6;
	v10 =	vsub.f32 v10, v7;
	_ =	sdelay $0x1  }
0x18b: {  	v11 =	vsub.f32 v11, v8;
	v9 =	vmul.f32 v9, v9;
	v10 =	vmul.f32 v10, v10  }
0x18c: {  	v12 =	vld [tilespmem:s22+$0x0]  }
0x18d: {  	p2 =	sne.s32 s0, $0x1;
	v9 =	vadd.f32 v10, v9;
	v10 =	vmul.f32 v11, v11  }
.Ltmp12:
0x18e: {  	_ = 	snop;
	(pc) =	sbr.rel @!p2 .LBB2_14-.Ltmp12, $4  }
0x18f: {  	v9 =	vadd.f32 v10, v9  }
0x190: {  	s0 =	sadd.s32 $0xFFFFFFFF, s0;
	v11 =	vor.u32 s23, v1  }
0x191: {  	s26 =	simm.s32 $0x10;
	p1 =	por $0x1, $0x1;
	s28 =	simm.s32 $0x2000;
	vm1 =	vlt.s32 v11, v3;
	v9 =	vmin.f32 v12, v9  }
0x192: {  	s31 =	simm.s32 $0x4000;
	s30 =	simm.s32 $0x6000;
	s29 =	simm.s32 $0x0;
	v10 =	vimm.s32 $0x0;
	[tilespmem:s22+$0x0] =	vst v9;
	v12 =	vnsel vm1, $0xFF800000, v9;
	v9 =	vimm.f32 $-Inf  }
.LBB2_15:
0x193: {  	p2 =	sne.s32 s0, $0x1;
	v13 =	vld [tilespmem:s26+$0x0];
	vm1 =	vgt.f32 v12, v9;
	s28 =	sadd.s32 $0x10, s28  }
0x194: {  	v14 =	vld [tilespmem:s28+$0x0];
	v9 =	vsel vm1, v12, v9;
	v10 =	vsel vm1, v11, v10  }
0x195: {  	s31 =	sadd.s32 $0x10, s31  }
0x196: {  	v11 =	vld [tilespmem:s31+$0x0];
	_ =	sdelay $0x2  }
0x197: {  	v12 =	vsub.f32 v13, v6;
	v13 =	vsub.f32 v14, v7;
	_ =	sdelay $0x1  }
0x198: {  	s30 =	sadd.s32 $0x10, s30;
	v12 =	vmul.f32 v12, v12;
	v11 =	vsub.f32 v11, v8;
	v13 =	vmul.f32 v13, v13  }
0x199: {  	v14 =	vld [tilespmem:s30+$0x0]  }
0x19a: {  	v12 =	vadd.f32 v13, v12;
	v11 =	vmul.f32 v11, v11  }
.Ltmp13:
0x19b: {  	(pc) =	sbr.rel @p2 .LBB2_15-.Ltmp13, $4  }
0x19c: {  	s29 =	sadd.s32 $0x10, s29;
	v12 =	vadd.f32 v11, v12  }
0x19d: {  	v11 =	vor.u32 s29, v1  }
0x19e: {  	vm1 =	vlt.s32 v11, v3;
	v12 =	vmin.f32 v14, v12  }
0x19f: {  	s0 =	sadd.s32 $0xFFFFFFFF, s0;
	s26 =	sadd.s32 $0x10, s26;
	[tilespmem:s30+$0x0] =	vst v12;
	v12 =	vnsel vm1, $0xFF800000, v12  }
.LBB2_16:
0x1a0: {  	s0 =	sadd.s32 @p1 $0x10, s28  }
0x1a1: {  	v13 =	vld [tilespmem:s26+$0x0];
	s25 =	smov.u32 @p1 s0  }
0x1a2: {  	s0 =	sadd.s32 @p1 $0x10, s31;
	v14 =	vld [tilespmem:s25+$0x0]  }
0x1a3: {  	s24 =	smov.u32 @p1 s0  }
0x1a4: {  	v15 =	vld [tilespmem:s24+$0x0];
	_ =	sdelay $0x2  }
0x1a5: {  	v6 =	vsub.f32 v13, v6;
	v7 =	vsub.f32 v14, v7  }
0x1a6: {  	s0 =	sadd.s32 @p1 $0x10, s30  }
0x1a7: {  	s22 =	smov.u32 @p1 s0;
	v6 =	vmul.f32 v6, v6;
	v8 =	vsub.f32 v15, v8;
	v7 =	vmul.f32 v7, v7  }
0x1a8: {  	v62 =	vld [tilespmem:s22+$0x0]  }
0x1a9: {  	v6 =	vadd.f32 v7, v6;
	v7 =	vmul.f32 v8, v8  }
0x1aa: {  	s0 =	sadd.s32 @p1 $0x10, s29  }
0x1ab: {  	s23 =	smov.u32 @p1 s0;
	v6 =	vadd.f32 v7, v6  }
0x1ac: {  	vm1 =	vgt.f32 @p1 v12, v9;
	v7 =	vor.u32 s23, v1  }
.Ltmp14:
0x1ad: {  	v8 =	vsel @p1 vm1, v12, v9;
	vm2 =	vlt.s32 v7, v3;
	v6 =	vmin.f32 v62, v6;
	(pc) =	sbr.rel .LBB2_17-.Ltmp14, $4  }
0x1ae: {  	v9 =	vsel @p1 vm1, v11, v10;
	v4 =	vpsel p1, v8, v4;
	v63 =	vnsel vm2, $0xFF800000, v6  }
0x1af: {  	v5 =	vpsel p1, v9, v5;
	vm1 =	vgt.f32 v63, v4  }
0x1b0: {  	v5 =	vsel vm1, v7, v5  }
0x1b1: {  	[tilespmem:s22+$0x0] =	vst v6;
	v4 =	vsel vm1, v63, v4;
	v5 =	vcvt.s32.f32 v5  }
.LBB2_14:
.Ltmp15:
0x1b2: {  	(pc) =	sbr.rel .LBB2_16-.Ltmp15, $3  }
0x1b3: {  	_ =	sdelay $0x1  }
0x1b4: {  	s28 =	simm.s32 $0x2000  }
0x1b5: {  	v9 =	vimm.f32 $-Inf;
	v10 =	vimm.s32 $0x0;
	s31 =	simm.s32 $0x4000;
	s30 =	simm.s32 $0x6000;
	s29 =	simm.s32 $0x0  }
.LBB2_6:
.Ltmp16:
0x1b6: {  	(pc) =	sbr.rel .LBB2_8-.Ltmp16, $3  }
0x1b7: {  	_ =	sdelay $0x1  }
0x1b8: {  	s25 =	simm.s32 $0x2000  }
0x1b9: {  	v9 =	vimm.f32 $-Inf;
	v10 =	vimm.s32 $0x0;
	s28 =	simm.s32 $0x4000;
	s26 =	simm.s32 $0x0;
	s24 =	simm.s32 $0x6000  }
.LBB2_19:
0x1ba: {  	_ =	sfence.sel $0x180000  }
0x1bb: {  	[bflag:$0x0] =	sbarrier.arrive $0xFFFF  }
0x1bc: {  	_ =	strace $0x90000047  }
0x1bd: {  	[bflag:$0x2] =	sbarrier.arrive $0xFFFF  }
0x1be: {  	p0 =	sne.s32 s3, $0x0;
	s0 =	rddreg [dreg:$0x2]  }
0x1bf: {  	s0 =	sadd.s32 @!p0 $0x100000, s0  }
0x1c0: {  	[sflag:s0] =	ssyncadd.tile.s32 @!p0 $0x1;
	_ =	shalt  }
.Lfunc_end2:
_tile_overlayer_lowered:
.L_overlay_start_2:
0x1c1: {  	(tag) =	ssettag $0x2  }
0x1c2: {  	s0 =	rddreg [dreg:$0x0];
	s2 =	stileid.u32  }
0x1c3: {  	s1 =	rddreg [dreg:$0x1];
	p0 =	sne.s32 s2, $0x0  }
0x1c4: {  	s3 =	rddreg [dreg:$0x2];
	[bflag:$0x3] =	sbarrier.arrive $0xFFFF;
	s2 =	simm.s32 @!p0 $0x1C01  }
0x1c5: {  	[timem:s3], [sflag:s2] =	dma.local @!p0 [hbm:s0], s1  }
0x1c6: {  	s0 =	simm.s32 @!p0 $0x1  }
0x1c7: {  	_ =	swait.ge @!p0 [sflag:s0], s1  }
0x1c8: {  	s1 =	ssub.s32 @!p0 $0x0, s1;
	[sflag:s0] =	ssyncset.done @!p0 $0x0  }
0x1c9: {  	[sflag:s0] =	ssyncadd.s32 @!p0 s1  }
0x1ca: {  	[bflag:$0x3] =	sbarrier.arrive $0xFFFF  }
0x1cb: {  	_ =	shalt  }

// kernel: kernel.7.cloned.1.call-start
scs
__scs_entry_jumppad:
0x0: {  	(pc) =	sbr.rel $0x88, $3  }
0x1: {  	(tag) =	ssettag $0x0;
	lr =	simm.s32 $0x1  }
0x2: {  	[smem:$0x3F9F] =	sst lr;
	_ =	strace $0xD0000000  }
0x3: {  	_ = 	snop  }
0x4: {  	_ = 	snop  }
0x5: {  	_ = 	snop  }
0x6: {  	_ = 	snop  }
0x7: {  	_ = 	snop  }
__scs_overlays_trampoline_lowered:
0x8: {  	[smem:$0x3FAE] =	sst s0  }
0x9: {  	[smem:$0x3FAF] =	sst s1  }
0xa: {  	[smem:$0x3FB0] =	sst s2  }
0xb: {  	[smem:$0x3FB1] =	sst s3  }
0xc: {  	[smem:$0x3FB2] =	sst s4  }
0xd: {  	[smem:$0x3FB3] =	sst s5  }
0xe: {  	[smem:$0x3FB4] =	sst s6  }
0xf: {  	[smem:$0x3FB5] =	sst s7  }
0x10: {  	[smem:$0x3FB6] =	sst s8  }
0x11: {  	[smem:$0x3FB7] =	sst s9;
	s0 =	simm.s32 @!p0 $0x0  }
0x12: {  	s1 =	sld [smem:$0x3F9D];
	s0 =	simm.s32 @p0 $0x1  }
0x13: {  	[smem:$0x3FB8] =	sst s0;
	s0 =	simm.s32 @!p1 $0x0  }
0x14: {  	s2 =	sld [smem:$0x3F9C];
	s0 =	simm.s32 @p1 $0x1  }
0x15: {  	[smem:$0x3FB9] =	sst s0;
	s0 =	simm.s32 @!p2 $0x0  }
0x16: {  	s3 =	sld [smem:$0x3FDB];
	s0 =	simm.s32 @p2 $0x1  }
0x17: {  	s4 =	simm.s32 $0x1BF5;
	[smem:$0x3FBB] =	sst s0  }
0x18: {  	s0 =	sld [smem:$0x3F9E];
	_ =	swait.ge [sflag:s4], $0x0  }
0x19: {  	s7 =	sld [smem:$0x3F9F]  }
0x1a: {  	s8 =	sadd.s32 $0xFFFFE003, lr  }
0x1b: {  	s9 =	sadd.s32 $0xFFFFFEF7, lr;
	s5 =	simm.s32 $0xFFFFFFFF;
	p2 =	slt.u32 s8, $0xFFFFF086  }
0x1c: {  	p1 =	slt.u32 s9, $0xF7A;
	s5 =	simm.s32 @!p2 $0x0  }
0x1d: {  	s5 =	simm.s32 @p1 $0x1;
	p0 =	seq.s32 s7, s2  }
0x1e: {  	s7 =	smul.u32 @!p0 $0xF7A, s2;
	p2 =	seq.s32 @!p0 s5, $0x0  }
0x1f: {  	s9 =	smul.u32 $0xF7A, s1;
	s8 =	simm.s32 @!p0 $0x1BF5;
	p2 =	por !p2, p0  }
0x20: {  	[sflag:s8] =	ssyncset.s32 @!p0 $0xFFFFF086;
	s6 =	sadd.s32 @!p0 s3, s7;
	s7 =	simm.s32 @!p0 $0x108  }
0x21: {  	s3 =	sadd.s32 s3, s9;
	s6 =	sadd.s32 @!p0 $0x88, s6;
	s7 =	simm.s32 @p2 $0x1082  }
0x22: {  	[simem:s7], [sflag:s8] =	dma.local @!p0 [hbm:s6], $0xF7A  }
0x23: {  	s9 =	sor.u32 $0xD0000000, s2;
	s6 =	simm.s32 $0x108;
	_ =	swait.ge @!p0 [sflag:s8], $0x0  }
0x24: {  	s3 =	sadd.s32 $0x88, s3;
	s6 =	simm.s32 @!p1 $0x1082;
	[sflag:s4] =	ssyncset.s32 $0xFFFFF086  }
0x25: {  	[simem:s6], [sflag:s4] =	dma.local [hbm:s3], $0xF7A  }
0x26: {  	[smem:$0x3F9F] =	sst s1;
	(tag) =	ssettag s2;
	_ =	strace s9  }
0x27: {  	s1 =	sld [smem:$0x3FAF]  }
0x28: {  	s2 =	sld [smem:$0x3FB0]  }
0x29: {  	s4 =	sld [smem:$0x3FB2]  }
0x2a: {  	p0 =	seq.s32 s5, $0x0;
	s5 =	sld [smem:$0x3FB3]  }
0x2b: {  	s6 =	sld [smem:$0x3FB4]  }
0x2c: {  	s7 =	sld [smem:$0x3FB5]  }
0x2d: {  	s3 =	simm.s32 $0x108;
	s8 =	sld [smem:$0x3FB6]  }
0x2e: {  	s3 =	simm.s32 @!p0 $0x1082;
	s9 =	sld [smem:$0x3FB7]  }
0x2f: {  	lr =	sadd.s32 s0, s3;
	s0 =	sld [smem:$0x3FAE]  }
0x30: {  	s3 =	sld [smem:$0x3FB1]  }
0x31: {  	[smem:$0x3FBA] =	sst s10  }
0x32: {  	s10 =	sld [smem:$0x3FB8];
	_ =	sdelay $0x3  }
0x33: {  	p0 =	seq.s32 s10, $0x1;
	s10 =	sld [smem:$0x3FBA];
	_ =	sdelay $0x3  }
0x34: {  	[smem:$0x3FBA] =	sst s10  }
0x35: {  	s10 =	sld [smem:$0x3FB9];
	_ =	sdelay $0x3  }
0x36: {  	p1 =	seq.s32 s10, $0x1;
	s10 =	sld [smem:$0x3FBA];
	_ =	sdelay $0x3  }
0x37: {  	[smem:$0x3FBA] =	sst s10  }
0x38: {  	s10 =	sld [smem:$0x3FBB]  }
0x39: {  	_ = 	snop;
	(pc) =	sbr.ind lr, $3  }
0x3a: {  	_ = 	snop  }
0x3b: {  	_ = 	snop  }
0x3c: {  	p2 =	seq.s32 s10, $0x1;
	s10 =	sld [smem:$0x3FBA]  }
0x3d: {  	_ =	shalt  }
0x3e: {  	_ =	shalt  }
0x3f: {  	_ =	shalt  }
0x40: {  	_ =	shalt  }
0x41: {  	_ =	shalt  }
0x42: {  	_ =	shalt  }
0x43: {  	_ =	shalt  }
0x44: {  	_ =	shalt  }
0x45: {  	_ =	shalt  }
0x46: {  	_ =	shalt  }
0x47: {  	_ =	shalt  }
0x48: {  	_ =	shalt  }
0x49: {  	_ =	shalt  }
0x4a: {  	_ =	shalt  }
0x4b: {  	_ =	shalt  }
0x4c: {  	_ =	shalt  }
0x4d: {  	_ =	shalt  }
0x4e: {  	_ =	shalt  }
0x4f: {  	_ =	shalt  }
0x50: {  	_ =	shalt  }
0x51: {  	_ =	shalt  }
0x52: {  	_ =	shalt  }
0x53: {  	_ =	shalt  }
0x54: {  	_ =	shalt  }
0x55: {  	_ =	shalt  }
0x56: {  	_ =	shalt  }
0x57: {  	_ =	shalt  }
0x58: {  	_ =	shalt  }
0x59: {  	_ =	shalt  }
0x5a: {  	_ =	shalt  }
0x5b: {  	_ =	shalt  }
0x5c: {  	_ =	shalt  }
0x5d: {  	_ =	shalt  }
0x5e: {  	_ =	shalt  }
0x5f: {  	_ =	shalt  }
0x60: {  	_ =	shalt  }
0x61: {  	_ =	shalt  }
0x62: {  	_ =	shalt  }
0x63: {  	_ =	shalt  }
0x64: {  	_ =	shalt  }
0x65: {  	_ =	shalt  }
0x66: {  	_ =	shalt  }
0x67: {  	_ =	shalt  }
0x68: {  	_ =	shalt  }
0x69: {  	_ =	shalt  }
0x6a: {  	_ =	shalt  }
0x6b: {  	_ =	shalt  }
0x6c: {  	_ =	shalt  }
0x6d: {  	_ =	shalt  }
0x6e: {  	_ =	shalt  }
0x6f: {  	_ =	shalt  }
0x70: {  	_ =	shalt  }
0x71: {  	_ =	shalt  }
0x72: {  	_ =	shalt  }
0x73: {  	_ =	shalt  }
0x74: {  	_ =	shalt  }
0x75: {  	_ =	shalt  }
0x76: {  	_ =	shalt  }
0x77: {  	_ =	shalt  }
0x78: {  	_ =	shalt  }
0x79: {  	_ =	shalt  }
0x7a: {  	_ =	shalt  }
0x7b: {  	_ =	shalt  }
0x7c: {  	_ =	shalt  }
0x7d: {  	_ =	shalt  }
0x7e: {  	_ =	shalt  }
0x7f: {  	_ =	shalt  }
0x80: {  	_ =	shalt  }
0x81: {  	_ =	shalt  }
0x82: {  	_ =	shalt  }
0x83: {  	_ =	shalt  }
0x84: {  	_ =	shalt  }
0x85: {  	_ =	shalt  }
0x86: {  	_ =	shalt  }
0x87: {  	_ =	shalt  }
.Lfunc_end0:
.L_simem_size_0:
called_computation.1_lowered:
.L_overlay_start_0:
0x88: {  	s2 =	sld [smem:$0x3FD9]  }
0x89: {  	s3 =	sld [smem:$0x3FFE];
	_ =	sdelay $0x1  }
0x8a: {  	s1 =	srdreg.scid  }
0x8b: {  	s0 =	sand.u32 $0x1, s1  }
0x8c: {  	s14 =	sshll.u32 s0, $0xA;
	s2 =	sadd.s32 s3, s2  }
0x8d: {  	s2 =	sadd.s32 s2, s14  }
0x8e: {  	[smem:$0x3FC6] =	sst s2  }
0x8f: {  	_ = 	snop  }
0x90: {  	s2 =	sld [smem:$0x3FD0];
	_ =	sdelay $0x2  }
0x91: {  	s4 =	simm.s32 $0xA;
	s5 =	simm.s32 $0x10;
	s15 =	sld [smem:$0x3FC8]  }
0x92: {  	[smem:s5], [sflag:s4] =	dma.local [hbm:s2], $0x1  }
0x93: {  	_ =	swait.eq [sflag:s4], $0x1  }
0x94: {  	[sflag:s4] =	ssyncset.done $0x0  }
0x95: {  	[sflag:s4] =	ssyncadd.s32 $0xFFFFFFFF  }
0x96: {  	s16 =	sld [smem:$0x10];
	(tm) =	ssettm $0x1  }
0x97: {  	s17 =	sld [smem:$0x3FFB];
	_ =	sdelay $0x3  }
0x98: {  	_ =	strace s17  }
0x99: {  	s4 =	sld [smem:$0x3FFC];
	_ =	sdelay $0x3  }
0x9a: {  	_ =	strace s4  }
0x9b: {  	s4 =	sld [smem:$0x3FFD];
	_ =	sdelay $0x3  }
0x9c: {  	_ =	strace s4  }
0x9d: {  	_ =	strace $0x8FFFFFFF  }
0x9e: {  	s18 =	sld [smem:$0x3FDB];
	_ =	sdelay $0x1  }
0x9f: {  	s19 =	simm.s32 $_scs_section_size  }
0xa0: {  	s6 =	simm.s32 $_size__tile_overlayer_lowered;
	s7 =	simm.s32 $_tile_overlayer_lowered  }
0xa1: {  	s22 =	simm.s32 $0x1BFF;
	s21 =	sshll.u32 s7, $0x1;
	s4 =	sadd.s32 s19, s18  }
0xa2: {  	s8 =	simm.s32 $0x0;
	s20 =	sshll.u32 s6, $0x1;
	s6 =	sadd.s32 s21, s4  }
0xa3: {  	[timem:s8], [sflag:s22] =	dma.local [hbm:s6], s20  }
0xa4: {  	_ =	swait.ge [sflag:s22], s20  }
0xa5: {  	s5 =	ssub.s32 $0x0, s20;
	[sflag:s22] =	ssyncset.done $0x0  }
0xa6: {  	[sflag:s22] =	ssyncadd.s32 s5;
	_ =	sdelay $0x1  }
0xa7: {  	s23 =	simm.s32 $0x1B8B  }
0xa8: {  	_ =	swait.ge [sflag:s23], $0x1  }
0xa9: {  	[sflag:s23] =	ssyncset.done $0x0  }
0xaa: {  	s25 =	simm.s32 $0x1B8E;
	s24 =	sld [smem:$0x3FFE];
	[sflag:s23] =	ssyncadd.s32 $0xFFFFFFFF  }
0xab: {  	s26 =	simm.s32 $execute0_lowered;
	[smem:$0x3FD2] =	sst s25  }
0xac: {  	s6 =	sshll.u32 s26, $0x1;
	_ =	strace $0x80000049;
	[dreg:$0x1] =	wrdreg $0xFFFFFFFF  }
0xad: {  	s28 =	simm.s32 $_size_execute0_lowered;
	s4 =	sadd.s32 s4, s6;
	[dreg:$0x0] =	wrdreg $0x0  }
0xae: {  	s6 =	sshll.u32 s28, $0x1;
	[dreg:$0x2] =	wrdreg s4  }
0xaf: {  	[dreg:$0x3] =	wrdreg s6  }
0xb0: {  	[dreg:$0x4] =	wrdreg $0xC0  }
0xb1: {  	_ =	task [dreg:s8], $0x5FFFF  }
0xb2: {  	[dreg:$0x1] =	wrdreg $0xFFFFFFFF  }
0xb3: {  	[dreg:$0x0] =	wrdreg $0x60  }
0xb4: {  	[dreg:$0x2] =	wrdreg s24  }
0xb5: {  	[dreg:$0x3] =	wrdreg s15  }
0xb6: {  	[dreg:$0x4] =	wrdreg s16  }
0xb7: {  	[dreg:$0x5] =	wrdreg $0x9  }
0xb8: {  	_ =	task.clear_ibuf [dreg:s8], $0x6FFFF;
	_ =	strace $0x90000049  }
0xb9: {  	s29 =	simm.s32 $0x9;
	_ =	strace $0x8000004B  }
0xba: {  	_ =	swait.ge [sflag:s29], $0x1  }
0xbb: {  	[sflag:s29] =	ssyncadd.s32 $0xFFFFFFFF  }
0xbc: {  	_ =	strace $0x9000004B  }
0xbd: {  	_ =	sfence  }
0xbe: {  	s30 =	sld [smem:$0x0];
	_ =	sdelay $0x2  }
0xbf: {  	s31 =	sshll.u32 s1, $0xD;
	s1 =	sshrl.u32 s1, $0x2  }
0xc0: {  	s3 =	sand.u32 $0x4000, s31;
	s1 =	sadd.s32 s1, s30  }
0xc1: {  	s0 =	sor.u32 s3, s0;
	s1 =	sshll.u32 s1, $0x11  }
0xc2: {  	s0 =	sor.u32 s1, s0  }
0xc3: {  	s0 =	sadd.s32 $0x8F2B, s0  }
0xc4: {  	[sflag:s0] =	ssyncadd.remote.s32 $0x1  }
0xc5: {  	_ =	sfence.sel $0xFFFF  }
0xc6: {  	[dreg:$0x0] =	wrdreg $0xFFFFFFFF;
	(pc) =	sbr.abs _section_cstart, $3  }
0xc7: {  	[dreg:$0x1] =	wrdreg $0xFFFFFFFF  }
0xc8: {  	_ =	task.clear_ibuf [dreg:s8], $0x2FFFF;
	_ =	strace $0x9FFFFFFF  }
0xc9: {  	(tm) =	ssettm $0x7FFFFFFF  }
tec
execute0_lowered:
.L_overlay_start_1:
0x0: {  	(tag) =	ssettag $0x1  }
0x1: {  	s0 =	srdreg.scid  }
0x2: {  	s4 =	stileid.u32;
	s23 =	rddreg [dreg:$0x0];
	s2 =	simm.s32 $0x1  }
0x3: {  	s13 =	rddreg [dreg:$0x2];
	s3 =	simm.s32 $0x0;
	s0 =	sand.u32 $0x1, s0  }
0x4: {  	s16 =	simm.s32 $0x4000;
	s17 =	simm.s32 $0x6000;
	s1 =	sor.u32 s0, s4  }
0x5: {  	s18 =	simm.s32 $0x6100;
	p1 =	seq.s32 s0, $0x1;
	p0 =	seq.s32 s1, $0x0  }
0x6: {  	s19 =	simm.s32 $0x6200;
	s22 =	simm.s32 $0x8480;
	p0 =	por !p0, !p1  }
0x7: {  	[smem:$0x7FF] =	sst s3;
	s8 =	sadd.s32 $0xA00, s23;
	p0 =	por !p0, !p0  }
0x8: {  	s24 =	ssub.s32 $0x2, s0;
	_ =	strace $0x8000004A;
	s2 =	simm.s32 @!p0 $0x0  }
0x9: {  	s10 =	sshll.u32 s0, $0x8;
	s0 =	sshll.u32 s0, $0xD;
	s2 =	ssub.s32 s4, s2  }
0xa: {  	s6 =	sshrl.u32 s24, $0x1;
	s1 =	sadd.s32 $0xCA00, s23;
	s5 =	smul.u32 $0x6000, s2  }
0xb: {  	s23 =	simm.s32 $0xA480;
	s14 =	ssub.s32 s24, s6;
	s7 =	smul.u32 $0x3, s2  }
0xc: {  	s24 =	simm.s32 $0x0;
	s14 =	smax.u32 s14, $0x1;
	s9 =	smul.u32 $0x600, s2  }
0xd: {  	s4 =	simm.s32 $0x1;
	s29 =	smul.u32 $0xC000, s2;
	s5 =	sshrl.u32 s5, $0x3  }
0xe: {  	s11 =	sadd.s32 $0x1, s7;
	s12 =	sadd.s32 $0x2, s7;
	s26 =	sor.u32 s10, s9  }
0xf: {  	s31 =	sor.u32 s0, s29;
	s5 =	sadd.s32 s8, s5;
	s25 =	sshll.u32 s11, $0xA  }
0x10: {  	s7 =	sshll.u32 s12, $0xA;
	s28 =	sshll.u32 s11, $0x9;
	s15 =	sshll.u32 s12, $0x9  }
0x11: {  	s30 =	sshll.u32 s11, $0xE;
	s12 =	sshll.u32 s12, $0xE;
	s11 =	sshrl.u32 s31, $0x3  }
0x12: {  	s6 =	sand.u32 $0x1FFFFC00, s25;
	s7 =	sand.u32 $0x1FFFFC00, s7;
	s9 =	sor.u32 s10, s28  }
0x13: {  	s10 =	sor.u32 s10, s15;
	s6 =	sadd.s32 s8, s6;
	s7 =	sadd.s32 s8, s7  }
.Ltmp0:
0x14: {  	s8 =	sshrl.u32 s26, $0x3;
	s9 =	sshrl.u32 s9, $0x3;
	(pc) =	sbr.rel .LBB2_1-.Ltmp0, $4  }
0x15: {  	v0 =	vlaneseq.u32;
	s10 =	sshrl.u32 s10, $0x3;
	s8 =	sadd.s32 s1, s8;
	s9 =	sadd.s32 s1, s9  }
0x16: {  	v4 =	vmul.u32 $0xFFFFFFFF, v0;
	s10 =	sadd.s32 s1, s10;
	s1 =	sor.u32 s0, s30;
	s0 =	sor.u32 s0, s12  }
0x17: {  	v2 =	vimm.s32 $0x40000000;
	v3 =	vimm.f32 $0.0e+00;
	v1 =	vmov s2;
	s11 =	sadd.s32 s13, s11;
	s1 =	sshrl.u32 s1, $0x3;
	s0 =	sshrl.u32 s0, $0x3  }
0x18: {  	v4 =	vadd.s32 $0xF, v4;
	vm0 =	veq.s32 v1, v0;
	v1 =	vimm.f32 $+Inf;
	s15 =	simm.s32 $0x2000;
	s12 =	sadd.s32 s13, s1;
	s13 =	sadd.s32 s13, s0  }
.LBB2_9:
0x19: {  	s0 =	simm.s32 $0x6480  }
0x1a: {  	[hbm4b:s11+s3] =	stream.linear.scatter [tilespmem:s0], [sflag:$0x1], $0x2000, $0x38;
	[tilespmem:$0xC480] =	vst v63  }
0x1b: {  	_ =	swait.ge [sflag:s4], $0x2000  }
0x1c: {  	[sflag:s4] =	ssyncset.done $0x0  }
0x1d: {  	[sflag:s4] =	ssyncadd.s32 $0xFFFFE000  }
0x1e: {  	[hbm4b:s12+s3] =	stream.linear.scatter [tilespmem:s22], [sflag:$0x1], $0x2000, $0x38;
	[tilespmem:$0xC480] =	vst v63  }
0x1f: {  	s24 =	sadd.s32 $0x1, s24;
	_ =	swait.ge [sflag:s4], $0x2000  }
0x20: {  	p0 =	sne.s32 s24, s14;
	[sflag:s4] =	ssyncset.done $0x0  }
.Ltmp1:
0x21: {  	[sflag:s4] =	ssyncadd.s32 $0xFFFFE000;
	(pc) =	sbr.rel @!p0 .LBB2_10-.Ltmp1, $4  }
0x22: {  	[hbm4b:s13+s3] =	stream.linear.scatter [tilespmem:s23], [sflag:$0x1], $0x2000, $0x38;
	[tilespmem:$0xC480] =	vst v63  }
0x23: {  	_ =	swait.ge [sflag:s4], $0x2000  }
0x24: {  	[sflag:s4] =	ssyncset.done $0x0  }
0x25: {  	[sflag:s4] =	ssyncadd.s32 $0xFFFFE000  }
.LBB2_1:
0x26: {  	[tilespmem:s3], [sflag:$0x1] =	stream.linear.gather [hbm4b:s5+s3], $0x2000, $0x38;
	[tilespmem:$0xC480] =	vst v63  }
0x27: {  	_ =	swait.ge [sflag:s4], $0x2000  }
0x28: {  	[sflag:s4] =	ssyncset.done $0x0  }
0x29: {  	[sflag:s4] =	ssyncadd.s32 $0xFFFFE000  }
0x2a: {  	[tilespmem:s15], [sflag:$0x1] =	stream.linear.gather [hbm4b:s6+s3], $0x2000, $0x38;
	[tilespmem:$0xC480] =	vst v63  }
0x2b: {  	_ =	swait.ge [sflag:s4], $0x2000  }
0x2c: {  	[sflag:s4] =	ssyncset.done $0x0  }
0x2d: {  	[sflag:s4] =	ssyncadd.s32 $0xFFFFE000  }
0x2e: {  	[tilespmem:s16], [sflag:$0x1] =	stream.linear.gather [hbm4b:s7+s3], $0x2000, $0x38;
	[tilespmem:$0xC480] =	vst v63  }
0x2f: {  	_ =	swait.ge [sflag:s4], $0x2000  }
0x30: {  	[sflag:s4] =	ssyncset.done $0x0  }
0x31: {  	[sflag:s4] =	ssyncadd.s32 $0xFFFFE000  }
0x32: {  	[tilespmem:s17], [sflag:$0x1] =	stream.linear.gather [hbm4b:s8+s3], $0x100, $0x38;
	[tilespmem:$0xC480] =	vst v63  }
0x33: {  	_ =	swait.ge [sflag:s4], $0x100  }
0x34: {  	[sflag:s4] =	ssyncset.done $0x0  }
0x35: {  	[sflag:s4] =	ssyncadd.s32 $0xFFFFFF00  }
0x36: {  	[tilespmem:s18], [sflag:$0x1] =	stream.linear.gather [hbm4b:s9+s3], $0x100, $0x38;
	[tilespmem:$0xC480] =	vst v63  }
0x37: {  	_ =	swait.ge [sflag:s4], $0x100  }
0x38: {  	[sflag:s4] =	ssyncset.done $0x0  }
0x39: {  	[sflag:s4] =	ssyncadd.s32 $0xFFFFFF00  }
0x3a: {  	[tilespmem:s19], [sflag:$0x1] =	stream.linear.gather [hbm4b:s10+s3], $0x100, $0x38;
	[tilespmem:$0xC480] =	vst v63  }
0x3b: {  	_ =	swait.ge [sflag:s4], $0x100  }
0x3c: {  	[sflag:s4] =	ssyncset.done $0x0  }
0x3d: {  	[sflag:s4] =	ssyncadd.s32 $0xFFFFFF00  }
0x3e: {  	s1 =	simm.s32 $0x6400;
	s0 =	rddreg [dreg:$0x1]  }
0x3f: {  	[tilespmem:s1], [sflag:$0x1] =	stream.linear.gather [hbm4b:s0+s3], $0x80, $0x38;
	[tilespmem:$0xC480] =	vst v63  }
0x40: {  	_ =	swait.ge [sflag:s4], $0x80  }
0x41: {  	[sflag:s4] =	ssyncset.done $0x0  }
0x42: {  	[sflag:s4] =	ssyncadd.s32 $0xFFFFFF80  }
0x43: {  	v5 =	vld [tilespmem:$0x6400];
	_ =	sdelay $0x4  }
0x44: {  	v5 =	vcvt.s32.f32 v5;
	_ =	sdelay $0x1  }
0x45: {  	v5 =	vnsel vm0, $0x0, v5  }
0x46: {  	(xrf0) =	vmax.scan.msk.f32 $0xffff, v5;
	_ =	sdelay $0x5  }
0x47: {  	v5, _, _ =	vpop (xrf0)  }
0x48: {  	(v2sf) =	vpush v5, $0xF;
	_ =	sdelay $0xe  }
0x49: {  	s29 =	spop (v2sf)  }
0x4a: {  	s0 =	scvt.f32.s32 s29;
	_ =	sdelay $0x1  }
0x4b: {  	s30 =	sadd.s32 $0xF, s0  }
0x4c: {  	s2 =	sand.u32 $0xF, s30  }
0x4d: {  	s31 =	sshra.s32 s30, $0x1F;
	p1 =	slt.s32 s30, $0x1;
	p0 =	sne.s32 s2, $0x0  }
.Ltmp2:
0x4e: {  	s2 =	sshrl.u32 s31, $0x1C;
	p0 =	por !p1, !p0;
	(pc) =	sbr.rel .LBB2_2-.Ltmp2, $4  }
0x4f: {  	s1 =	sadd.s32 s2, s30;
	s2 =	simm.s32 $0x1;
	p0 =	por !p0, !p0  }
0x50: {  	s1 =	sshra.s32 s1, $0x4;
	s2 =	simm.s32 @!p0 $0x0  }
0x51: {  	s1 =	ssub.s32 s1, s2  }
0x52: {  	s26 =	simm.s32 $0x0;
	v5 =	vmov s0;
	p0 =	slt.s32 s1, $0x1  }
.LBB2_8:
0x53: {  	v9 =	vld [tilespmem:$0x6300]  }
0x54: {  	v10 =	vld [tilespmem:$0x6380]  }
0x55: {  	v11 =	vld [tilespmem:$0x6310]  }
0x56: {  	v12 =	vld [tilespmem:$0x6390]  }
0x57: {  	v13 =	vld [tilespmem:$0x6320]  }
0x58: {  	v14 =	vld [tilespmem:$0x63A0]  }
0x59: {  	v15 =	vld [tilespmem:$0x6330]  }
0x5a: {  	v16 =	vld [tilespmem:$0x63B0];
	_ =	sdelay $0x1  }
0x5b: {  	(xrf1) =	vsort.ascd.msk.f32 $0xffff, v9, v10  }
0x5c: {  	(xrf1) =	vsort.ascd.msk.f32 $0xffff, v11, v12  }
0x5d: {  	(xrf1) =	vsort.ascd.msk.f32 $0xffff, v13, v14  }
0x5e: {  	(xrf1) =	vsort.ascd.msk.f32 $0xffff, v15, v16;
	_ =	sdelay $0x5  }
0x5f: {  	v30 =	vld [tilespmem:$0x6340]  }
0x60: {  	v31 =	vld [tilespmem:$0x63C0]  }
0x61: {  	v32 =	vld [tilespmem:$0x6350]  }
0x62: {  	v35 =	vld [tilespmem:$0x63D0];
	_ =	sdelay $0x1  }
0x63: {  	v33, v34, _ =	vpop (xrf1)  }
0x64: {  	v15, v16, _ =	vpop (xrf1)  }
0x65: {  	(xrf1) =	vsort.ascd.msk.f32 $0xffff, v30, v31;
	v15 =	vperm.xlane v15, v4;
	v17, v18, _ =	vpop (xrf1)  }
0x66: {  	(xrf1) =	vsort.ascd.msk.f32 $0xffff, v32, v35;
	v36 =	vperm.xlane v16, v4;
	v19, v20, _ =	vpop (xrf1)  }
0x67: {  	vm1 =	vle.f32 v33, v15;
	v38 =	vperm.xlane v19, v4;
	v40 =	vperm.xlane v20, v4  }
0x68: {  	v37 =	vsel vm1, v33, v15;
	v39 =	vsel vm1, v34, v36;
	v12 =	vsel vm1, v15, v33  }
0x69: {  	v9 =	vsel vm1, v36, v34;
	(xrf1) =	vsort.ascd.msk.f32 $0xffff, v37, v39;
	vm1 =	vle.f32 v17, v38  }
0x6a: {  	(xrf1) =	vsort.ascd.msk.f32 $0xffff, v12, v9;
	v41 =	vsel vm1, v17, v38;
	v42 =	vsel vm1, v18, v40  }
0x6b: {  	v11 =	vsel vm1, v38, v17;
	v43 =	vsel vm1, v40, v18;
	(xrf1) =	vsort.ascd.msk.f32 $0xffff, v41, v42  }
0x6c: {  	(xrf1) =	vsort.ascd.msk.f32 $0xffff, v11, v43;
	_ =	sdelay $0x8  }
0x6d: {  	v9, v10, _ =	vpop (xrf1)  }
0x6e: {  	v11, v12, _ =	vpop (xrf1)  }
0x6f: {  	v11 =	vperm.xlane v11, v4;
	v44, v14, _ =	vpop (xrf1)  }
0x70: {  	v46, v45, _ =	vpop (xrf1)  }
0x71: {  	v12 =	vperm.xlane v12, v4;
	vm1 =	vle.f32 v9, v11;
	v47, v48, _ =	vpop (xrf1)  }
0x72: {  	v21 =	vsel vm1, v9, v11;
	v49, v50, _ =	vpop (xrf1)  }
0x73: {  	v22 =	vsel vm1, v10, v12;
	v17 =	vperm.xlane v47, v4;
	v19 =	vperm.xlane v49, v4  }
0x74: {  	v9 =	vsel vm1, v11, v9;
	v10 =	vsel vm1, v12, v10;
	v52 =	vperm.xlane v48, v4  }
0x75: {  	v51 =	vperm.xlane v50, v4;
	vm2 =	vle.f32 v46, v17;
	vm1 =	vle.f32 v44, v19  }
0x76: {  	(xrf1) =	vsort.ascd.msk.f32 $0xffff, v21, v22;
	v15 =	vsel vm2, v46, v17;
	v13 =	vsel vm1, v44, v19  }
0x77: {  	v12 =	vsel vm2, v45, v52;
	v11 =	vsel vm1, v14, v51;
	vm1 =	vle.f32 v13, v15  }
0x78: {  	(xrf1) =	vsort.ascd.msk.f32 $0xffff, v9, v10;
	v53 =	vsel vm1, v13, v15;
	v54 =	vsel vm1, v11, v12  }
0x79: {  	v13 =	vsel vm1, v15, v13;
	v11 =	vsel vm1, v12, v11;
	(xrf1) =	vsort.ascd.msk.f32 $0xffff, v53, v54  }
0x7a: {  	(xrf1) =	vsort.ascd.msk.f32 $0xffff, v13, v11;
	_ =	sdelay $0xa  }
0x7b: {  	v9, v10, _ =	vpop (xrf1)  }
0x7c: {  	v55, v12, _ =	vpop (xrf1)  }
0x7d: {  	v9 =	vperm.xlane v9, v4;
	v11 =	vperm.xlane v55, v4;
	v57, v56, _ =	vpop (xrf1)  }
0x7e: {  	v10 =	vperm.xlane v10, v4;
	v59, v58, _ =	vpop (xrf1)  }
0x7f: {  	v12 =	vperm.xlane v12, v4;
	vm1 =	vle.f32 v57, v11;
	vm2 =	vle.f32 v59, v9  }
0x80: {  	v11 =	vsel vm1, v57, v11;
	v9 =	vsel vm2, v59, v9  }
0x81: {  	v12 =	vsel vm1, v56, v12;
	v10 =	vsel vm2, v58, v10;
	vm1 =	vle.f32 v11, v9  }
0x82: {  	v13 =	vsel vm1, v11, v9;
	v14 =	vsel vm1, v12, v10  }
0x83: {  	(xrf1) =	vsort.ascd.msk.f32 $0xffff, v13, v14;
	_ =	sdelay $0x5  }
0x84: {  	v9 =	vsel vm1, v9, v11;
	v10 =	vsel vm1, v10, v12  }
0x85: {  	(xrf1) =	vsort.ascd.msk.f32 $0xffff, v9, v10;
	_ =	sdelay $0x4  }
0x86: {  	[tilespmem:$0x6320] =	vst v1  }
0x87: {  	[tilespmem:$0x63A0] =	vst v2  }
0x88: {  	[tilespmem:$0x6330] =	vst v1;
	v9, v10, _ =	vpop (xrf1)  }
0x89: {  	[tilespmem:$0x6380] =	vst v10  }
0x8a: {  	[tilespmem:$0x63B0] =	vst v2;
	v62 =	vld [tilespmem:$0x6380]  }
0x8b: {  	[tilespmem:$0x6340] =	vst v1  }
0x8c: {  	[tilespmem:$0x63C0] =	vst v2  }
0x8d: {  	[tilespmem:$0x6350] =	vst v1  }
0x8e: {  	[tilespmem:$0x63D0] =	vst v2  }
0x8f: {  	[tilespmem:$0x6300] =	vst v9;
	v61, v60, _ =	vpop (xrf1)  }
0x90: {  	[tilespmem:$0x6310] =	vst v61  }
0x91: {  	[tilespmem:$0x6390] =	vst v60  }
0x92: {  	v10 =	vld.idx.msk [tilespmem:v62+s3+$0x0], $0xffff  }
0x93: {  	v11 =	vld.idx.msk [tilespmem:v62+s15+$0x0], $0xffff  }
0x94: {  	v9 =	vld.idx.msk [tilespmem:v62+s16+$0x0], $0xffff;
	_ =	sdelay $0x2  }
0x95: {  	v10 =	vsub.f32 v10, v6  }
0x96: {  	s0 =	sshll.u32 s26, $0x5;
	v11 =	vsub.f32 v11, v7  }
0x97: {  	v9 =	vsub.f32 v9, v8;
	[tilespmem:s0+$0x6480] =	vst v10  }
0x98: {  	[tilespmem:s0+$0x8480] =	vst v11  }
0x99: {  	[tilespmem:s0+$0xA480] =	vst v9  }
0x9a: {  	v9 =	vld [tilespmem:$0x6390];
	_ =	sdelay $0x7  }
0x9b: {  	v10 =	vld.idx.msk [tilespmem:v9+s3+$0x0], $0xffff  }
0x9c: {  	v11 =	vld.idx.msk [tilespmem:v9+s15+$0x0], $0xffff  }
0x9d: {  	v9 =	vld.idx.msk [tilespmem:v9+s16+$0x0], $0xffff  }
0x9e: {  	s26 =	sadd.s32 $0x1, s26  }
0x9f: {  	p1 =	sne.s32 s26, $0x100  }
.Ltmp3:
0xa0: {  	v6 =	vsub.f32 v10, v6;
	(pc) =	sbr.rel @!p1 .LBB2_9-.Ltmp3, $4  }
0xa1: {  	v7 =	vsub.f32 v11, v7  }
0xa2: {  	v63 =	vsub.f32 v9, v8;
	[tilespmem:s0+$0x6490] =	vst v6  }
0xa3: {  	[tilespmem:s0+$0x8490] =	vst v7  }
0xa4: {  	[tilespmem:s0+$0xA490] =	vst v63  }
.LBB2_2:
0xa5: {  	v8 =	vmov s26;
	_ =	sdelay $0x4  }
0xa6: {  	v6 =	vld.idx.msk [tilespmem:v8+s17+$0x0], $0xffff  }
0xa7: {  	v7 =	vld.idx.msk [tilespmem:v8+s18+$0x0], $0xffff  }
0xa8: {  	v8 =	vld.idx.msk [tilespmem:v8+s19+$0x0], $0xffff;
	[tilespmem:$0x6300] =	vst v1  }
0xa9: {  	[tilespmem:$0x6380] =	vst v2  }
0xaa: {  	[tilespmem:$0x6310] =	vst v1  }
0xab: {  	[tilespmem:$0x6390] =	vst v2  }
0xac: {  	[tilespmem:$0x6320] =	vst v1  }
0xad: {  	[tilespmem:$0x63A0] =	vst v2  }
0xae: {  	[tilespmem:$0x6330] =	vst v1  }
.Ltmp4:
0xaf: {  	[tilespmem:$0x63B0] =	vst v2;
	(pc) =	sbr.rel @p0 .LBB2_8-.Ltmp4, $4  }
0xb0: {  	[tilespmem:$0x6340] =	vst v1  }
0xb1: {  	[tilespmem:$0x63C0] =	vst v2  }
0xb2: {  	[tilespmem:$0x6350] =	vst v1  }
0xb3: {  	[tilespmem:$0x63D0] =	vst v2  }
.Ltmp5:
0xb4: {  	(pc) =	sbr.rel .LBB2_4-.Ltmp5, $4  }
0xb5: {  	_ = 	snop  }
0xb6: {  	s0 =	simm.f32 $+Inf  }
0xb7: {  	s28 =	simm.s32 $0x0;
	s29 =	simm.s32 $0x2000;
	s30 =	simm.s32 $0x4000  }
0xb8: {  	s31 =	simm.s32 $0x0;
	s25 =	smov.u32 s1;
	s2 =	simm.s32 $0x0  }
.LBB2_6:
0xb9: {  	v9 =	vld [tilespmem:$0x6300]  }
0xba: {  	v10 =	vld [tilespmem:$0x6380]  }
0xbb: {  	v11 =	vld [tilespmem:$0x6310]  }
0xbc: {  	v12 =	vld [tilespmem:$0x6390]  }
0xbd: {  	v13 =	vld [tilespmem:$0x6320]  }
0xbe: {  	v14 =	vld [tilespmem:$0x63A0]  }
0xbf: {  	v15 =	vld [tilespmem:$0x6330]  }
0xc0: {  	v16 =	vld [tilespmem:$0x63B0];
	_ =	sdelay $0x1  }
0xc1: {  	(xrf1) =	vsort.ascd.msk.f32 $0xffff, v9, v10  }
0xc2: {  	(xrf1) =	vsort.ascd.msk.f32 $0xffff, v11, v12  }
0xc3: {  	(xrf1) =	vsort.ascd.msk.f32 $0xffff, v13, v14  }
0xc4: {  	(xrf1) =	vsort.ascd.msk.f32 $0xffff, v15, v16;
	_ =	sdelay $0x5  }
0xc5: {  	v46 =	vld [tilespmem:$0x63D0]  }
0xc6: {  	v9 =	vld [tilespmem:$0x6340]  }
0xc7: {  	v10 =	vld [tilespmem:$0x63C0]  }
0xc8: {  	v11 =	vld [tilespmem:$0x6350];
	_ =	sdelay $0x1  }
0xc9: {  	v44, v45, _ =	vpop (xrf1)  }
0xca: {  	v15, v16, _ =	vpop (xrf1)  }
0xcb: {  	(xrf1) =	vsort.ascd.msk.f32 $0xffff, v9, v10;
	v15 =	vperm.xlane v15, v4;
	v17, v18, _ =	vpop (xrf1)  }
0xcc: {  	(xrf1) =	vsort.ascd.msk.f32 $0xffff, v11, v46;
	v9 =	vperm.xlane v16, v4;
	v19, v20, _ =	vpop (xrf1)  }
0xcd: {  	vm1 =	vle.f32 v44, v15;
	v11 =	vperm.xlane v19, v4;
	v48 =	vperm.xlane v20, v4  }
0xce: {  	v10 =	vsel vm1, v44, v15;
	v47 =	vsel vm1, v45, v9;
	v12 =	vsel vm1, v15, v44  }
0xcf: {  	v9 =	vsel vm1, v9, v45;
	(xrf1) =	vsort.ascd.msk.f32 $0xffff, v10, v47;
	vm1 =	vle.f32 v17, v11  }
0xd0: {  	(xrf1) =	vsort.ascd.msk.f32 $0xffff, v12, v9;
	v9 =	vsel vm1, v17, v11;
	v10 =	vsel vm1, v18, v48  }
0xd1: {  	v11 =	vsel vm1, v11, v17;
	v49 =	vsel vm1, v48, v18;
	(xrf1) =	vsort.ascd.msk.f32 $0xffff, v9, v10  }
0xd2: {  	(xrf1) =	vsort.ascd.msk.f32 $0xffff, v11, v49;
	_ =	sdelay $0x8  }
0xd3: {  	v9, v10, _ =	vpop (xrf1)  }
0xd4: {  	v11, v12, _ =	vpop (xrf1)  }
0xd5: {  	v11 =	vperm.xlane v11, v4;
	v50, v14, _ =	vpop (xrf1)  }
0xd6: {  	v52, v51, _ =	vpop (xrf1)  }
0xd7: {  	v12 =	vperm.xlane v12, v4;
	vm1 =	vle.f32 v9, v11;
	v53, v54, _ =	vpop (xrf1)  }
0xd8: {  	v21 =	vsel vm1, v9, v11;
	v55, v56, _ =	vpop (xrf1)  }
0xd9: {  	v22 =	vsel vm1, v10, v12;
	v17 =	vperm.xlane v53, v4;
	v19 =	vperm.xlane v55, v4  }
0xda: {  	v9 =	vsel vm1, v11, v9;
	v10 =	vsel vm1, v12, v10;
	v57 =	vperm.xlane v54, v4  }
0xdb: {  	v11 =	vperm.xlane v56, v4;
	vm2 =	vle.f32 v52, v17;
	vm1 =	vle.f32 v50, v19  }
0xdc: {  	(xrf1) =	vsort.ascd.msk.f32 $0xffff, v21, v22;
	v15 =	vsel vm2, v52, v17;
	v13 =	vsel vm1, v50, v19  }
0xdd: {  	v12 =	vsel vm2, v51, v57;
	v11 =	vsel vm1, v14, v11;
	vm1 =	vle.f32 v13, v15  }
0xde: {  	(xrf1) =	vsort.ascd.msk.f32 $0xffff, v9, v10;
	v9 =	vsel vm1, v13, v15;
	v10 =	vsel vm1, v11, v12  }
0xdf: {  	v13 =	vsel vm1, v15, v13;
	v11 =	vsel vm1, v12, v11;
	(xrf1) =	vsort.ascd.msk.f32 $0xffff, v9, v10  }
0xe0: {  	(xrf1) =	vsort.ascd.msk.f32 $0xffff, v13, v11;
	_ =	sdelay $0xa  }
0xe1: {  	v9, v10, _ =	vpop (xrf1)  }
0xe2: {  	v11, v12, _ =	vpop (xrf1)  }
0xe3: {  	v9 =	vperm.xlane v9, v4;
	v11 =	vperm.xlane v11, v4;
	v59, v58, _ =	vpop (xrf1)  }
0xe4: {  	v10 =	vperm.xlane v10, v4;
	v61, v60, _ =	vpop (xrf1)  }
0xe5: {  	v12 =	vperm.xlane v12, v4;
	vm1 =	vle.f32 v59, v11;
	vm2 =	vle.f32 v61, v9  }
0xe6: {  	v11 =	vsel vm1, v59, v11;
	v9 =	vsel vm2, v61, v9  }
0xe7: {  	v12 =	vsel vm1, v58, v12;
	v10 =	vsel vm2, v60, v10;
	vm1 =	vle.f32 v11, v9  }
0xe8: {  	v13 =	vsel vm1, v11, v9;
	v14 =	vsel vm1, v12, v10  }
0xe9: {  	v9 =	vsel vm1, v9, v11;
	v10 =	vsel vm1, v10, v12;
	(xrf1) =	vsort.ascd.msk.f32 $0xffff, v13, v14  }
0xea: {  	(xrf1) =	vsort.ascd.msk.f32 $0xffff, v9, v10;
	_ =	sdelay $0xc  }
0xeb: {  	v9, v10, _ =	vpop (xrf1)  }
0xec: {  	v11, v62, _ =	vpop (xrf1)  }
0xed: {  	(xrf0) =	vmax.scan.msk.f32 $0xffff, v11;
	_ =	sdelay $0x5  }
0xee: {  	v63, _, _ =	vpop (xrf0)  }
0xef: {  	(v2sf) =	vpush v63, $0xF;
	_ =	sdelay $0x3  }
0xf0: {  	[tilespmem:$0x6320] =	vst v1  }
0xf1: {  	[tilespmem:$0x63A0] =	vst v2  }
0xf2: {  	[tilespmem:$0x6330] =	vst v1  }
0xf3: {  	[tilespmem:$0x63B0] =	vst v2  }
0xf4: {  	[tilespmem:$0x63D0] =	vst v2  }
0xf5: {  	[tilespmem:$0x6340] =	vst v1  }
0xf6: {  	[tilespmem:$0x63C0] =	vst v2  }
0xf7: {  	[tilespmem:$0x6350] =	vst v1  }
0xf8: {  	[tilespmem:$0x6300] =	vst v9  }
0xf9: {  	[tilespmem:$0x6380] =	vst v10  }
0xfa: {  	[tilespmem:$0x6310] =	vst v11  }
0xfb: {  	s2 =	simm.s32 $0x20;
	[tilespmem:$0x6390] =	vst v62;
	s0 =	spop (v2sf)  }
.LBB2_7:
0xfc: {  	s25 =	sadd.s32 $0xFFFFFFFF, s25  }
0xfd: {  	p1 =	sne.s32 s25, $0x0  }
.Ltmp6:
0xfe: {  	_ = 	snop;
	(pc) =	sbr.rel @!p1 .LBB2_8-.Ltmp6, $3  }
0xff: {  	_ =	sdelay $0x1  }
0x100: {  	s31 =	sadd.s32 $0x10, s31  }
0x101: {  	s29 =	sadd.s32 $0x10, s29;
	s30 =	sadd.s32 $0x10, s30;
	s28 =	sadd.s32 $0x10, s28  }
.LBB2_4:
0x102: {  	v9 =	vld [tilespmem:s31+$0x0]  }
0x103: {  	v10 =	vld [tilespmem:s29+$0x0];
	_ =	sdelay $0x1  }
0x104: {  	v11 =	vld [tilespmem:s30+$0x0];
	_ =	sdelay $0x2  }
0x105: {  	v9 =	vsub.f32 v9, v6;
	v10 =	vsub.f32 v10, v7;
	_ =	sdelay $0x1  }
0x106: {  	v11 =	vsub.f32 v11, v8;
	v9 =	vmul.f32 v9, v9;
	v10 =	vmul.f32 v10, v10;
	_ =	sdelay $0x1  }
0x107: {  	v9 =	vadd.f32 v10, v9;
	v10 =	vmul.f32 v11, v11;
	_ =	sdelay $0x1  }
0x108: {  	v9 =	vadd.f32 v10, v9  }
0x109: {  	v10 =	vor.u32 s28, v0  }
0x10a: {  	vm2 =	vlt.s32 v10, v5;
	vm1 =	vlt.f32 v9, s0  }
0x10b: {  	vm1 =	vmand vm2, vm1  }
0x10c: {  	v11 =	vsel vm1, $0x3F800000, v3  }
0x10d: {  	(xrf0) =	vmax.scan.msk.f32 $0xffff, v11;
	_ =	sdelay $0x5  }
0x10e: {  	v11, _, _ =	vpop (xrf0)  }
0x10f: {  	(v2sf) =	vpush v11, $0xF;
	_ =	sdelay $0xe  }
0x110: {  	s20 =	spop (v2sf)  }
0x111: {  	p1 =	sgt.f32 s20, $0.0e+00;
	_ =	sdelay $0x1  }
0x112: {  	v11 =	vimm.s32 @p1 $0x0  }
0x113: {  	v11 =	vsel @p1 vm1, $0x1, v11  }
0x114: {  	(xrf0) =	vadd.scan.msk.s32 @p1 $0xffff, v11;
	_ =	sdelay $0x5  }
0x115: {  	v11, _, _ =	vpop @p1 (xrf0)  }
0x116: {  	v12 =	vcvt.s32.f32 @p1 v11;
	_ =	sdelay $0x1  }
0x117: {  	(xrf0) =	vmax.scan.msk.f32 @p1 $0xffff, v12;
	_ =	sdelay $0x5  }
0x118: {  	v12, _, _ =	vpop @p1 (xrf0)  }
0x119: {  	(v2sf) =	vpush @p1 v12, $0xF;
	_ =	sdelay $0xe  }
0x11a: {  	v12 =	vmov @p1 s2;
	s20 =	spop @p1 (v2sf)  }
0x11b: {  	v12 =	vadd.s32 @p1 $0xFFFFFFFF, v12;
	s20 =	scvt.f32.s32 @p1 s20  }
0x11c: {  	v12 =	vbroadcast @p1 v12, $0x0  }
0x11d: {  	s20 =	sadd.s32 @p1 s20, s2  }
0x11e: {  	v11 =	vadd.s32 @p1 v11, v12;
	p2 =	slt.s32 @p1 s20, $0x41  }
0x11f: {  	p2 =	por !p1, p2  }
.Ltmp7:
0x120: {  	_ = 	snop;
	(pc) =	sbr.rel @!p2 .LBB2_6-.Ltmp7, $4  }
0x121: {  	_ = 	snop  }
0x122: {  	s21 =	simm.s32 @p1 $0x6300  }
0x123: {  	[tilespmem:v11+s21+$0x0] =	vst.idx.msk @p1 vm1, v9;
	s21 =	simm.s32 @p1 $0x6380  }
0x124: {  	[tilespmem:v11+s21+$0x0] =	vst.idx.msk @p1 vm1, v10  }
.Ltmp8:
0x125: {  	(pc) =	sbr.rel .LBB2_7-.Ltmp8, $2  }
0x126: {  	_ =	sdelay $0x2  }
0x127: {  	s2 =	smov.u32 @p1 s20;
	s0 =	smov.u32 @p1 s0  }
.LBB2_10:
0x128: {  	_ =	sfence.sel $0x180000  }
0x129: {  	[bflag:$0x0] =	sbarrier.arrive $0xFFFF  }
0x12a: {  	_ =	strace $0x9000004A  }
0x12b: {  	s0 =	stileid.u32;
	[bflag:$0x2] =	sbarrier.arrive $0xFFFF  }
0x12c: {  	p0 =	sne.s32 s0, $0x0;
	s0 =	rddreg [dreg:$0x3]  }
0x12d: {  	s0 =	sadd.s32 @!p0 $0x100000, s0  }
0x12e: {  	[sflag:s0] =	ssyncadd.tile.s32 @!p0 $0x1;
	_ =	shalt  }
.Lfunc_end2:
_tile_overlayer_lowered:
.L_overlay_start_2:
0x12f: {  	(tag) =	ssettag $0x2  }
0x130: {  	s0 =	rddreg [dreg:$0x0];
	s2 =	stileid.u32  }
0x131: {  	s1 =	rddreg [dreg:$0x1];
	p0 =	sne.s32 s2, $0x0  }
0x132: {  	s3 =	rddreg [dreg:$0x2];
	[bflag:$0x3] =	sbarrier.arrive $0xFFFF;
	s2 =	simm.s32 @!p0 $0x1C01  }
0x133: {  	[timem:s3], [sflag:s2] =	dma.local @!p0 [hbm:s0], s1  }
0x134: {  	s0 =	simm.s32 @!p0 $0x1  }
0x135: {  	_ =	swait.ge @!p0 [sflag:s0], s1  }
0x136: {  	s1 =	ssub.s32 @!p0 $0x0, s1;
	[sflag:s0] =	ssyncset.done @!p0 $0x0  }
0x137: {  	[sflag:s0] =	ssyncadd.s32 @!p0 s1  }
0x138: {  	[bflag:$0x3] =	sbarrier.arrive $0xFFFF  }
0x139: {  	_ =	shalt  }

</sc_bundles>
